<compile_context>
chip_gen: v7x
topology: tpu7x:2x2x1
jax: 0.10.2.dev20260603
libtpu: 0.0.44.dev20260713+nightly
codegen_flags: <defaults>
</compile_context>

<pallas_src>
import functools

import jax
import jax.numpy as jnp
import numpy as np
from jax import lax
from jax.experimental import pallas as pl
from jax.experimental.pallas import tpu as pltpu
from jax.experimental.pallas import tpu_sc as plsc

D = 256
HEADS = 4
DH = 64
BUCKET = 128
N_HASHES = 2
NEG = -1e9


def _lin(x, p):
    return x @ p['W'] + p['b']


def _layernorm(x, g, b):
    mu = x.mean(-1, keepdims=True)
    var = ((x - mu) ** 2).mean(-1, keepdims=True)
    return (x - mu) / jnp.sqrt(var + 1e-5) * g + b


def _k1_body(nbuck, bn, x_ref, ww_ref, bw_ref, wqk_ref, wv_ref, rm_ref,
             hpb_ref, qkvh_ref, bkt_ref):
    x = x_ref[...]
    h = jnp.dot(x, ww_ref[...], preferred_element_type=jnp.float32)
    h = jnp.maximum(h + bw_ref[...], 0.0)
    hpb_ref[...] = h
    qk = jnp.dot(h, wqk_ref[...], preferred_element_type=jnp.float32)
    v = jnp.dot(h, wv_ref[...], preferred_element_type=jnp.float32)
    for hh in range(HEADS):
        sl = slice(hh * DH, (hh + 1) * DH)
        qkvh_ref[hh] = jnp.concatenate([qk[:, sl], v[:, sl]], axis=-1)
    rotated = jnp.dot(qk, rm_ref[...], preferred_element_type=jnp.float32)
    iota = jax.lax.broadcasted_iota(jnp.int32, (bn, nbuck), 1)
    cols = []
    for s in range(HEADS * N_HASHES):
        seg = rotated[:, s * nbuck:(s + 1) * nbuck]
        mx = jnp.max(seg, axis=-1, keepdims=True)
        idx = jnp.min(jnp.where(seg >= mx, iota, nbuck), axis=-1,
                      keepdims=True)
        cols.append(idx)
    bkt_ref[...] = jnp.concatenate(cols, axis=-1)


def _run_k1(x_path, p, rmat, bn):
    n = x_path.shape[0]
    nbuck = rmat.shape[1] // (HEADS * N_HASHES)
    grid = (n // bn,)
    kfn = functools.partial(_k1_body, nbuck, bn)
    return pl.pallas_call(
        kfn,
        grid=grid,
        in_specs=[
            pl.BlockSpec((bn, x_path.shape[1]), lambda i: (i, 0)),
            pl.BlockSpec((x_path.shape[1], D), lambda i: (0, 0)),
            pl.BlockSpec((1, D), lambda i: (0, 0)),
            pl.BlockSpec((D, D), lambda i: (0, 0)),
            pl.BlockSpec((D, D), lambda i: (0, 0)),
            pl.BlockSpec((D, rmat.shape[1]), lambda i: (0, 0)),
        ],
        out_specs=[
            pl.BlockSpec((bn, D), lambda i: (i, 0)),
            pl.BlockSpec((HEADS, bn, 2 * DH), lambda i: (0, i, 0)),
            pl.BlockSpec((bn, HEADS * N_HASHES), lambda i: (i, 0)),
        ],
        out_shape=[
            jax.ShapeDtypeStruct((n, D), jnp.float32),
            jax.ShapeDtypeStruct((HEADS, n, 2 * DH), jnp.float32),
            jax.ShapeDtypeStruct((n, HEADS * N_HASHES), jnp.int32),
        ],
        compiler_params=pltpu.CompilerParams(
            dimension_semantics=("parallel",)),
    )(x_path, p['wsi']['W'], p['wsi']['b'].reshape(1, D),
      p['lsh']['qk'], p['lsh']['v'], rmat)


def _sc_gather_rows(table, idx, chunk):
    total = idx.shape[0]
    width = table.shape[1]
    info = plsc.get_sparse_core_info()
    nw = info.num_cores * info.num_subcores
    per_w = total // nw
    nchunks = per_w // chunk
    mesh = plsc.VectorSubcoreMesh(core_axis_name="c", subcore_axis_name="s")

    @functools.partial(
        pl.kernel, mesh=mesh,
        out_type=jax.ShapeDtypeStruct((total, width), jnp.float32),
        scratch_types=[
            pltpu.VMEM((chunk,), jnp.int32),
            pltpu.VMEM((chunk, width), jnp.float32),
            pltpu.SemaphoreType.DMA,
        ],
    )
    def k(table_ref, idx_ref, out_ref, idxv, rows, sem):
        wid = lax.axis_index("s") * info.num_cores + lax.axis_index("c")
        base = wid * per_w

        def body(g, carry):
            off = base + g * chunk
            pltpu.sync_copy(idx_ref.at[pl.ds(off, chunk)], idxv)
            pltpu.async_copy(table_ref.at[idxv], rows, sem).wait()
            pltpu.sync_copy(rows, out_ref.at[pl.ds(off, chunk)])
            return carry

        jax.lax.fori_loop(0, nchunks, body, 0)

    return k(table, idx)


def _k3_body(rows, sqv_ref, sqvp_ref, pq_ref, pk_ref, pkp_ref,
             mk_ref, mkp_ref, o_ref, lse_ref):
    def nrm(t):
        return t / (jnp.sqrt(jnp.sum(t * t, -1, keepdims=True)) + 1e-6)

    for hh in range(rows):
        cur = sqv_ref[hh, 0]
        prv = sqvp_ref[hh, 0]
        cq = cur[:, :DH]
        ck2 = jnp.concatenate([nrm(cq), nrm(prv[:, :DH])], axis=0)
        cv2 = jnp.concatenate([cur[:, DH:], prv[:, DH:]], axis=0)
        dots = jax.lax.dot_general(cq, ck2, (((1,), (1,)), ((), ())),
                                   preferred_element_type=jnp.float32)
        dots = dots * (1.0 / np.sqrt(DH))
        pq = pq_ref[hh, 0]
        pk = jnp.concatenate([pk_ref[hh, 0], pkp_ref[hh, 0]], axis=1)
        dots = dots - 1e5 * (pq == pk).astype(jnp.float32)
        mk = jnp.concatenate([mk_ref[hh, 0], mkp_ref[hh, 0]], axis=1)
        dots = jnp.where(mk != 0, dots, NEG)
        m = jnp.max(dots, -1, keepdims=True)
        ex = jnp.exp(dots - m)
        s = jnp.sum(ex, -1, keepdims=True)
        lse_ref[hh, 0] = m + jnp.log(s)
        o_ref[hh, 0] = jax.lax.dot_general(
            ex / s, cv2, (((1,), (0,)), ((), ())),
            preferred_element_type=jnp.float32)


def _run_k3(sqv, pq, pk, mk, nch):
    rows = sqv.shape[0]
    grid = (nch,)
    prev = lambda i: (0, (i + nch - 1) % nch, 0, 0)
    cur = lambda i: (0, i, 0, 0)
    return pl.pallas_call(
        functools.partial(_k3_body, rows),
        grid=grid,
        in_specs=[
            pl.BlockSpec((rows, 1, BUCKET, 2 * DH), cur),
            pl.BlockSpec((rows, 1, BUCKET, 2 * DH), prev),
            pl.BlockSpec((rows, 1, BUCKET, 1), cur),
            pl.BlockSpec((rows, 1, 1, BUCKET), cur),
            pl.BlockSpec((rows, 1, 1, BUCKET), prev),
            pl.BlockSpec((rows, 1, 1, BUCKET), cur),
            pl.BlockSpec((rows, 1, 1, BUCKET), prev),
        ],
        out_specs=[
            pl.BlockSpec((rows, 1, BUCKET, DH), cur),
            pl.BlockSpec((rows, 1, BUCKET, 1), cur),
        ],
        out_shape=[
            jax.ShapeDtypeStruct((rows, nch, BUCKET, DH), jnp.float32),
            jax.ShapeDtypeStruct((rows, nch, BUCKET, 1), jnp.float32),
        ],
        compiler_params=pltpu.CompilerParams(
            dimension_semantics=("parallel",)),
    )(sqv, sqv, pq, pk, pk, mk, mk)


def _k4_body(bn,
             o0_ref, o1_ref, l0_ref, l1_ref, hpb_ref, e4_ref,
             wo_ref, bo_ref, gps_ref, bps_ref,
             wa_ref, ba_ref, wb_ref, bb_ref, wc_ref, bc_ref,
             wqp_ref, bqp_ref, wkp_ref, bkp_ref, wvp_ref, bvp_ref,
             wop_ref, bop_ref, gpc_ref, bpc_ref,
             wa2_ref, ba2_ref, wb2_ref, bb2_ref, wc2_ref, bc2_ref,
             hob_ref, qoc_ref, wko_ref, bko_ref, wvo_ref, bvo_ref,
             out_ps_ref, out_pc_ref, out_oc_ref,
             m_ps, l_ps, a_ps, m_pc, l_pc, a_pc, m_oc, l_oc, a_oc):
    i = pl.program_id(0)
    nb = pl.num_programs(0)

    @pl.when(i == 0)
    def _init():
        m_ps[...] = jnp.full_like(m_ps[...], -1e30)
        m_pc[...] = jnp.full_like(m_pc[...], -1e30)
        m_oc[...] = jnp.full_like(m_oc[...], -1e30)
        l_ps[...] = jnp.zeros_like(l_ps[...])
        l_pc[...] = jnp.zeros_like(l_pc[...])
        l_oc[...] = jnp.zeros_like(l_oc[...])
        a_ps[...] = jnp.zeros_like(a_ps[...])
        a_pc[...] = jnp.zeros_like(a_pc[...])
        a_oc[...] = jnp.zeros_like(a_oc[...])

    hpb = hpb_ref[...]

    def mm(a, b):
        return jnp.dot(a, b, preferred_element_type=jnp.float32)

    def pool_update(m_r, l_r, a_r, avec, y):
        mb = jnp.max(avec, axis=0, keepdims=True)
        mn = jnp.maximum(m_r[...], mb)
        alpha = jnp.exp(m_r[...] - mn)
        pv = jnp.exp(avec - mn)
        l_r[...] = alpha * l_r[...] + jnp.sum(pv, axis=0, keepdims=True)
        contrib = jax.lax.dot_general(pv, y, (((0,), (0,)), ((), ())),
                                      preferred_element_type=jnp.float32)
        a_r[...] = alpha * a_r[...] + contrib
        m_r[...] = mn

    def gate_branch(x_res, g_r, b_r, wa, ba, wb, bb, wc, bc):
        y = _layernorm(x_res, g_r[...], b_r[...])
        a = jnp.tanh(mm(y, wa[...]) + ba[...])
        s = jax.nn.sigmoid(mm(y, wb[...]) + bb[...])
        avec = mm(a * s, wc[...]) + bc[...]
        return y, avec

    la = l0_ref[...]
    lb = l1_ref[...]
    mml = jnp.maximum(la, lb)
    z = mml + jnp.log(jnp.exp(la - mml) + jnp.exp(lb - mml))
    w0 = mm(jnp.exp(la - z), e4_ref[...])
    w1 = mm(jnp.exp(lb - z), e4_ref[...])
    merged = w0 * o0_ref[...] + w1 * o1_ref[...]
    att = mm(merged, wo_ref[...]) + bo_ref[...]
    y_ps, a_vec = gate_branch(att + hpb, gps_ref, bps_ref,
                              wa_ref, ba_ref, wb_ref, bb_ref, wc_ref, bc_ref)
    pool_update(m_ps, l_ps, a_ps, a_vec, y_ps)

    kp = mm(hob_ref[...], wkp_ref[...]) + bkp_ref[...]
    vp = mm(hob_ref[...], wvp_ref[...]) + bvp_ref[...]
    q = mm(hpb, wqp_ref[...]) + bqp_ref[...]
    colmask = jax.lax.broadcasted_iota(jnp.int32, (1, 8), 1) < 6
    ohs = []
    for hh in range(HEADS):
        sl = slice(hh * DH, (hh + 1) * DH)
        dots = jax.lax.dot_general(q[:, sl], kp[:, sl],
                                   (((1,), (1,)), ((), ())),
                                   preferred_element_type=jnp.float32)
        dots = dots * (1.0 / np.sqrt(DH))
        dots = jnp.where(colmask, dots, NEG)
        mx = jnp.max(dots, -1, keepdims=True)
        ex = jnp.exp(dots - mx)
        attn = ex / jnp.sum(ex, -1, keepdims=True)
        ohs.append(mm(attn, vp[:, sl]))
    o_pc = mm(jnp.concatenate(ohs, axis=-1), wop_ref[...]) + bop_ref[...]
    y_pc, a_vec2 = gate_branch(o_pc + hpb, gpc_ref, bpc_ref, wa2_ref,
                               ba2_ref, wb2_ref, bb2_ref, wc2_ref, bc2_ref)
    pool_update(m_pc, l_pc, a_pc, a_vec2, y_pc)

    ko = mm(hpb, wko_ref[...]) + bko_ref[...]
    vo = mm(hpb, wvo_ref[...]) + bvo_ref[...]
    qoc = qoc_ref[...]
    for hh in range(HEADS):
        sl = slice(hh * DH, (hh + 1) * DH)
        rs = slice(hh * 8, (hh + 1) * 8)
        st = jax.lax.dot_general(qoc[:, sl], ko[:, sl],
                                 (((1,), (1,)), ((), ())),
                                 preferred_element_type=jnp.float32)
        st = st * (1.0 / np.sqrt(DH))
        mb = jnp.max(st, axis=1, keepdims=True)
        mo = m_oc[rs, :]
        mn = jnp.maximum(mo, mb)
        alpha = jnp.exp(mo - mn)
        pmat = jnp.exp(st - mn)
        l_oc[rs, :] = alpha * l_oc[rs, :] + jnp.sum(pmat, axis=1,
                                                    keepdims=True)
        a_oc[rs, :] = alpha * a_oc[rs, :] + mm(pmat, vo[:, sl])
        m_oc[rs, :] = mn

    @pl.when(i == nb - 1)
    def _fin():
        out_ps_ref[...] = a_ps[...] / l_ps[...]
        out_pc_ref[...] = a_pc[...] / l_pc[...]
        out_oc_ref[...] = a_oc[...] / l_oc[...]


def _run_k4(o0, o1, l0, l1, hpb, e4, p, hob8, qoc8, bn):
    n = hpb.shape[0]
    grid = (n // bn,)
    row = lambda i: (i, 0)
    whole = lambda i: (0, 0)

    def wspec(arr):
        return pl.BlockSpec(arr.shape, whole)

    g = p['ps_gate']
    g2 = p['pc_gate']
    ops = [
        o0, o1, l0, l1, hpb, e4,
        p['lsh']['o']['W'], p['lsh']['o']['b'].reshape(1, D),
        p['ln_ps']['g'].reshape(1, D), p['ln_ps']['b'].reshape(1, D),
        g['a']['W'], g['a']['b'].reshape(1, D),
        g['bgate']['W'], g['bgate']['b'].reshape(1, D),
        g['c']['W'], g['c']['b'].reshape(1, 1),
        p['pc_mha']['q']['W'], p['pc_mha']['q']['b'].reshape(1, D),
        p['pc_mha']['k']['W'], p['pc_mha']['k']['b'].reshape(1, D),
        p['pc_mha']['v']['W'], p['pc_mha']['v']['b'].reshape(1, D),
        p['pc_mha']['o']['W'], p['pc_mha']['o']['b'].reshape(1, D),
        p['ln_pc']['g'].reshape(1, D), p['ln_pc']['b'].reshape(1, D),
        g2['a']['W'], g2['a']['b'].reshape(1, D),
        g2['bgate']['W'], g2['bgate']['b'].reshape(1, D),
        g2['c']['W'], g2['c']['b'].reshape(1, 1),
        hob8, qoc8,
        p['oc_mha']['k']['W'], p['oc_mha']['k']['b'].reshape(1, D),
        p['oc_mha']['v']['W'], p['oc_mha']['v']['b'].reshape(1, D),
    ]
    in_specs = [
        pl.BlockSpec((bn, D), row), pl.BlockSpec((bn, D), row),
        pl.BlockSpec((bn, HEADS), row), pl.BlockSpec((bn, HEADS), row),
        pl.BlockSpec((bn, D), row),
    ] + [wspec(a) for a in ops[5:]]
    kfn = functools.partial(_k4_body, bn)
    return pl.pallas_call(
        kfn,
        grid=grid,
        in_specs=in_specs,
        out_specs=[
            pl.BlockSpec((1, D), whole),
            pl.BlockSpec((1, D), whole),
            pl.BlockSpec((HEADS * 8, DH), whole),
        ],
        out_shape=[
            jax.ShapeDtypeStruct((1, D), jnp.float32),
            jax.ShapeDtypeStruct((1, D), jnp.float32),
            jax.ShapeDtypeStruct((HEADS * 8, DH), jnp.float32),
        ],
        scratch_shapes=[
            pltpu.VMEM((1, 1), jnp.float32), pltpu.VMEM((1, 1), jnp.float32),
            pltpu.VMEM((1, D), jnp.float32),
            pltpu.VMEM((1, 1), jnp.float32), pltpu.VMEM((1, 1), jnp.float32),
            pltpu.VMEM((1, D), jnp.float32),
            pltpu.VMEM((HEADS * 8, 1), jnp.float32),
            pltpu.VMEM((HEADS * 8, 1), jnp.float32),
            pltpu.VMEM((HEADS * 8, DH), jnp.float32),
        ],
    )(*ops)


def kernel(x_path, x_omic1, x_omic2, x_omic3, x_omic4, x_omic5, x_omic6,
           params):
    p = params
    n = x_path.shape[0]
    padlen = 2 * BUCKET - n % (2 * BUCKET)
    t = n + padlen
    nch = t // BUCKET
    nbuck = t // BUCKET

    rot = jax.random.normal(jax.random.key(42), (DH, N_HASHES, nbuck // 2))
    rhr = jnp.concatenate([rot, -rot], axis=-1).reshape(DH, N_HASHES * nbuck)
    rmat = jnp.kron(jnp.eye(HEADS, dtype=jnp.float32), rhr)

    bn = 512 if n % 512 == 0 else BUCKET
    hpb, qkvh, bkt = _run_k1(x_path, p, rmat, bn)

    omics = [x_omic1, x_omic2, x_omic3, x_omic4, x_omic5, x_omic6]
    h_omic = [jax.nn.elu(_lin(jax.nn.elu(_lin(o, s['l0'])), s['l1']))
              for o, s in zip(omics, p['sig'])]
    hob = jnp.stack(h_omic)
    hob8 = jnp.concatenate([hob, jnp.zeros((2, D))], axis=0)
    qoc8 = jnp.concatenate(
        [_lin(hob, p['oc_mha']['q']), jnp.zeros((2, D))], axis=0)

    zpad = jnp.zeros((HEADS, padlen, 2 * DH), jnp.float32)
    qkv_t = jnp.concatenate([qkvh, zpad], axis=1)
    bk = bkt.reshape(n, HEADS, N_HASHES).transpose(2, 1, 0)
    bk = jnp.concatenate(
        [bk, jnp.zeros((N_HASHES, HEADS, padlen), jnp.int32)], axis=-1)
    pos = jnp.arange(t, dtype=jnp.int32)
    keys = (bk * t + pos[None, None, :]).reshape(N_HASHES * HEADS, t)
    sidx = jnp.argsort(keys, axis=-1).astype(jnp.int32)
    sidx2 = sidx.reshape(N_HASHES, HEADS, t)
    chunk = 0
    total = N_HASHES * HEADS * t
    if total % 32 == 0:
        per_w = total // 32
        for c in range(128, 0, -8):
            if per_w % c == 0:
                chunk = c
                break
    if chunk:
        table = qkv_t.reshape(HEADS * t, 2 * DH)
        idx_flat = (sidx2
                    + (jnp.arange(HEADS, dtype=jnp.int32)
                       * t)[None, :, None]).reshape(-1)
        sqv = _sc_gather_rows(table, idx_flat, chunk)
    else:
        sqv = jnp.stack(
            [jnp.take_along_axis(qkv_t, sidx2[r][..., None], axis=1)
             for r in range(N_HASHES)], axis=0)
    sqv = sqv.reshape(N_HASHES * HEADS, nch, BUCKET, 2 * DH)
    pq = sidx.reshape(N_HASHES * HEADS, nch, BUCKET, 1)
    pk = sidx.reshape(N_HASHES * HEADS, nch, 1, BUCKET)
    mk = (sidx < n).astype(jnp.int32).reshape(N_HASHES * HEADS, nch, 1,
                                              BUCKET)

    o_s, lse_s = _run_k3(sqv, pq, pk, mk, nch)

    uidx = jnp.argsort(sidx, axis=-1).astype(jnp.int32)
    o_us = jnp.take_along_axis(o_s.reshape(N_HASHES * HEADS, t, DH),
                               uidx[..., None], axis=1)
    l_us = jnp.take_along_axis(lse_s.reshape(N_HASHES * HEADS, t), uidx,
                               axis=1)
    o_us = o_us.reshape(N_HASHES, HEADS, t, DH)[:, :, :n, :]
    l_us = l_us.reshape(N_HASHES, HEADS, t)[:, :, :n]
    o0 = o_us[0].transpose(1, 0, 2).reshape(n, D)
    o1 = o_us[1].transpose(1, 0, 2).reshape(n, D)
    l0 = l_us[0].transpose(1, 0)
    l1 = l_us[1].transpose(1, 0)

    e4 = jnp.kron(jnp.eye(HEADS, dtype=jnp.float32),
                  jnp.ones((1, DH), jnp.float32))

    pooled_ps, pooled_pc, oc_acc = _run_k4(o0, o1, l0, l1, hpb, e4, p,
                                           hob8, qoc8, bn)

    hps = jax.nn.relu(_lin(pooled_ps, p['ps_rho']))
    hpc = jax.nn.relu(_lin(pooled_pc, p['pc_rho']))

    oc_h = oc_acc.reshape(HEADS, 8, DH)[:, :6, :]
    oc_m = oc_h.transpose(1, 0, 2).reshape(6, D)
    hoc = _lin(oc_m, p['oc_mha']['o'])
    hoc = _layernorm(hoc + hob, p['ln_oc']['g'], p['ln_oc']['b'])
    a = jnp.tanh(_lin(hoc, p['oc_gate']['a']))
    b = jax.nn.sigmoid(_lin(hoc, p['oc_gate']['bgate']))
    av = _lin(a * b, p['oc_gate']['c'])
    hoc = jax.nn.softmax(av.T, 1) @ hoc
    hoc = jax.nn.relu(_lin(hoc, p['oc_rho']))

    def mha6(q, k, v, mp):
        qp = _lin(q, mp['q']); kp = _lin(k, mp['k']); vp = _lin(v, mp['v'])
        qh = qp.reshape(6, HEADS, DH).transpose(1, 0, 2)
        kh = kp.reshape(6, HEADS, DH).transpose(1, 0, 2)
        vh_ = vp.reshape(6, HEADS, DH).transpose(1, 0, 2)
        att = jax.nn.softmax(
            jnp.einsum('hid,hjd->hij', qh, kh) / np.sqrt(DH), -1)
        o = jnp.einsum('hij,hjd->hid', att, vh_).transpose(1, 0, 2)
        return _lin(o.reshape(6, D), mp['o'])

    hos = mha6(hob, hob, hob, p['os_mha'])
    hos = _layernorm(hos + hob, p['ln_os']['g'], p['ln_os']['b'])
    a = jnp.tanh(_lin(hos, p['os_gate']['a']))
    b = jax.nn.sigmoid(_lin(hos, p['os_gate']['bgate']))
    av = _lin(a * b, p['os_gate']['c'])
    hos = jax.nn.softmax(av.T, 1) @ hos
    hos = jax.nn.relu(_lin(hos, p['os_rho']))

    h = jnp.concatenate([hps, hpc, hos, hoc], 0)
    qs = _lin(h, p['query'])
    ks = _lin(h, p['key'])
    aw = jax.nn.softmax(qs @ ks.T, 1)
    hf = (aw @ h).sum(0)
    logits = _lin(hf, p['cls'])[None]
    return (logits, _lin(hps, p['cls_ps']), _lin(hpc, p['cls_pc']),
            _lin(hos, p['cls_os']), _lin(hoc, p['cls_oc']))

# --- scband reference (transcript-rebuilt; emitter-appended) ---
"""Pipeline reference for scband-multimodal-29222957482897 (READ-ONLY COPY).

The authoritative reference and input builder live on the scoring server;
editing this copy changes nothing except your own understanding.
"""

import jax, jax.numpy as jnp
import numpy as np
from jax.scipy.special import logsumexp

OMIC_SIZES = [100, 200, 300, 400, 500, 600]
D = 256
HEADS = 4
BUCKET = 128
N_HASHES = 2

def _lin_init(key, din, dout):
    k1, k2 = jax.random.split(key)
    return {'W': jax.random.normal(k1, (din, dout)) * (1.0 / np.sqrt(din)), 'b': jnp.zeros((dout,))}

def _gate_init(key):
    k1, k2, k3 = jax.random.split(key, 3)
    return {'a': _lin_init(k1, D, D), 'bgate': _lin_init(k2, D, D), 'c': _lin_init(k3, D, 1)}

def _mha_init(key):
    k = jax.random.split(key, 4)
    return {'q': _lin_init(k[0], D, D), 'k': _lin_init(k[1], D, D), 'v': _lin_init(k[2], D, D), 'o': _lin_init(k[3], D, D)}

def init_params(key):
    ks = jax.random.split(key, 32)
    p = {}
    p['wsi'] = _lin_init(ks[0], 1024, D)
    p['sig'] = []
    for i, sz in enumerate(OMIC_SIZES):
        ka, kb = jax.random.split(ks[1 + i])
        p['sig'].append({'l0': _lin_init(ka, sz, D), 'l1': _lin_init(kb, D, D)})
    p['lsh'] = {'qk': jax.random.normal(ks[8], (D, D)) * 0.05, 'v': jax.random.normal(ks[9], (D, D)) * 0.05, 'o': _lin_init(ks[10], D, D)}
    p['ps_gate'] = _gate_init(ks[11]); p['ps_rho'] = _lin_init(ks[12], D, D)
    p['pc_mha'] = _mha_init(ks[13]); p['pc_gate'] = _gate_init(ks[14]); p['pc_rho'] = _lin_init(ks[15], D, D)
    p['os_mha'] = _mha_init(ks[16]); p['os_gate'] = _gate_init(ks[17]); p['os_rho'] = _lin_init(ks[18], D, D)
    p['oc_mha'] = _mha_init(ks[19]); p['oc_gate'] = _gate_init(ks[20]); p['oc_rho'] = _lin_init(ks[21], D, D)
    for nm in ['ln_ps', 'ln_pc', 'ln_os', 'ln_oc']:
        p[nm] = {'g': jnp.ones((D,)), 'b': jnp.zeros((D,))}
    p['query'] = _lin_init(ks[22], D, D); p['key'] = _lin_init(ks[23], D, D)
    p['cls'] = _lin_init(ks[24], D, 4); p['cls_ps'] = _lin_init(ks[25], D, 4); p['cls_pc'] = _lin_init(ks[26], D, 4); p['cls_os'] = _lin_init(ks[27], D, 4); p['cls_oc'] = _lin_init(ks[28], D, 4)
    return p

def lin(x, p):
    return x @ p['W'] + p['b']

def layernorm(x, p):
    mu = x.mean(-1, keepdims=True)
    var = ((x - mu) ** 2).mean(-1, keepdims=True)
    return (x - mu) / jnp.sqrt(var + 1e-5) * p['g'] + p['b']

def gate(x, p):
    a = jnp.tanh(lin(x, p['a']))
    b = jax.nn.sigmoid(lin(x, p['bgate']))
    return lin(a * b, p['c']), x

def mha(q, k, v, p, h=HEADS):
    B, Lq, Dm = q.shape; Lk = k.shape[1]; dh = Dm // h
    qp = lin(q, p['q']); kp = lin(k, p['k']); vp = lin(v, p['v'])
    qh = qp.reshape(B, Lq, h, dh).transpose(0, 2, 1, 3)
    kh = kp.reshape(B, Lk, h, dh).transpose(0, 2, 1, 3)
    vh = vp.reshape(B, Lk, h, dh).transpose(0, 2, 1, 3)
    att = jax.nn.softmax(jnp.einsum('bhid,bhjd->bhij', qh, kh) / np.sqrt(dh), -1)
    o = jnp.einsum('bhij,bhjd->bhid', att, vh).transpose(0, 2, 1, 3).reshape(B, Lq, Dm)
    return lin(o, p['o'])

def lsh_attention(x, mask, p):
    B, T, Dm = x.shape; h = HEADS; dh = Dm // h
    qk = x @ p['qk']; v = x @ p['v']
    def sp(t):
        return t.reshape(B, T, h, dh).transpose(0, 2, 1, 3).reshape(B * h, T, dh)
    qk = sp(qk); v = sp(v); BH = B * h
    mbh = jnp.repeat(mask, h, axis=0)
    n_buckets = T // BUCKET
    rot = jax.random.normal(jax.random.key(42), (dh, N_HASHES, n_buckets // 2))
    rotated = jnp.einsum('btd,dhr->bhtr', qk, rot)
    rotated = jnp.concatenate([rotated, -rotated], -1)
    buckets = jnp.argmax(rotated, -1)
    pos = jnp.arange(T)
    nch = T // BUCKET
    outs = []; lses = []
    for r in range(N_HASHES):
        bk = buckets[:, r, :]
        sidx = jnp.argsort(bk * T + pos[None, :], axis=-1)
        uidx = jnp.argsort(sidx, axis=-1)
        sq = jnp.take_along_axis(qk, sidx[..., None], 1)
        sv = jnp.take_along_axis(v, sidx[..., None], 1)
        sm = jnp.take_along_axis(mbh, sidx, 1)
        spos = jnp.take_along_axis(jnp.broadcast_to(pos[None, :], (BH, T)), sidx, 1)
        cq = sq.reshape(BH, nch, BUCKET, dh)
        ck = cq / (jnp.linalg.norm(cq, axis=-1, keepdims=True) + 1e-6)
        cv = sv.reshape(BH, nch, BUCKET, dh)
        ck2 = jnp.concatenate([ck, jnp.roll(ck, 1, axis=1)], 2)
        cv2 = jnp.concatenate([cv, jnp.roll(cv, 1, axis=1)], 2)
        cm = sm.reshape(BH, nch, BUCKET)
        cm2 = jnp.concatenate([cm, jnp.roll(cm, 1, axis=1)], 2)
        cp = spos.reshape(BH, nch, BUCKET)
        cp2 = jnp.concatenate([cp, jnp.roll(cp, 1, axis=1)], 2)
        dots = jnp.einsum('bnid,bnjd->bnij', cq, ck2) / np.sqrt(dh)
        dots = dots - 1e5 * (cp[..., :, None] == cp2[..., None, :])
        dots = jnp.where(cm2[:, :, None, :], dots, -1e9)
        lse = logsumexp(dots, -1)
        attn = jnp.exp(dots - lse[..., None])
        o = jnp.einsum('bnij,bnjd->bnid', attn, cv2).reshape(BH, T, dh)
        lse = lse.reshape(BH, T)
        outs.append(jnp.take_along_axis(o, uidx[..., None], 1))
        lses.append(jnp.take_along_axis(lse, uidx, 1))
    all_lse = jnp.stack(lses)
    Z = logsumexp(all_lse, 0)
    w = jnp.exp(all_lse - Z)
    out = (jnp.stack(outs) * w[..., None]).sum(0)
    out = out.reshape(B, h, T, dh).transpose(0, 2, 1, 3).reshape(B, T, Dm)
    return lin(out, p['o'])

def _forward(x_path, x1, x2, x3, x4, x5, x6, params):
    p = params
    hpb = jax.nn.relu(lin(x_path, p['wsi']))
    omics = [x1, x2, x3, x4, x5, x6]
    h_omic = [jax.nn.elu(lin(jax.nn.elu(lin(o, s['l0'])), s['l1'])) for o, s in zip(omics, p['sig'])]
    hob = jnp.stack(h_omic)
    N = hpb.shape[0]
    padlen = 2 * BUCKET - N % (2 * BUCKET)
    hps = jnp.concatenate([hpb[None], jnp.zeros((1, padlen, D))], 1)
    mask = jnp.concatenate([jnp.ones((1, N), bool), jnp.zeros((1, padlen), bool)], 1)
    hps = lsh_attention(hps, mask, p['lsh'])[0][:N]
    hps = layernorm(hps + hpb, p['ln_ps'])
    A, h2 = gate(hps, p['ps_gate'])
    hps = jax.nn.softmax(A.T, 1) @ h2
    hps = jax.nn.relu(lin(hps, p['ps_rho']))
    hpc = mha(hpb[None], hob[None], hob[None], p['pc_mha'])
    hpc = layernorm(hpc + hpb, p['ln_pc'])[0]
    A, h2 = gate(hpc, p['pc_gate'])
    hpc = jax.nn.softmax(A.T, 1) @ h2
    hpc = jax.nn.relu(lin(hpc, p['pc_rho']))
    hos = mha(hob[None], hob[None], hob[None], p['os_mha'])
    hos = layernorm(hos + hob, p['ln_os'])[0]
    A, h2 = gate(hos, p['os_gate'])
    hos = jax.nn.softmax(A.T, 1) @ h2
    hos = jax.nn.relu(lin(hos, p['os_rho']))
    hoc = mha(hob[None], hpb[None], hpb[None], p['oc_mha'])
    hoc = layernorm(hoc + hob, p['ln_oc'])[0]
    A, h2 = gate(hoc, p['oc_gate'])
    hoc = jax.nn.softmax(A.T, 1) @ h2
    hoc = jax.nn.relu(lin(hoc, p['oc_rho']))
    h = jnp.concatenate([hps, hpc, hos, hoc], 0)
    qs = lin(h, p['query']); ks = lin(h, p['key'])
    aw = jax.nn.softmax(qs @ ks.T, 1)
    hf = (aw @ h).sum(0)
    logits = lin(hf, p['cls'])[None]
    return (logits, lin(hps, p['cls_ps']), lin(hpc, p['cls_pc']), lin(hos, p['cls_os']), lin(hoc, p['cls_oc']))

def setup_inputs(seed: int = 0):
    key = jax.random.key(seed)
    ks = jax.random.split(key, 8)
    inp = {'x_path': jax.random.normal(ks[0], (16384, 1024), dtype=jnp.float32)}
    for i, sz in enumerate(OMIC_SIZES):
        inp['x_omic%d' % (i + 1)] = jax.random.normal(ks[1 + i], (sz,), dtype=jnp.float32)
    inp['params'] = init_params(ks[7])
    return inp

def reference(x_path, x_omic1, x_omic2, x_omic3, x_omic4, x_omic5, x_omic6, params):
    return _forward(x_path, x_omic1, x_omic2, x_omic3, x_omic4, x_omic5, x_omic6, params)

if __name__ == "__main__":
    import jax
    _d = setup_inputs()
    print(jax.jit(kernel)(*tuple(_d.values())))

</pallas_src>

<mosaic_0001>
#map = affine_map<(d0, d1) -> (0, 0)>
#map1 = affine_map<(d0, d1) -> (0)>
module attributes {stable_mosaic.version = 14 : i64} {
  func.func @k(%arg0: i32, %arg1: i32, %arg2: memref<66560x128xf32, #tpu.memory_space<hbm>>, %arg3: memref<133120xi32, #tpu.memory_space<hbm>>, %arg4: memref<133120x128xf32, #tpu.memory_space<hbm>>, %arg5: memref<104xi32, #tpu.memory_space<vmem>>, %arg6: memref<104x128xf32, #tpu.memory_space<vmem>>, %arg7: memref<!tpu.dma_semaphore, #tpu.memory_space<semaphore_mem>>) attributes {dimension_semantics = [#tpu.dimension_semantics<core_parallel>, #tpu.dimension_semantics<subcore_parallel>], iteration_bounds = array<i64: 2, 16>, scalar_prefetch = 0 : i64, scratch_operands = 3 : i64, tpu.core_type = #tpu.core_type<sc_vector_subcore>, window_params = [{transform_indices = #map}, {transform_indices = #map1}, {transform_indices = #map}]} {
    %mul3A = arith.constant 2 : i32
    %mul3A_0 = arith.muli %arg1, %mul3A : i32
    %add3A = arith.addi %mul3A_0, %arg0 : i32
    %mul3A_1 = arith.constant 4160 : i32
    %mul3A_2 = arith.muli %add3A, %mul3A_1 : i32
    %scan3A = arith.constant 0 : i32
    %scan3A_3 = arith.constant 0 : i32
    %scan3A_4 = arith.constant 40 : i32
    %scan3A_5 = arith.addi %scan3A_3, %scan3A_4 : i32
    %scan3A_6 = arith.constant 1 : i32
    scf.for %scan3A_8 = %scan3A_3 to %scan3A_5 step %scan3A_6  : i32 {
      %mul3A_9 = arith.constant 104 : i32
      %mul3A_10 = arith.muli %scan3A_8, %mul3A_9 : i32
      %add3A_11 = arith.addi %mul3A_2, %mul3A_10 : i32
      "tpu.region"() ({
        %run_scoped3A = tpu.sem_alloc : memref<!tpu.dma_semaphore, #tpu.memory_space<semaphore_mem>>
        %dma_start3A_16 = tpu.memref_slice %arg3[%add3A_11] : memref<133120xi32, #tpu.memory_space<hbm>> -> memref<104xi32, #tpu.memory_space<hbm>>
        %dma_start3A_17 = tpu.memref_slice %arg3[%add3A_11] : memref<133120xi32, #tpu.memory_space<hbm>> -> memref<104xi32, #tpu.memory_space<hbm>>
        tpu.enqueue_dma source(%dma_start3A_17 : memref<104xi32, #tpu.memory_space<hbm>>) target(%arg5 : memref<104xi32, #tpu.memory_space<vmem>>) target_semaphore(%run_scoped3A : memref<!tpu.dma_semaphore, #tpu.memory_space<semaphore_mem>>)
        %dma_wait3A_18 = tpu.memref_slice %arg3[%add3A_11] : memref<133120xi32, #tpu.memory_space<hbm>> -> memref<104xi32, #tpu.memory_space<hbm>>
        %dma_wait3A_19 = tpu.memref_slice %arg3[%add3A_11] : memref<133120xi32, #tpu.memory_space<hbm>> -> memref<104xi32, #tpu.memory_space<hbm>>
        tpu.wait_dma2 semaphore(%run_scoped3A : memref<!tpu.dma_semaphore, #tpu.memory_space<semaphore_mem>>) src(%dma_wait3A_19 : memref<104xi32, #tpu.memory_space<hbm>>) dst(%arg5 : memref<104xi32, #tpu.memory_space<vmem>>)
        tpu.yield
      }) : () -> ()
      %dma_start3A = arith.constant 0 : i32
      %dma_start3A_12 = arith.constant 0 : i32
      %dma_start3A_13 = tpu.memref_slice %arg2[%dma_start3A, %dma_start3A_12] : memref<66560x128xf32, #tpu.memory_space<hbm>> -> memref<66560x128xf32, #tpu.memory_space<hbm>>
      tpu.enqueue_indirect_dma source(%dma_start3A_13 : memref<66560x128xf32, #tpu.memory_space<hbm>>) target(%arg6 : memref<104x128xf32, #tpu.memory_space<vmem>>) offsets(%arg5 : memref<104xi32, #tpu.memory_space<vmem>>) semaphore(%arg7 : memref<!tpu.dma_semaphore, #tpu.memory_space<semaphore_mem>>)
      %dma_wait3A = arith.constant 0 : i32
      %dma_wait3A_14 = arith.constant 0 : i32
      %dma_wait3A_15 = tpu.memref_slice %arg2[%dma_wait3A, %dma_wait3A_14] : memref<66560x128xf32, #tpu.memory_space<hbm>> -> memref<66560x128xf32, #tpu.memory_space<hbm>>
      tpu.wait_indirect_dma semaphore(%arg7 : memref<!tpu.dma_semaphore, #tpu.memory_space<semaphore_mem>>) src(%dma_wait3A_15 : memref<66560x128xf32, #tpu.memory_space<hbm>>) dst(%arg6 : memref<104x128xf32, #tpu.memory_space<vmem>>)
      "tpu.region"() ({
        %run_scoped3A = tpu.sem_alloc : memref<!tpu.dma_semaphore, #tpu.memory_space<semaphore_mem>>
        %dma_start3A_16 = arith.constant 0 : i32
        %dma_start3A_17 = tpu.memref_slice %arg4[%add3A_11, %dma_start3A_16] : memref<133120x128xf32, #tpu.memory_space<hbm>> -> memref<104x128xf32, #tpu.memory_space<hbm>>
        %dma_start3A_18 = arith.constant 0 : i32
        %dma_start3A_19 = tpu.memref_slice %arg4[%add3A_11, %dma_start3A_18] : memref<133120x128xf32, #tpu.memory_space<hbm>> -> memref<104x128xf32, #tpu.memory_space<hbm>>
        tpu.enqueue_dma source(%arg6 : memref<104x128xf32, #tpu.memory_space<vmem>>) target(%dma_start3A_19 : memref<104x128xf32, #tpu.memory_space<hbm>>) target_semaphore(%run_scoped3A : memref<!tpu.dma_semaphore, #tpu.memory_space<semaphore_mem>>)
        %dma_wait3A_20 = arith.constant 0 : i32
        %dma_wait3A_21 = tpu.memref_slice %arg4[%add3A_11, %dma_wait3A_20] : memref<133120x128xf32, #tpu.memory_space<hbm>> -> memref<104x128xf32, #tpu.memory_space<hbm>>
        %dma_wait3A_22 = arith.constant 0 : i32
        %dma_wait3A_23 = tpu.memref_slice %arg4[%add3A_11, %dma_wait3A_22] : memref<133120x128xf32, #tpu.memory_space<hbm>> -> memref<104x128xf32, #tpu.memory_space<hbm>>
        tpu.wait_dma2 semaphore(%run_scoped3A : memref<!tpu.dma_semaphore, #tpu.memory_space<semaphore_mem>>) src(%arg6 : memref<104x128xf32, #tpu.memory_space<vmem>>) dst(%dma_wait3A_23 : memref<104x128xf32, #tpu.memory_space<hbm>>)
        tpu.yield
      }) : () -> ()
    }
    %scan3A_7 = arith.constant 40 : i32
    return
  }
}

module attributes {stable_mosaic.version = 14 : i64} {
  func.func @_k1_body(%arg0: i32, %arg1: memref<512x1024xf32, #tpu.memory_space<vmem>>, %arg2: memref<1024x256xf32, #tpu.memory_space<vmem>>, %arg3: memref<1x256xf32, #tpu.memory_space<vmem>>, %arg4: memref<256x256xf32, #tpu.memory_space<vmem>>, %arg5: memref<256x256xf32, #tpu.memory_space<vmem>>, %arg6: memref<256x1040xf32, #tpu.memory_space<vmem>>, %arg7: memref<512x256xf32, #tpu.memory_space<vmem>>, %arg8: memref<4x512x128xf32, #tpu.memory_space<vmem>>, %arg9: memref<512x8xi32, #tpu.memory_space<vmem>>) attributes {dimension_semantics = [#tpu.dimension_semantics<parallel>], iteration_bounds = array<i64: 32>, scalar_prefetch = 0 : i64, scratch_operands = 0 : i64, tpu.core_type = #tpu.core_type<tc>, window_params = [{transform_indices = @transform_0, window_bounds = array<i64: 512, 1024>}, {pipeline_mode = #tpu.pipeline_mode<synchronous>, transform_indices = @transform_1, window_bounds = array<i64: 1024, 256>}, {pipeline_mode = #tpu.pipeline_mode<synchronous>, transform_indices = @transform_2, window_bounds = array<i64: 1, 256>}, {pipeline_mode = #tpu.pipeline_mode<synchronous>, transform_indices = @transform_3, window_bounds = array<i64: 256, 256>}, {pipeline_mode = #tpu.pipeline_mode<synchronous>, transform_indices = @transform_4, window_bounds = array<i64: 256, 256>}, {pipeline_mode = #tpu.pipeline_mode<synchronous>, transform_indices = @transform_5, window_bounds = array<i64: 256, 1040>}, {transform_indices = @transform_6, window_bounds = array<i64: 512, 256>}, {transform_indices = @transform_7, window_bounds = array<i64: 4, 512, 128>}, {transform_indices = @transform_8, window_bounds = array<i64: 512, 8>}]} {
    %get3A = arith.constant 0 : index
    %get3A_0 = arith.constant 0 : index
    %get3A_1 = vector.load %arg1[%get3A, %get3A_0] : memref<512x1024xf32, #tpu.memory_space<vmem>>, vector<512x1024xf32>
    %get3A_2 = arith.constant 0 : index
    %get3A_3 = arith.constant 0 : index
    %get3A_4 = vector.load %arg2[%get3A_2, %get3A_3] : memref<1024x256xf32, #tpu.memory_space<vmem>>, vector<1024x256xf32>
    %dot_general3A = arith.constant dense<0.000000e+00> : vector<512x256xf32>
    %dot_general3A_5 = tpu.matmul %get3A_1, %get3A_4, %dot_general3A {dimension_numbers = #tpu.dot_dimension_numbers<[1], [0], [0], [1], [0, 0, 1, 1], [], []>, transpose_lhs_hint = false} : vector<512x1024xf32>, vector<1024x256xf32>, vector<512x256xf32> -> vector<512x256xf32>
    %get3A_6 = arith.constant 0 : index
    %get3A_7 = arith.constant 0 : index
    %get3A_8 = vector.load %arg3[%get3A_6, %get3A_7] : memref<1x256xf32, #tpu.memory_space<vmem>>, vector<1x256xf32>
    %add3A = vector.broadcast %get3A_8 : vector<1x256xf32> to vector<512x256xf32>
    %add3A_9 = arith.addf %dot_general3A_5, %add3A : vector<512x256xf32>
    %max3A = arith.constant 0.000000e+00 : f32
    %max3A_10 = vector.broadcast %max3A : f32 to vector<512x256xf32>
    %max3A_11 = arith.maximumf %add3A_9, %max3A_10 : vector<512x256xf32>
    %swap3A = arith.constant 0 : index
    %swap3A_12 = arith.constant 0 : index
    %swap3A_13 = vector.load %arg7[%swap3A, %swap3A_12] : memref<512x256xf32, #tpu.memory_space<vmem>>, vector<512x256xf32>
    tpu.vector_store %arg7[%swap3A, %swap3A_12], %max3A_11 {strides = array<i32>} : memref<512x256xf32, #tpu.memory_space<vmem>>, vector<512x256xf32>,
    %get3A_14 = arith.constant 0 : index
    %get3A_15 = arith.constant 0 : index
    %get3A_16 = vector.load %arg4[%get3A_14, %get3A_15] : memref<256x256xf32, #tpu.memory_space<vmem>>, vector<256x256xf32>
    %dot_general3A_17 = arith.constant dense<0.000000e+00> : vector<512x256xf32>
    %dot_general3A_18 = tpu.matmul %max3A_11, %get3A_16, %dot_general3A_17 {dimension_numbers = #tpu.dot_dimension_numbers<[1], [0], [0], [1], [0, 0, 1, 1], [], []>, transpose_lhs_hint = false} : vector<512x256xf32>, vector<256x256xf32>, vector<512x256xf32> -> vector<512x256xf32>
    %get3A_19 = arith.constant 0 : index
    %get3A_20 = arith.constant 0 : index
    %get3A_21 = vector.load %arg5[%get3A_19, %get3A_20] : memref<256x256xf32, #tpu.memory_space<vmem>>, vector<256x256xf32>
    %dot_general3A_22 = arith.constant dense<0.000000e+00> : vector<512x256xf32>
    %dot_general3A_23 = tpu.matmul %max3A_11, %get3A_21, %dot_general3A_22 {dimension_numbers = #tpu.dot_dimension_numbers<[1], [0], [0], [1], [0, 0, 1, 1], [], []>, transpose_lhs_hint = false} : vector<512x256xf32>, vector<256x256xf32>, vector<512x256xf32> -> vector<512x256xf32>
    %slice3A = vector.extract_strided_slice %dot_general3A_18 {offsets = [0, 0], sizes = [512, 64], strides = [1, 1]} : vector<512x256xf32> to vector<512x64xf32>
    %slice3A_24 = vector.extract_strided_slice %dot_general3A_23 {offsets = [0, 0], sizes = [512, 64], strides = [1, 1]} : vector<512x256xf32> to vector<512x64xf32>
    %concatenate3A = tpu.concatenate %slice3A, %slice3A_24 in 1 : vector<512x64xf32>, vector<512x64xf32> -> vector<512x128xf32>
    %swap3A_25 = arith.constant 0 : index
    %swap3A_26 = arith.constant 0 : index
    %swap3A_27 = arith.constant 0 : index
    %swap3A_28 = vector.load %arg8[%swap3A_25, %swap3A_26, %swap3A_27] : memref<4x512x128xf32, #tpu.memory_space<vmem>>, vector<1x512x128xf32>
    %swap3A_29 = vector.shape_cast %swap3A_28 : vector<1x512x128xf32> to vector<512x128xf32>
    %swap3A_30 = vector.shape_cast %concatenate3A : vector<512x128xf32> to vector<1x512x128xf32>
    tpu.vector_store %arg8[%swap3A_25, %swap3A_26, %swap3A_27], %swap3A_30 {strides = array<i32>} : memref<4x512x128xf32, #tpu.memory_space<vmem>>, vector<1x512x128xf32>,
    %slice3A_31 = vector.extract_strided_slice %dot_general3A_18 {offsets = [0, 64], sizes = [512, 64], strides = [1, 1]} : vector<512x256xf32> to vector<512x64xf32>
    %slice3A_32 = vector.extract_strided_slice %dot_general3A_23 {offsets = [0, 64], sizes = [512, 64], strides = [1, 1]} : vector<512x256xf32> to vector<512x64xf32>
    %concatenate3A_33 = tpu.concatenate %slice3A_31, %slice3A_32 in 1 : vector<512x64xf32>, vector<512x64xf32> -> vector<512x128xf32>
    %swap3A_34 = arith.constant 1 : index
    %swap3A_35 = arith.constant 0 : index
    %swap3A_36 = arith.constant 0 : index
    %swap3A_37 = vector.load %arg8[%swap3A_34, %swap3A_35, %swap3A_36] : memref<4x512x128xf32, #tpu.memory_space<vmem>>, vector<1x512x128xf32>
    %swap3A_38 = vector.shape_cast %swap3A_37 : vector<1x512x128xf32> to vector<512x128xf32>
    %swap3A_39 = vector.shape_cast %concatenate3A_33 : vector<512x128xf32> to vector<1x512x128xf32>
    tpu.vector_store %arg8[%swap3A_34, %swap3A_35, %swap3A_36], %swap3A_39 {strides = array<i32>} : memref<4x512x128xf32, #tpu.memory_space<vmem>>, vector<1x512x128xf32>,
    %slice3A_40 = vector.extract_strided_slice %dot_general3A_18 {offsets = [0, 128], sizes = [512, 64], strides = [1, 1]} : vector<512x256xf32> to vector<512x64xf32>
    %slice3A_41 = vector.extract_strided_slice %dot_general3A_23 {offsets = [0, 128], sizes = [512, 64], strides = [1, 1]} : vector<512x256xf32> to vector<512x64xf32>
    %concatenate3A_42 = tpu.concatenate %slice3A_40, %slice3A_41 in 1 : vector<512x64xf32>, vector<512x64xf32> -> vector<512x128xf32>
    %swap3A_43 = arith.constant 2 : index
    %swap3A_44 = arith.constant 0 : index
    %swap3A_45 = arith.constant 0 : index
    %swap3A_46 = vector.load %arg8[%swap3A_43, %swap3A_44, %swap3A_45] : memref<4x512x128xf32, #tpu.memory_space<vmem>>, vector<1x512x128xf32>
    %swap3A_47 = vector.shape_cast %swap3A_46 : vector<1x512x128xf32> to vector<512x128xf32>
    %swap3A_48 = vector.shape_cast %concatenate3A_42 : vector<512x128xf32> to vector<1x512x128xf32>
    tpu.vector_store %arg8[%swap3A_43, %swap3A_44, %swap3A_45], %swap3A_48 {strides = array<i32>} : memref<4x512x128xf32, #tpu.memory_space<vmem>>, vector<1x512x128xf32>,
    %slice3A_49 = vector.extract_strided_slice %dot_general3A_18 {offsets = [0, 192], sizes = [512, 64], strides = [1, 1]} : vector<512x256xf32> to vector<512x64xf32>
    %slice3A_50 = vector.extract_strided_slice %dot_general3A_23 {offsets = [0, 192], sizes = [512, 64], strides = [1, 1]} : vector<512x256xf32> to vector<512x64xf32>
    %concatenate3A_51 = tpu.concatenate %slice3A_49, %slice3A_50 in 1 : vector<512x64xf32>, vector<512x64xf32> -> vector<512x128xf32>
    %swap3A_52 = arith.constant 3 : index
    %swap3A_53 = arith.constant 0 : index
    %swap3A_54 = arith.constant 0 : index
    %swap3A_55 = vector.load %arg8[%swap3A_52, %swap3A_53, %swap3A_54] : memref<4x512x128xf32, #tpu.memory_space<vmem>>, vector<1x512x128xf32>
    %swap3A_56 = vector.shape_cast %swap3A_55 : vector<1x512x128xf32> to vector<512x128xf32>
    %swap3A_57 = vector.shape_cast %concatenate3A_51 : vector<512x128xf32> to vector<1x512x128xf32>
    tpu.vector_store %arg8[%swap3A_52, %swap3A_53, %swap3A_54], %swap3A_57 {strides = array<i32>} : memref<4x512x128xf32, #tpu.memory_space<vmem>>, vector<1x512x128xf32>,
    %get3A_58 = arith.constant 0 : index
    %get3A_59 = arith.constant 0 : index
    %get3A_60 = vector.load %arg6[%get3A_58, %get3A_59] : memref<256x1040xf32, #tpu.memory_space<vmem>>, vector<256x1040xf32>
    %dot_general3A_61 = arith.constant dense<0.000000e+00> : vector<512x1040xf32>
    %dot_general3A_62 = tpu.matmul %dot_general3A_18, %get3A_60, %dot_general3A_61 {dimension_numbers = #tpu.dot_dimension_numbers<[1], [0], [0], [1], [0, 0, 1, 1], [], []>, transpose_lhs_hint = false} : vector<512x256xf32>, vector<256x1040xf32>, vector<512x1040xf32> -> vector<512x1040xf32>
    %iota3A = tpu.iota {dimensions = array<i32: 1>} : vector<512x130xi32>
    %slice3A_63 = vector.extract_strided_slice %dot_general3A_62 {offsets = [0, 0], sizes = [512, 130], strides = [1, 1]} : vector<512x1040xf32> to vector<512x130xf32>
    %reduce_max3A = arith.constant dense<0xFF800000> : vector<512xf32>
    %reduce_max3A_64 = vector.multi_reduction <maximumf>, %slice3A_63, %reduce_max3A [1] : vector<512x130xf32> to vector<512xf32>
    %broadcast_in_dim3A = vector.shape_cast %reduce_max3A_64 : vector<512xf32> to vector<512x1xf32>
    %ge3A = vector.broadcast %broadcast_in_dim3A : vector<512x1xf32> to vector<512x130xf32>
    %ge3A_65 = arith.cmpf oge, %slice3A_63, %ge3A : vector<512x130xf32>
    %jit3A = arith.constant 130 : i32
    %broadcast_in_dim3A_66 = vector.broadcast %jit3A : i32 to vector<512x130xi32>
    %select_n3A = arith.select %ge3A_65, %iota3A, %broadcast_in_dim3A_66 : vector<512x130xi1>, vector<512x130xi32>
    %reduce_min3A = arith.constant dense<2147483647> : vector<512xi32>
    %reduce_min3A_67 = vector.multi_reduction <minsi>, %select_n3A, %reduce_min3A [1] : vector<512x130xi32> to vector<512xi32>
    %broadcast_in_dim3A_68 = vector.shape_cast %reduce_min3A_67 : vector<512xi32> to vector<512x1xi32>
    %slice3A_69 = vector.extract_strided_slice %dot_general3A_62 {offsets = [0, 130], sizes = [512, 130], strides = [1, 1]} : vector<512x1040xf32> to vector<512x130xf32>
    %reduce_max3A_70 = arith.constant dense<0xFF800000> : vector<512xf32>
    %reduce_max3A_71 = vector.multi_reduction <maximumf>, %slice3A_69, %reduce_max3A_70 [1] : vector<512x130xf32> to vector<512xf32>
    %broadcast_in_dim3A_72 = vector.shape_cast %reduce_max3A_71 : vector<512xf32> to vector<512x1xf32>
    %ge3A_73 = vector.broadcast %broadcast_in_dim3A_72 : vector<512x1xf32> to vector<512x130xf32>
    %ge3A_74 = arith.cmpf oge, %slice3A_69, %ge3A_73 : vector<512x130xf32>
    %jit3A_75 = arith.constant 130 : i32
    %broadcast_in_dim3A_76 = vector.broadcast %jit3A_75 : i32 to vector<512x130xi32>
    %select_n3A_77 = arith.select %ge3A_74, %iota3A, %broadcast_in_dim3A_76 : vector<512x130xi1>, vector<512x130xi32>
    %reduce_min3A_78 = arith.constant dense<2147483647> : vector<512xi32>
    %reduce_min3A_79 = vector.multi_reduction <minsi>, %select_n3A_77, %reduce_min3A_78 [1] : vector<512x130xi32> to vector<512xi32>
    %broadcast_in_dim3A_80 = vector.shape_cast %reduce_min3A_79 : vector<512xi32> to vector<512x1xi32>
    %slice3A_81 = vector.extract_strided_slice %dot_general3A_62 {offsets = [0, 260], sizes = [512, 130], strides = [1, 1]} : vector<512x1040xf32> to vector<512x130xf32>
    %reduce_max3A_82 = arith.constant dense<0xFF800000> : vector<512xf32>
    %reduce_max3A_83 = vector.multi_reduction <maximumf>, %slice3A_81, %reduce_max3A_82 [1] : vector<512x130xf32> to vector<512xf32>
    %broadcast_in_dim3A_84 = vector.shape_cast %reduce_max3A_83 : vector<512xf32> to vector<512x1xf32>
    %ge3A_85 = vector.broadcast %broadcast_in_dim3A_84 : vector<512x1xf32> to vector<512x130xf32>
    %ge3A_86 = arith.cmpf oge, %slice3A_81, %ge3A_85 : vector<512x130xf32>
    %jit3A_87 = arith.constant 130 : i32
    %broadcast_in_dim3A_88 = vector.broadcast %jit3A_87 : i32 to vector<512x130xi32>
    %select_n3A_89 = arith.select %ge3A_86, %iota3A, %broadcast_in_dim3A_88 : vector<512x130xi1>, vector<512x130xi32>
    %reduce_min3A_90 = arith.constant dense<2147483647> : vector<512xi32>
    %reduce_min3A_91 = vector.multi_reduction <minsi>, %select_n3A_89, %reduce_min3A_90 [1] : vector<512x130xi32> to vector<512xi32>
    %broadcast_in_dim3A_92 = vector.shape_cast %reduce_min3A_91 : vector<512xi32> to vector<512x1xi32>
    %slice3A_93 = vector.extract_strided_slice %dot_general3A_62 {offsets = [0, 390], sizes = [512, 130], strides = [1, 1]} : vector<512x1040xf32> to vector<512x130xf32>
    %reduce_max3A_94 = arith.constant dense<0xFF800000> : vector<512xf32>
    %reduce_max3A_95 = vector.multi_reduction <maximumf>, %slice3A_93, %reduce_max3A_94 [1] : vector<512x130xf32> to vector<512xf32>
    %broadcast_in_dim3A_96 = vector.shape_cast %reduce_max3A_95 : vector<512xf32> to vector<512x1xf32>
    %ge3A_97 = vector.broadcast %broadcast_in_dim3A_96 : vector<512x1xf32> to vector<512x130xf32>
    %ge3A_98 = arith.cmpf oge, %slice3A_93, %ge3A_97 : vector<512x130xf32>
    %jit3A_99 = arith.constant 130 : i32
    %broadcast_in_dim3A_100 = vector.broadcast %jit3A_99 : i32 to vector<512x130xi32>
    %select_n3A_101 = arith.select %ge3A_98, %iota3A, %broadcast_in_dim3A_100 : vector<512x130xi1>, vector<512x130xi32>
    %reduce_min3A_102 = arith.constant dense<2147483647> : vector<512xi32>
    %reduce_min3A_103 = vector.multi_reduction <minsi>, %select_n3A_101, %reduce_min3A_102 [1] : vector<512x130xi32> to vector<512xi32>
    %broadcast_in_dim3A_104 = vector.shape_cast %reduce_min3A_103 : vector<512xi32> to vector<512x1xi32>
    %slice3A_105 = vector.extract_strided_slice %dot_general3A_62 {offsets = [0, 520], sizes = [512, 130], strides = [1, 1]} : vector<512x1040xf32> to vector<512x130xf32>
    %reduce_max3A_106 = arith.constant dense<0xFF800000> : vector<512xf32>
    %reduce_max3A_107 = vector.multi_reduction <maximumf>, %slice3A_105, %reduce_max3A_106 [1] : vector<512x130xf32> to vector<512xf32>
    %broadcast_in_dim3A_108 = vector.shape_cast %reduce_max3A_107 : vector<512xf32> to vector<512x1xf32>
    %ge3A_109 = vector.broadcast %broadcast_in_dim3A_108 : vector<512x1xf32> to vector<512x130xf32>
    %ge3A_110 = arith.cmpf oge, %slice3A_105, %ge3A_109 : vector<512x130xf32>
    %jit3A_111 = arith.constant 130 : i32
    %broadcast_in_dim3A_112 = vector.broadcast %jit3A_111 : i32 to vector<512x130xi32>
    %select_n3A_113 = arith.select %ge3A_110, %iota3A, %broadcast_in_dim3A_112 : vector<512x130xi1>, vector<512x130xi32>
    %reduce_min3A_114 = arith.constant dense<2147483647> : vector<512xi32>
    %reduce_min3A_115 = vector.multi_reduction <minsi>, %select_n3A_113, %reduce_min3A_114 [1] : vector<512x130xi32> to vector<512xi32>
    %broadcast_in_dim3A_116 = vector.shape_cast %reduce_min3A_115 : vector<512xi32> to vector<512x1xi32>
    %slice3A_117 = vector.extract_strided_slice %dot_general3A_62 {offsets = [0, 650], sizes = [512, 130], strides = [1, 1]} : vector<512x1040xf32> to vector<512x130xf32>
    %reduce_max3A_118 = arith.constant dense<0xFF800000> : vector<512xf32>
    %reduce_max3A_119 = vector.multi_reduction <maximumf>, %slice3A_117, %reduce_max3A_118 [1] : vector<512x130xf32> to vector<512xf32>
    %broadcast_in_dim3A_120 = vector.shape_cast %reduce_max3A_119 : vector<512xf32> to vector<512x1xf32>
    %ge3A_121 = vector.broadcast %broadcast_in_dim3A_120 : vector<512x1xf32> to vector<512x130xf32>
    %ge3A_122 = arith.cmpf oge, %slice3A_117, %ge3A_121 : vector<512x130xf32>
    %jit3A_123 = arith.constant 130 : i32
    %broadcast_in_dim3A_124 = vector.broadcast %jit3A_123 : i32 to vector<512x130xi32>
    %select_n3A_125 = arith.select %ge3A_122, %iota3A, %broadcast_in_dim3A_124 : vector<512x130xi1>, vector<512x130xi32>
    %reduce_min3A_126 = arith.constant dense<2147483647> : vector<512xi32>
    %reduce_min3A_127 = vector.multi_reduction <minsi>, %select_n3A_125, %reduce_min3A_126 [1] : vector<512x130xi32> to vector<512xi32>
    %broadcast_in_dim3A_128 = vector.shape_cast %reduce_min3A_127 : vector<512xi32> to vector<512x1xi32>
    %slice3A_129 = vector.extract_strided_slice %dot_general3A_62 {offsets = [0, 780], sizes = [512, 130], strides = [1, 1]} : vector<512x1040xf32> to vector<512x130xf32>
    %reduce_max3A_130 = arith.constant dense<0xFF800000> : vector<512xf32>
    %reduce_max3A_131 = vector.multi_reduction <maximumf>, %slice3A_129, %reduce_max3A_130 [1] : vector<512x130xf32> to vector<512xf32>
    %broadcast_in_dim3A_132 = vector.shape_cast %reduce_max3A_131 : vector<512xf32> to vector<512x1xf32>
    %ge3A_133 = vector.broadcast %broadcast_in_dim3A_132 : vector<512x1xf32> to vector<512x130xf32>
    %ge3A_134 = arith.cmpf oge, %slice3A_129, %ge3A_133 : vector<512x130xf32>
    %jit3A_135 = arith.constant 130 : i32
    %broadcast_in_dim3A_136 = vector.broadcast %jit3A_135 : i32 to vector<512x130xi32>
    %select_n3A_137 = arith.select %ge3A_134, %iota3A, %broadcast_in_dim3A_136 : vector<512x130xi1>, vector<512x130xi32>
    %reduce_min3A_138 = arith.constant dense<2147483647> : vector<512xi32>
    %reduce_min3A_139 = vector.multi_reduction <minsi>, %select_n3A_137, %reduce_min3A_138 [1] : vector<512x130xi32> to vector<512xi32>
    %broadcast_in_dim3A_140 = vector.shape_cast %reduce_min3A_139 : vector<512xi32> to vector<512x1xi32>
    %slice3A_141 = vector.extract_strided_slice %dot_general3A_62 {offsets = [0, 910], sizes = [512, 130], strides = [1, 1]} : vector<512x1040xf32> to vector<512x130xf32>
    %reduce_max3A_142 = arith.constant dense<0xFF800000> : vector<512xf32>
    %reduce_max3A_143 = vector.multi_reduction <maximumf>, %slice3A_141, %reduce_max3A_142 [1] : vector<512x130xf32> to vector<512xf32>
    %broadcast_in_dim3A_144 = vector.shape_cast %reduce_max3A_143 : vector<512xf32> to vector<512x1xf32>
    %ge3A_145 = vector.broadcast %broadcast_in_dim3A_144 : vector<512x1xf32> to vector<512x130xf32>
    %ge3A_146 = arith.cmpf oge, %slice3A_141, %ge3A_145 : vector<512x130xf32>
    %jit3A_147 = arith.constant 130 : i32
    %broadcast_in_dim3A_148 = vector.broadcast %jit3A_147 : i32 to vector<512x130xi32>
    %select_n3A_149 = arith.select %ge3A_146, %iota3A, %broadcast_in_dim3A_148 : vector<512x130xi1>, vector<512x130xi32>
    %reduce_min3A_150 = arith.constant dense<2147483647> : vector<512xi32>
    %reduce_min3A_151 = vector.multi_reduction <minsi>, %select_n3A_149, %reduce_min3A_150 [1] : vector<512x130xi32> to vector<512xi32>
    %broadcast_in_dim3A_152 = vector.shape_cast %reduce_min3A_151 : vector<512xi32> to vector<512x1xi32>
    %concatenate3A_153 = tpu.concatenate %broadcast_in_dim3A_68, %broadcast_in_dim3A_80, %broadcast_in_dim3A_92, %broadcast_in_dim3A_104, %broadcast_in_dim3A_116, %broadcast_in_dim3A_128, %broadcast_in_dim3A_140, %broadcast_in_dim3A_152 in 1 : vector<512x1xi32>, vector<512x1xi32>, vector<512x1xi32>, vector<512x1xi32>, vector<512x1xi32>, vector<512x1xi32>, vector<512x1xi32>, vector<512x1xi32> -> vector<512x8xi32>
    %swap3A_154 = arith.constant 0 : index
    %swap3A_155 = arith.constant 0 : index
    %swap3A_156 = vector.load %arg9[%swap3A_154, %swap3A_155] : memref<512x8xi32, #tpu.memory_space<vmem>>, vector<512x8xi32>
    tpu.vector_store %arg9[%swap3A_154, %swap3A_155], %concatenate3A_153 {strides = array<i32>} : memref<512x8xi32, #tpu.memory_space<vmem>>, vector<512x8xi32>,
    return
  }
  func.func @transform_0(%arg0: i32) -> (i32, i32) {
    %c0_i32 = arith.constant 0 : i32
    %c0_i32_0 = arith.constant 0 : i32
    return %arg0, %c0_i32 : i32, i32
  }
  func.func @transform_1(%arg0: i32) -> (i32, i32) {
    %c0_i32 = arith.constant 0 : i32
    %c0_i32_0 = arith.constant 0 : i32
    %c0_i32_1 = arith.constant 0 : i32
    return %c0_i32, %c0_i32_0 : i32, i32
  }
  func.func @transform_2(%arg0: i32) -> (i32, i32) {
    %c0_i32 = arith.constant 0 : i32
    %c0_i32_0 = arith.constant 0 : i32
    %c0_i32_1 = arith.constant 0 : i32
    return %c0_i32, %c0_i32_0 : i32, i32
  }
  func.func @transform_3(%arg0: i32) -> (i32, i32) {
    %c0_i32 = arith.constant 0 : i32
    %c0_i32_0 = arith.constant 0 : i32
    %c0_i32_1 = arith.constant 0 : i32
    return %c0_i32, %c0_i32_0 : i32, i32
  }
  func.func @transform_4(%arg0: i32) -> (i32, i32) {
    %c0_i32 = arith.constant 0 : i32
    %c0_i32_0 = arith.constant 0 : i32
    %c0_i32_1 = arith.constant 0 : i32
    return %c0_i32, %c0_i32_0 : i32, i32
  }
  func.func @transform_5(%arg0: i32) -> (i32, i32) {
    %c0_i32 = arith.constant 0 : i32
    %c0_i32_0 = arith.constant 0 : i32
    %c0_i32_1 = arith.constant 0 : i32
    return %c0_i32, %c0_i32_0 : i32, i32
  }
  func.func @transform_6(%arg0: i32) -> (i32, i32) {
    %c0_i32 = arith.constant 0 : i32
    %c0_i32_0 = arith.constant 0 : i32
    return %arg0, %c0_i32 : i32, i32
  }
  func.func @transform_7(%arg0: i32) -> (i32, i32, i32) {
    %c0_i32 = arith.constant 0 : i32
    %c0_i32_0 = arith.constant 0 : i32
    %c0_i32_1 = arith.constant 0 : i32
    return %c0_i32, %arg0, %c0_i32_0 : i32, i32, i32
  }
  func.func @transform_8(%arg0: i32) -> (i32, i32) {
    %c0_i32 = arith.constant 0 : i32
    %c0_i32_0 = arith.constant 0 : i32
    return %arg0, %c0_i32 : i32, i32
  }
}

module attributes {stable_mosaic.version = 14 : i64} {
  func.func @_k3_body(%arg0: i32, %arg1: memref<8x1x128x128xf32, #tpu.memory_space<vmem>>, %arg2: memref<8x1x128x128xf32, #tpu.memory_space<vmem>>, %arg3: memref<8x1x128x1xi32, #tpu.memory_space<vmem>>, %arg4: memref<8x1x1x128xi32, #tpu.memory_space<vmem>>, %arg5: memref<8x1x1x128xi32, #tpu.memory_space<vmem>>, %arg6: memref<8x1x1x128xi32, #tpu.memory_space<vmem>>, %arg7: memref<8x1x1x128xi32, #tpu.memory_space<vmem>>, %arg8: memref<8x1x128x64xf32, #tpu.memory_space<vmem>>, %arg9: memref<8x1x128x1xf32, #tpu.memory_space<vmem>>) attributes {dimension_semantics = [#tpu.dimension_semantics<parallel>], iteration_bounds = array<i64: 130>, scalar_prefetch = 0 : i64, scratch_operands = 0 : i64, tpu.core_type = #tpu.core_type<tc>, window_params = [{transform_indices = @transform_0, window_bounds = array<i64: 8, 1, 128, 128>}, {transform_indices = @transform_1, window_bounds = array<i64: 8, 1, 128, 128>}, {transform_indices = @transform_2, window_bounds = array<i64: 8, 1, 128, 1>}, {transform_indices = @transform_3, window_bounds = array<i64: 8, 1, 1, 128>}, {transform_indices = @transform_4, window_bounds = array<i64: 8, 1, 1, 128>}, {transform_indices = @transform_5, window_bounds = array<i64: 8, 1, 1, 128>}, {transform_indices = @transform_6, window_bounds = array<i64: 8, 1, 1, 128>}, {transform_indices = @transform_7, window_bounds = array<i64: 8, 1, 128, 64>}, {transform_indices = @transform_8, window_bounds = array<i64: 8, 1, 128, 1>}]} {
    %get3A = arith.constant 0 : index
    %get3A_0 = arith.constant 0 : index
    %get3A_1 = arith.constant 0 : index
    %get3A_2 = arith.constant 0 : index
    %get3A_3 = vector.load %arg1[%get3A, %get3A_0, %get3A_1, %get3A_2] : memref<8x1x128x128xf32, #tpu.memory_space<vmem>>, vector<1x1x128x128xf32>
    %get3A_4 = vector.shape_cast %get3A_3 : vector<1x1x128x128xf32> to vector<128x128xf32>
    %get3A_5 = arith.constant 0 : index
    %get3A_6 = arith.constant 0 : index
    %get3A_7 = arith.constant 0 : index
    %get3A_8 = arith.constant 0 : index
    %get3A_9 = vector.load %arg2[%get3A_5, %get3A_6, %get3A_7, %get3A_8] : memref<8x1x128x128xf32, #tpu.memory_space<vmem>>, vector<1x1x128x128xf32>
    %get3A_10 = vector.shape_cast %get3A_9 : vector<1x1x128x128xf32> to vector<128x128xf32>
    %slice3A = vector.extract_strided_slice %get3A_4 {offsets = [0, 0], sizes = [128, 64], strides = [1, 1]} : vector<128x128xf32> to vector<128x64xf32>
    %mul3A = arith.mulf %slice3A, %slice3A : vector<128x64xf32>
    %reduce_sum3A = arith.constant dense<0.000000e+00> : vector<128xf32>
    %reduce_sum3A_11 = vector.multi_reduction <add>, %mul3A, %reduce_sum3A [1] : vector<128x64xf32> to vector<128xf32>
    %broadcast_in_dim3A = vector.shape_cast %reduce_sum3A_11 : vector<128xf32> to vector<128x1xf32>
    %sqrt3A = math.sqrt %broadcast_in_dim3A : vector<128x1xf32>
    %add3A = arith.constant 9.99999997E-7 : f32
    %add3A_12 = vector.broadcast %add3A : f32 to vector<128x1xf32>
    %add3A_13 = arith.addf %sqrt3A, %add3A_12 : vector<128x1xf32>
    %div3A = vector.broadcast %add3A_13 : vector<128x1xf32> to vector<128x64xf32>
    %div3A_14 = arith.divf %slice3A, %div3A : vector<128x64xf32>
    %slice3A_15 = vector.extract_strided_slice %get3A_10 {offsets = [0, 0], sizes = [128, 64], strides = [1, 1]} : vector<128x128xf32> to vector<128x64xf32>
    %mul3A_16 = arith.mulf %slice3A_15, %slice3A_15 : vector<128x64xf32>
    %reduce_sum3A_17 = arith.constant dense<0.000000e+00> : vector<128xf32>
    %reduce_sum3A_18 = vector.multi_reduction <add>, %mul3A_16, %reduce_sum3A_17 [1] : vector<128x64xf32> to vector<128xf32>
    %broadcast_in_dim3A_19 = vector.shape_cast %reduce_sum3A_18 : vector<128xf32> to vector<128x1xf32>
    %sqrt3A_20 = math.sqrt %broadcast_in_dim3A_19 : vector<128x1xf32>
    %add3A_21 = arith.constant 9.99999997E-7 : f32
    %add3A_22 = vector.broadcast %add3A_21 : f32 to vector<128x1xf32>
    %add3A_23 = arith.addf %sqrt3A_20, %add3A_22 : vector<128x1xf32>
    %div3A_24 = vector.broadcast %add3A_23 : vector<128x1xf32> to vector<128x64xf32>
    %div3A_25 = arith.divf %slice3A_15, %div3A_24 : vector<128x64xf32>
    %concatenate3A = tpu.concatenate %div3A_14, %div3A_25 in 0 : vector<128x64xf32>, vector<128x64xf32> -> vector<256x64xf32>
    %slice3A_26 = vector.extract_strided_slice %get3A_4 {offsets = [0, 64], sizes = [128, 64], strides = [1, 1]} : vector<128x128xf32> to vector<128x64xf32>
    %slice3A_27 = vector.extract_strided_slice %get3A_10 {offsets = [0, 64], sizes = [128, 64], strides = [1, 1]} : vector<128x128xf32> to vector<128x64xf32>
    %concatenate3A_28 = tpu.concatenate %slice3A_26, %slice3A_27 in 0 : vector<128x64xf32>, vector<128x64xf32> -> vector<256x64xf32>
    %dot_general3A = arith.constant dense<0.000000e+00> : vector<128x256xf32>
    %dot_general3A_29 = tpu.matmul %slice3A, %concatenate3A, %dot_general3A {dimension_numbers = #tpu.dot_dimension_numbers<[1], [1], [0], [0], [0, 0, 1, 0], [], []>, transpose_lhs_hint = false} : vector<128x64xf32>, vector<256x64xf32>, vector<128x256xf32> -> vector<128x256xf32>
    %mul3A_30 = arith.constant 1.250000e-01 : f32
    %mul3A_31 = vector.broadcast %mul3A_30 : f32 to vector<128x256xf32>
    %mul3A_32 = arith.mulf %dot_general3A_29, %mul3A_31 : vector<128x256xf32>
    %get3A_33 = arith.constant 0 : index
    %get3A_34 = arith.constant 0 : index
    %get3A_35 = arith.constant 0 : index
    %get3A_36 = arith.constant 0 : index
    %get3A_37 = vector.load %arg3[%get3A_33, %get3A_34, %get3A_35, %get3A_36] : memref<8x1x128x1xi32, #tpu.memory_space<vmem>>, vector<1x1x128x1xi32>
    %get3A_38 = vector.shape_cast %get3A_37 : vector<1x1x128x1xi32> to vector<128x1xi32>
    %get3A_39 = arith.constant 0 : index
    %get3A_40 = arith.constant 0 : index
    %get3A_41 = arith.constant 0 : index
    %get3A_42 = arith.constant 0 : index
    %get3A_43 = vector.load %arg4[%get3A_39, %get3A_40, %get3A_41, %get3A_42] : memref<8x1x1x128xi32, #tpu.memory_space<vmem>>, vector<1x1x1x128xi32>
    %get3A_44 = vector.shape_cast %get3A_43 : vector<1x1x1x128xi32> to vector<1x128xi32>
    %get3A_45 = arith.constant 0 : index
    %get3A_46 = arith.constant 0 : index
    %get3A_47 = arith.constant 0 : index
    %get3A_48 = arith.constant 0 : index
    %get3A_49 = vector.load %arg5[%get3A_45, %get3A_46, %get3A_47, %get3A_48] : memref<8x1x1x128xi32, #tpu.memory_space<vmem>>, vector<1x1x1x128xi32>
    %get3A_50 = vector.shape_cast %get3A_49 : vector<1x1x1x128xi32> to vector<1x128xi32>
    %concatenate3A_51 = tpu.concatenate %get3A_44, %get3A_50 in 1 : vector<1x128xi32>, vector<1x128xi32> -> vector<1x256xi32>
    %eq3A = vector.broadcast %get3A_38 : vector<128x1xi32> to vector<128x256xi32>
    %eq3A_52 = vector.broadcast %concatenate3A_51 : vector<1x256xi32> to vector<128x256xi32>
    %eq3A_53 = arith.cmpi eq, %eq3A, %eq3A_52 : vector<128x256xi32>
    %convert_element_type3A = arith.extui %eq3A_53 : vector<128x256xi1> to vector<128x256xi32>
    %convert_element_type3A_54 = arith.sitofp %convert_element_type3A : vector<128x256xi32> to vector<128x256xf32>
    %mul3A_55 = arith.constant 1.000000e+05 : f32
    %mul3A_56 = vector.broadcast %mul3A_55 : f32 to vector<128x256xf32>
    %mul3A_57 = arith.mulf %mul3A_56, %convert_element_type3A_54 : vector<128x256xf32>
    %sub3A = arith.subf %mul3A_32, %mul3A_57 : vector<128x256xf32>
    %get3A_58 = arith.constant 0 : index
    %get3A_59 = arith.constant 0 : index
    %get3A_60 = arith.constant 0 : index
    %get3A_61 = arith.constant 0 : index
    %get3A_62 = vector.load %arg6[%get3A_58, %get3A_59, %get3A_60, %get3A_61] : memref<8x1x1x128xi32, #tpu.memory_space<vmem>>, vector<1x1x1x128xi32>
    %get3A_63 = vector.shape_cast %get3A_62 : vector<1x1x1x128xi32> to vector<1x128xi32>
    %get3A_64 = arith.constant 0 : index
    %get3A_65 = arith.constant 0 : index
    %get3A_66 = arith.constant 0 : index
    %get3A_67 = arith.constant 0 : index
    %get3A_68 = vector.load %arg7[%get3A_64, %get3A_65, %get3A_66, %get3A_67] : memref<8x1x1x128xi32, #tpu.memory_space<vmem>>, vector<1x1x1x128xi32>
    %get3A_69 = vector.shape_cast %get3A_68 : vector<1x1x1x128xi32> to vector<1x128xi32>
    %concatenate3A_70 = tpu.concatenate %get3A_63, %get3A_69 in 1 : vector<1x128xi32>, vector<1x128xi32> -> vector<1x256xi32>
    %ne3A = arith.constant 0 : i32
    %ne3A_71 = vector.broadcast %ne3A : i32 to vector<1x256xi32>
    %ne3A_72 = arith.cmpi ne, %concatenate3A_70, %ne3A_71 : vector<1x256xi32>
    %jit3A = arith.constant -1.000000e+09 : f32
    %broadcast_in_dim3A_73 = vector.shape_cast %ne3A_72 : vector<1x256xi1> to vector<1x256xi1>
    %broadcast_in_dim3A_74 = vector.broadcast %broadcast_in_dim3A_73 : vector<1x256xi1> to vector<128x256xi1>
    %broadcast_in_dim3A_75 = vector.broadcast %jit3A : f32 to vector<128x256xf32>
    %select_n3A = arith.select %broadcast_in_dim3A_74, %sub3A, %broadcast_in_dim3A_75 : vector<128x256xi1>, vector<128x256xf32>
    %reduce_max3A = arith.constant dense<0xFF800000> : vector<128xf32>
    %reduce_max3A_76 = vector.multi_reduction <maximumf>, %select_n3A, %reduce_max3A [1] : vector<128x256xf32> to vector<128xf32>
    %broadcast_in_dim3A_77 = vector.shape_cast %reduce_max3A_76 : vector<128xf32> to vector<128x1xf32>
    %sub3A_78 = vector.broadcast %broadcast_in_dim3A_77 : vector<128x1xf32> to vector<128x256xf32>
    %sub3A_79 = arith.subf %select_n3A, %sub3A_78 : vector<128x256xf32>
    %exp3A = math.exp %sub3A_79 : vector<128x256xf32>
    %reduce_sum3A_80 = arith.constant dense<0.000000e+00> : vector<128xf32>
    %reduce_sum3A_81 = vector.multi_reduction <add>, %exp3A, %reduce_sum3A_80 [1] : vector<128x256xf32> to vector<128xf32>
    %broadcast_in_dim3A_82 = vector.shape_cast %reduce_sum3A_81 : vector<128xf32> to vector<128x1xf32>
    %log3A = math.log %broadcast_in_dim3A_82 : vector<128x1xf32>
    %add3A_83 = arith.addf %broadcast_in_dim3A_77, %log3A : vector<128x1xf32>
    %swap3A = arith.constant 0 : index
    %swap3A_84 = arith.constant 0 : index
    %swap3A_85 = arith.constant 0 : index
    %swap3A_86 = arith.constant 0 : index
    %swap3A_87 = vector.load %arg9[%swap3A, %swap3A_84, %swap3A_85, %swap3A_86] : memref<8x1x128x1xf32, #tpu.memory_space<vmem>>, vector<1x1x128x1xf32>
    %swap3A_88 = vector.shape_cast %swap3A_87 : vector<1x1x128x1xf32> to vector<128x1xf32>
    %swap3A_89 = vector.shape_cast %add3A_83 : vector<128x1xf32> to vector<1x1x128x1xf32>
    tpu.vector_store %arg9[%swap3A, %swap3A_84, %swap3A_85, %swap3A_86], %swap3A_89 {strides = array<i32>} : memref<8x1x128x1xf32, #tpu.memory_space<vmem>>, vector<1x1x128x1xf32>,
    %div3A_90 = vector.broadcast %broadcast_in_dim3A_82 : vector<128x1xf32> to vector<128x256xf32>
    %div3A_91 = arith.divf %exp3A, %div3A_90 : vector<128x256xf32>
    %dot_general3A_92 = arith.constant dense<0.000000e+00> : vector<128x64xf32>
    %dot_general3A_93 = tpu.matmul %div3A_91, %concatenate3A_28, %dot_general3A_92 {dimension_numbers = #tpu.dot_dimension_numbers<[1], [0], [0], [1], [0, 0, 1, 1], [], []>, transpose_lhs_hint = false} : vector<128x256xf32>, vector<256x64xf32>, vector<128x64xf32> -> vector<128x64xf32>
    %swap3A_94 = arith.constant 0 : index
    %swap3A_95 = arith.constant 0 : index
    %swap3A_96 = arith.constant 0 : index
    %swap3A_97 = arith.constant 0 : index
    %swap3A_98 = vector.load %arg8[%swap3A_94, %swap3A_95, %swap3A_96, %swap3A_97] : memref<8x1x128x64xf32, #tpu.memory_space<vmem>>, vector<1x1x128x64xf32>
    %swap3A_99 = vector.shape_cast %swap3A_98 : vector<1x1x128x64xf32> to vector<128x64xf32>
    %swap3A_100 = vector.shape_cast %dot_general3A_93 : vector<128x64xf32> to vector<1x1x128x64xf32>
    tpu.vector_store %arg8[%swap3A_94, %swap3A_95, %swap3A_96, %swap3A_97], %swap3A_100 {strides = array<i32>} : memref<8x1x128x64xf32, #tpu.memory_space<vmem>>, vector<1x1x128x64xf32>,
    %get3A_101 = arith.constant 1 : index
    %get3A_102 = arith.constant 0 : index
    %get3A_103 = arith.constant 0 : index
    %get3A_104 = arith.constant 0 : index
    %get3A_105 = vector.load %arg1[%get3A_101, %get3A_102, %get3A_103, %get3A_104] : memref<8x1x128x128xf32, #tpu.memory_space<vmem>>, vector<1x1x128x128xf32>
    %get3A_106 = vector.shape_cast %get3A_105 : vector<1x1x128x128xf32> to vector<128x128xf32>
    %get3A_107 = arith.constant 1 : index
    %get3A_108 = arith.constant 0 : index
    %get3A_109 = arith.constant 0 : index
    %get3A_110 = arith.constant 0 : index
    %get3A_111 = vector.load %arg2[%get3A_107, %get3A_108, %get3A_109, %get3A_110] : memref<8x1x128x128xf32, #tpu.memory_space<vmem>>, vector<1x1x128x128xf32>
    %get3A_112 = vector.shape_cast %get3A_111 : vector<1x1x128x128xf32> to vector<128x128xf32>
    %slice3A_113 = vector.extract_strided_slice %get3A_106 {offsets = [0, 0], sizes = [128, 64], strides = [1, 1]} : vector<128x128xf32> to vector<128x64xf32>
    %mul3A_114 = arith.mulf %slice3A_113, %slice3A_113 : vector<128x64xf32>
    %reduce_sum3A_115 = arith.constant dense<0.000000e+00> : vector<128xf32>
    %reduce_sum3A_116 = vector.multi_reduction <add>, %mul3A_114, %reduce_sum3A_115 [1] : vector<128x64xf32> to vector<128xf32>
    %broadcast_in_dim3A_117 = vector.shape_cast %reduce_sum3A_116 : vector<128xf32> to vector<128x1xf32>
    %sqrt3A_118 = math.sqrt %broadcast_in_dim3A_117 : vector<128x1xf32>
    %add3A_119 = arith.constant 9.99999997E-7 : f32
    %add3A_120 = vector.broadcast %add3A_119 : f32 to vector<128x1xf32>
    %add3A_121 = arith.addf %sqrt3A_118, %add3A_120 : vector<128x1xf32>
    %div3A_122 = vector.broadcast %add3A_121 : vector<128x1xf32> to vector<128x64xf32>
    %div3A_123 = arith.divf %slice3A_113, %div3A_122 : vector<128x64xf32>
    %slice3A_124 = vector.extract_strided_slice %get3A_112 {offsets = [0, 0], sizes = [128, 64], strides = [1, 1]} : vector<128x128xf32> to vector<128x64xf32>
    %mul3A_125 = arith.mulf %slice3A_124, %slice3A_124 : vector<128x64xf32>
    %reduce_sum3A_126 = arith.constant dense<0.000000e+00> : vector<128xf32>
    %reduce_sum3A_127 = vector.multi_reduction <add>, %mul3A_125, %reduce_sum3A_126 [1] : vector<128x64xf32> to vector<128xf32>
    %broadcast_in_dim3A_128 = vector.shape_cast %reduce_sum3A_127 : vector<128xf32> to vector<128x1xf32>
    %sqrt3A_129 = math.sqrt %broadcast_in_dim3A_128 : vector<128x1xf32>
    %add3A_130 = arith.constant 9.99999997E-7 : f32
    %add3A_131 = vector.broadcast %add3A_130 : f32 to vector<128x1xf32>
    %add3A_132 = arith.addf %sqrt3A_129, %add3A_131 : vector<128x1xf32>
    %div3A_133 = vector.broadcast %add3A_132 : vector<128x1xf32> to vector<128x64xf32>
    %div3A_134 = arith.divf %slice3A_124, %div3A_133 : vector<128x64xf32>
    %concatenate3A_135 = tpu.concatenate %div3A_123, %div3A_134 in 0 : vector<128x64xf32>, vector<128x64xf32> -> vector<256x64xf32>
    %slice3A_136 = vector.extract_strided_slice %get3A_106 {offsets = [0, 64], sizes = [128, 64], strides = [1, 1]} : vector<128x128xf32> to vector<128x64xf32>
    %slice3A_137 = vector.extract_strided_slice %get3A_112 {offsets = [0, 64], sizes = [128, 64], strides = [1, 1]} : vector<128x128xf32> to vector<128x64xf32>
    %concatenate3A_138 = tpu.concatenate %slice3A_136, %slice3A_137 in 0 : vector<128x64xf32>, vector<128x64xf32> -> vector<256x64xf32>
    %dot_general3A_139 = arith.constant dense<0.000000e+00> : vector<128x256xf32>
    %dot_general3A_140 = tpu.matmul %slice3A_113, %concatenate3A_135, %dot_general3A_139 {dimension_numbers = #tpu.dot_dimension_numbers<[1], [1], [0], [0], [0, 0, 1, 0], [], []>, transpose_lhs_hint = false} : vector<128x64xf32>, vector<256x64xf32>, vector<128x256xf32> -> vector<128x256xf32>
    %mul3A_141 = arith.constant 1.250000e-01 : f32
    %mul3A_142 = vector.broadcast %mul3A_141 : f32 to vector<128x256xf32>
    %mul3A_143 = arith.mulf %dot_general3A_140, %mul3A_142 : vector<128x256xf32>
    %get3A_144 = arith.constant 1 : index
    %get3A_145 = arith.constant 0 : index
    %get3A_146 = arith.constant 0 : index
    %get3A_147 = arith.constant 0 : index
    %get3A_148 = vector.load %arg3[%get3A_144, %get3A_145, %get3A_146, %get3A_147] : memref<8x1x128x1xi32, #tpu.memory_space<vmem>>, vector<1x1x128x1xi32>
    %get3A_149 = vector.shape_cast %get3A_148 : vector<1x1x128x1xi32> to vector<128x1xi32>
    %get3A_150 = arith.constant 1 : index
    %get3A_151 = arith.constant 0 : index
    %get3A_152 = arith.constant 0 : index
    %get3A_153 = arith.constant 0 : index
    %get3A_154 = vector.load %arg4[%get3A_150, %get3A_151, %get3A_152, %get3A_153] : memref<8x1x1x128xi32, #tpu.memory_space<vmem>>, vector<1x1x1x128xi32>
    %get3A_155 = vector.shape_cast %get3A_154 : vector<1x1x1x128xi32> to vector<1x128xi32>
    %get3A_156 = arith.constant 1 : index
    %get3A_157 = arith.constant 0 : index
    %get3A_158 = arith.constant 0 : index
    %get3A_159 = arith.constant 0 : index
    %get3A_160 = vector.load %arg5[%get3A_156, %get3A_157, %get3A_158, %get3A_159] : memref<8x1x1x128xi32, #tpu.memory_space<vmem>>, vector<1x1x1x128xi32>
    %get3A_161 = vector.shape_cast %get3A_160 : vector<1x1x1x128xi32> to vector<1x128xi32>
    %concatenate3A_162 = tpu.concatenate %get3A_155, %get3A_161 in 1 : vector<1x128xi32>, vector<1x128xi32> -> vector<1x256xi32>
    %eq3A_163 = vector.broadcast %get3A_149 : vector<128x1xi32> to vector<128x256xi32>
    %eq3A_164 = vector.broadcast %concatenate3A_162 : vector<1x256xi32> to vector<128x256xi32>
    %eq3A_165 = arith.cmpi eq, %eq3A_163, %eq3A_164 : vector<128x256xi32>
    %convert_element_type3A_166 = arith.extui %eq3A_165 : vector<128x256xi1> to vector<128x256xi32>
    %convert_element_type3A_167 = arith.sitofp %convert_element_type3A_166 : vector<128x256xi32> to vector<128x256xf32>
    %mul3A_168 = arith.constant 1.000000e+05 : f32
    %mul3A_169 = vector.broadcast %mul3A_168 : f32 to vector<128x256xf32>
    %mul3A_170 = arith.mulf %mul3A_169, %convert_element_type3A_167 : vector<128x256xf32>
    %sub3A_171 = arith.subf %mul3A_143, %mul3A_170 : vector<128x256xf32>
    %get3A_172 = arith.constant 1 : index
    %get3A_173 = arith.constant 0 : index
    %get3A_174 = arith.constant 0 : index
    %get3A_175 = arith.constant 0 : index
    %get3A_176 = vector.load %arg6[%get3A_172, %get3A_173, %get3A_174, %get3A_175] : memref<8x1x1x128xi32, #tpu.memory_space<vmem>>, vector<1x1x1x128xi32>
    %get3A_177 = vector.shape_cast %get3A_176 : vector<1x1x1x128xi32> to vector<1x128xi32>
    %get3A_178 = arith.constant 1 : index
    %get3A_179 = arith.constant 0 : index
    %get3A_180 = arith.constant 0 : index
    %get3A_181 = arith.constant 0 : index
    %get3A_182 = vector.load %arg7[%get3A_178, %get3A_179, %get3A_180, %get3A_181] : memref<8x1x1x128xi32, #tpu.memory_space<vmem>>, vector<1x1x1x128xi32>
    %get3A_183 = vector.shape_cast %get3A_182 : vector<1x1x1x128xi32> to vector<1x128xi32>
    %concatenate3A_184 = tpu.concatenate %get3A_177, %get3A_183 in 1 : vector<1x128xi32>, vector<1x128xi32> -> vector<1x256xi32>
    %ne3A_185 = arith.constant 0 : i32
    %ne3A_186 = vector.broadcast %ne3A_185 : i32 to vector<1x256xi32>
    %ne3A_187 = arith.cmpi ne, %concatenate3A_184, %ne3A_186 : vector<1x256xi32>
    %jit3A_188 = arith.constant -1.000000e+09 : f32
    %broadcast_in_dim3A_189 = vector.shape_cast %ne3A_187 : vector<1x256xi1> to vector<1x256xi1>
    %broadcast_in_dim3A_190 = vector.broadcast %broadcast_in_dim3A_189 : vector<1x256xi1> to vector<128x256xi1>
    %broadcast_in_dim3A_191 = vector.broadcast %jit3A_188 : f32 to vector<128x256xf32>
    %select_n3A_192 = arith.select %broadcast_in_dim3A_190, %sub3A_171, %broadcast_in_dim3A_191 : vector<128x256xi1>, vector<128x256xf32>
    %reduce_max3A_193 = arith.constant dense<0xFF800000> : vector<128xf32>
    %reduce_max3A_194 = vector.multi_reduction <maximumf>, %select_n3A_192, %reduce_max3A_193 [1] : vector<128x256xf32> to vector<128xf32>
    %broadcast_in_dim3A_195 = vector.shape_cast %reduce_max3A_194 : vector<128xf32> to vector<128x1xf32>
    %sub3A_196 = vector.broadcast %broadcast_in_dim3A_195 : vector<128x1xf32> to vector<128x256xf32>
    %sub3A_197 = arith.subf %select_n3A_192, %sub3A_196 : vector<128x256xf32>
    %exp3A_198 = math.exp %sub3A_197 : vector<128x256xf32>
    %reduce_sum3A_199 = arith.constant dense<0.000000e+00> : vector<128xf32>
    %reduce_sum3A_200 = vector.multi_reduction <add>, %exp3A_198, %reduce_sum3A_199 [1] : vector<128x256xf32> to vector<128xf32>
    %broadcast_in_dim3A_201 = vector.shape_cast %reduce_sum3A_200 : vector<128xf32> to vector<128x1xf32>
    %log3A_202 = math.log %broadcast_in_dim3A_201 : vector<128x1xf32>
    %add3A_203 = arith.addf %broadcast_in_dim3A_195, %log3A_202 : vector<128x1xf32>
    %swap3A_204 = arith.constant 1 : index
    %swap3A_205 = arith.constant 0 : index
    %swap3A_206 = arith.constant 0 : index
    %swap3A_207 = arith.constant 0 : index
    %swap3A_208 = vector.load %arg9[%swap3A_204, %swap3A_205, %swap3A_206, %swap3A_207] : memref<8x1x128x1xf32, #tpu.memory_space<vmem>>, vector<1x1x128x1xf32>
    %swap3A_209 = vector.shape_cast %swap3A_208 : vector<1x1x128x1xf32> to vector<128x1xf32>
    %swap3A_210 = vector.shape_cast %add3A_203 : vector<128x1xf32> to vector<1x1x128x1xf32>
    tpu.vector_store %arg9[%swap3A_204, %swap3A_205, %swap3A_206, %swap3A_207], %swap3A_210 {strides = array<i32>} : memref<8x1x128x1xf32, #tpu.memory_space<vmem>>, vector<1x1x128x1xf32>,
    %div3A_211 = vector.broadcast %broadcast_in_dim3A_201 : vector<128x1xf32> to vector<128x256xf32>
    %div3A_212 = arith.divf %exp3A_198, %div3A_211 : vector<128x256xf32>
    %dot_general3A_213 = arith.constant dense<0.000000e+00> : vector<128x64xf32>
    %dot_general3A_214 = tpu.matmul %div3A_212, %concatenate3A_138, %dot_general3A_213 {dimension_numbers = #tpu.dot_dimension_numbers<[1], [0], [0], [1], [0, 0, 1, 1], [], []>, transpose_lhs_hint = false} : vector<128x256xf32>, vector<256x64xf32>, vector<128x64xf32> -> vector<128x64xf32>
    %swap3A_215 = arith.constant 1 : index
    %swap3A_216 = arith.constant 0 : index
    %swap3A_217 = arith.constant 0 : index
    %swap3A_218 = arith.constant 0 : index
    %swap3A_219 = vector.load %arg8[%swap3A_215, %swap3A_216, %swap3A_217, %swap3A_218] : memref<8x1x128x64xf32, #tpu.memory_space<vmem>>, vector<1x1x128x64xf32>
    %swap3A_220 = vector.shape_cast %swap3A_219 : vector<1x1x128x64xf32> to vector<128x64xf32>
    %swap3A_221 = vector.shape_cast %dot_general3A_214 : vector<128x64xf32> to vector<1x1x128x64xf32>
    tpu.vector_store %arg8[%swap3A_215, %swap3A_216, %swap3A_217, %swap3A_218], %swap3A_221 {strides = array<i32>} : memref<8x1x128x64xf32, #tpu.memory_space<vmem>>, vector<1x1x128x64xf32>,
    %get3A_222 = arith.constant 2 : index
    %get3A_223 = arith.constant 0 : index
    %get3A_224 = arith.constant 0 : index
    %get3A_225 = arith.constant 0 : index
    %get3A_226 = vector.load %arg1[%get3A_222, %get3A_223, %get3A_224, %get3A_225] : memref<8x1x128x128xf32, #tpu.memory_space<vmem>>, vector<1x1x128x128xf32>
    %get3A_227 = vector.shape_cast %get3A_226 : vector<1x1x128x128xf32> to vector<128x128xf32>
    %get3A_228 = arith.constant 2 : index
    %get3A_229 = arith.constant 0 : index
    %get3A_230 = arith.constant 0 : index
    %get3A_231 = arith.constant 0 : index
    %get3A_232 = vector.load %arg2[%get3A_228, %get3A_229, %get3A_230, %get3A_231] : memref<8x1x128x128xf32, #tpu.memory_space<vmem>>, vector<1x1x128x128xf32>
    %get3A_233 = vector.shape_cast %get3A_232 : vector<1x1x128x128xf32> to vector<128x128xf32>
    %slice3A_234 = vector.extract_strided_slice %get3A_227 {offsets = [0, 0], sizes = [128, 64], strides = [1, 1]} : vector<128x128xf32> to vector<128x64xf32>
    %mul3A_235 = arith.mulf %slice3A_234, %slice3A_234 : vector<128x64xf32>
    %reduce_sum3A_236 = arith.constant dense<0.000000e+00> : vector<128xf32>
    %reduce_sum3A_237 = vector.multi_reduction <add>, %mul3A_235, %reduce_sum3A_236 [1] : vector<128x64xf32> to vector<128xf32>
    %broadcast_in_dim3A_238 = vector.shape_cast %reduce_sum3A_237 : vector<128xf32> to vector<128x1xf32>
    %sqrt3A_239 = math.sqrt %broadcast_in_dim3A_238 : vector<128x1xf32>
    %add3A_240 = arith.constant 9.99999997E-7 : f32
    %add3A_241 = vector.broadcast %add3A_240 : f32 to vector<128x1xf32>
    %add3A_242 = arith.addf %sqrt3A_239, %add3A_241 : vector<128x1xf32>
    %div3A_243 = vector.broadcast %add3A_242 : vector<128x1xf32> to vector<128x64xf32>
    %div3A_244 = arith.divf %slice3A_234, %div3A_243 : vector<128x64xf32>
    %slice3A_245 = vector.extract_strided_slice %get3A_233 {offsets = [0, 0], sizes = [128, 64], strides = [1, 1]} : vector<128x128xf32> to vector<128x64xf32>
    %mul3A_246 = arith.mulf %slice3A_245, %slice3A_245 : vector<128x64xf32>
    %reduce_sum3A_247 = arith.constant dense<0.000000e+00> : vector<128xf32>
    %reduce_sum3A_248 = vector.multi_reduction <add>, %mul3A_246, %reduce_sum3A_247 [1] : vector<128x64xf32> to vector<128xf32>
    %broadcast_in_dim3A_249 = vector.shape_cast %reduce_sum3A_248 : vector<128xf32> to vector<128x1xf32>
    %sqrt3A_250 = math.sqrt %broadcast_in_dim3A_249 : vector<128x1xf32>
    %add3A_251 = arith.constant 9.99999997E-7 : f32
    %add3A_252 = vector.broadcast %add3A_251 : f32 to vector<128x1xf32>
    %add3A_253 = arith.addf %sqrt3A_250, %add3A_252 : vector<128x1xf32>
    %div3A_254 = vector.broadcast %add3A_253 : vector<128x1xf32> to vector<128x64xf32>
    %div3A_255 = arith.divf %slice3A_245, %div3A_254 : vector<128x64xf32>
    %concatenate3A_256 = tpu.concatenate %div3A_244, %div3A_255 in 0 : vector<128x64xf32>, vector<128x64xf32> -> vector<256x64xf32>
    %slice3A_257 = vector.extract_strided_slice %get3A_227 {offsets = [0, 64], sizes = [128, 64], strides = [1, 1]} : vector<128x128xf32> to vector<128x64xf32>
    %slice3A_258 = vector.extract_strided_slice %get3A_233 {offsets = [0, 64], sizes = [128, 64], strides = [1, 1]} : vector<128x128xf32> to vector<128x64xf32>
    %concatenate3A_259 = tpu.concatenate %slice3A_257, %slice3A_258 in 0 : vector<128x64xf32>, vector<128x64xf32> -> vector<256x64xf32>
    %dot_general3A_260 = arith.constant dense<0.000000e+00> : vector<128x256xf32>
    %dot_general3A_261 = tpu.matmul %slice3A_234, %concatenate3A_256, %dot_general3A_260 {dimension_numbers = #tpu.dot_dimension_numbers<[1], [1], [0], [0], [0, 0, 1, 0], [], []>, transpose_lhs_hint = false} : vector<128x64xf32>, vector<256x64xf32>, vector<128x256xf32> -> vector<128x256xf32>
    %mul3A_262 = arith.constant 1.250000e-01 : f32
    %mul3A_263 = vector.broadcast %mul3A_262 : f32 to vector<128x256xf32>
    %mul3A_264 = arith.mulf %dot_general3A_261, %mul3A_263 : vector<128x256xf32>
    %get3A_265 = arith.constant 2 : index
    %get3A_266 = arith.constant 0 : index
    %get3A_267 = arith.constant 0 : index
    %get3A_268 = arith.constant 0 : index
    %get3A_269 = vector.load %arg3[%get3A_265, %get3A_266, %get3A_267, %get3A_268] : memref<8x1x128x1xi32, #tpu.memory_space<vmem>>, vector<1x1x128x1xi32>
    %get3A_270 = vector.shape_cast %get3A_269 : vector<1x1x128x1xi32> to vector<128x1xi32>
    %get3A_271 = arith.constant 2 : index
    %get3A_272 = arith.constant 0 : index
    %get3A_273 = arith.constant 0 : index
    %get3A_274 = arith.constant 0 : index
    %get3A_275 = vector.load %arg4[%get3A_271, %get3A_272, %get3A_273, %get3A_274] : memref<8x1x1x128xi32, #tpu.memory_space<vmem>>, vector<1x1x1x128xi32>
    %get3A_276 = vector.shape_cast %get3A_275 : vector<1x1x1x128xi32> to vector<1x128xi32>
    %get3A_277 = arith.constant 2 : index
    %get3A_278 = arith.constant 0 : index
    %get3A_279 = arith.constant 0 : index
    %get3A_280 = arith.constant 0 : index
    %get3A_281 = vector.load %arg5[%get3A_277, %get3A_278, %get3A_279, %get3A_280] : memref<8x1x1x128xi32, #tpu.memory_space<vmem>>, vector<1x1x1x128xi32>
    %get3A_282 = vector.shape_cast %get3A_281 : vector<1x1x1x128xi32> to vector<1x128xi32>
    %concatenate3A_283 = tpu.concatenate %get3A_276, %get3A_282 in 1 : vector<1x128xi32>, vector<1x128xi32> -> vector<1x256xi32>
    %eq3A_284 = vector.broadcast %get3A_270 : vector<128x1xi32> to vector<128x256xi32>
    %eq3A_285 = vector.broadcast %concatenate3A_283 : vector<1x256xi32> to vector<128x256xi32>
    %eq3A_286 = arith.cmpi eq, %eq3A_284, %eq3A_285 : vector<128x256xi32>
    %convert_element_type3A_287 = arith.extui %eq3A_286 : vector<128x256xi1> to vector<128x256xi32>
    %convert_element_type3A_288 = arith.sitofp %convert_element_type3A_287 : vector<128x256xi32> to vector<128x256xf32>
    %mul3A_289 = arith.constant 1.000000e+05 : f32
    %mul3A_290 = vector.broadcast %mul3A_289 : f32 to vector<128x256xf32>
    %mul3A_291 = arith.mulf %mul3A_290, %convert_element_type3A_288 : vector<128x256xf32>
    %sub3A_292 = arith.subf %mul3A_264, %mul3A_291 : vector<128x256xf32>
    %get3A_293 = arith.constant 2 : index
    %get3A_294 = arith.constant 0 : index
    %get3A_295 = arith.constant 0 : index
    %get3A_296 = arith.constant 0 : index
    %get3A_297 = vector.load %arg6[%get3A_293, %get3A_294, %get3A_295, %get3A_296] : memref<8x1x1x128xi32, #tpu.memory_space<vmem>>, vector<1x1x1x128xi32>
    %get3A_298 = vector.shape_cast %get3A_297 : vector<1x1x1x128xi32> to vector<1x128xi32>
    %get3A_299 = arith.constant 2 : index
    %get3A_300 = arith.constant 0 : index
    %get3A_301 = arith.constant 0 : index
    %get3A_302 = arith.constant 0 : index
    %get3A_303 = vector.load %arg7[%get3A_299, %get3A_300, %get3A_301, %get3A_302] : memref<8x1x1x128xi32, #tpu.memory_space<vmem>>, vector<1x1x1x128xi32>
    %get3A_304 = vector.shape_cast %get3A_303 : vector<1x1x1x128xi32> to vector<1x128xi32>
    %concatenate3A_305 = tpu.concatenate %get3A_298, %get3A_304 in 1 : vector<1x128xi32>, vector<1x128xi32> -> vector<1x256xi32>
    %ne3A_306 = arith.constant 0 : i32
    %ne3A_307 = vector.broadcast %ne3A_306 : i32 to vector<1x256xi32>
    %ne3A_308 = arith.cmpi ne, %concatenate3A_305, %ne3A_307 : vector<1x256xi32>
    %jit3A_309 = arith.constant -1.000000e+09 : f32
    %broadcast_in_dim3A_310 = vector.shape_cast %ne3A_308 : vector<1x256xi1> to vector<1x256xi1>
    %broadcast_in_dim3A_311 = vector.broadcast %broadcast_in_dim3A_310 : vector<1x256xi1> to vector<128x256xi1>
    %broadcast_in_dim3A_312 = vector.broadcast %jit3A_309 : f32 to vector<128x256xf32>
    %select_n3A_313 = arith.select %broadcast_in_dim3A_311, %sub3A_292, %broadcast_in_dim3A_312 : vector<128x256xi1>, vector<128x256xf32>
    %reduce_max3A_314 = arith.constant dense<0xFF800000> : vector<128xf32>
    %reduce_max3A_315 = vector.multi_reduction <maximumf>, %select_n3A_313, %reduce_max3A_314 [1] : vector<128x256xf32> to vector<128xf32>
    %broadcast_in_dim3A_316 = vector.shape_cast %reduce_max3A_315 : vector<128xf32> to vector<128x1xf32>
    %sub3A_317 = vector.broadcast %broadcast_in_dim3A_316 : vector<128x1xf32> to vector<128x256xf32>
    %sub3A_318 = arith.subf %select_n3A_313, %sub3A_317 : vector<128x256xf32>
    %exp3A_319 = math.exp %sub3A_318 : vector<128x256xf32>
    %reduce_sum3A_320 = arith.constant dense<0.000000e+00> : vector<128xf32>
    %reduce_sum3A_321 = vector.multi_reduction <add>, %exp3A_319, %reduce_sum3A_320 [1] : vector<128x256xf32> to vector<128xf32>
    %broadcast_in_dim3A_322 = vector.shape_cast %reduce_sum3A_321 : vector<128xf32> to vector<128x1xf32>
    %log3A_323 = math.log %broadcast_in_dim3A_322 : vector<128x1xf32>
    %add3A_324 = arith.addf %broadcast_in_dim3A_316, %log3A_323 : vector<128x1xf32>
    %swap3A_325 = arith.constant 2 : index
    %swap3A_326 = arith.constant 0 : index
    %swap3A_327 = arith.constant 0 : index
    %swap3A_328 = arith.constant 0 : index
    %swap3A_329 = vector.load %arg9[%swap3A_325, %swap3A_326, %swap3A_327, %swap3A_328] : memref<8x1x128x1xf32, #tpu.memory_space<vmem>>, vector<1x1x128x1xf32>
    %swap3A_330 = vector.shape_cast %swap3A_329 : vector<1x1x128x1xf32> to vector<128x1xf32>
    %swap3A_331 = vector.shape_cast %add3A_324 : vector<128x1xf32> to vector<1x1x128x1xf32>
    tpu.vector_store %arg9[%swap3A_325, %swap3A_326, %swap3A_327, %swap3A_328], %swap3A_331 {strides = array<i32>} : memref<8x1x128x1xf32, #tpu.memory_space<vmem>>, vector<1x1x128x1xf32>,
    %div3A_332 = vector.broadcast %broadcast_in_dim3A_322 : vector<128x1xf32> to vector<128x256xf32>
    %div3A_333 = arith.divf %exp3A_319, %div3A_332 : vector<128x256xf32>
    %dot_general3A_334 = arith.constant dense<0.000000e+00> : vector<128x64xf32>
    %dot_general3A_335 = tpu.matmul %div3A_333, %concatenate3A_259, %dot_general3A_334 {dimension_numbers = #tpu.dot_dimension_numbers<[1], [0], [0], [1], [0, 0, 1, 1], [], []>, transpose_lhs_hint = false} : vector<128x256xf32>, vector<256x64xf32>, vector<128x64xf32> -> vector<128x64xf32>
    %swap3A_336 = arith.constant 2 : index
    %swap3A_337 = arith.constant 0 : index
    %swap3A_338 = arith.constant 0 : index
    %swap3A_339 = arith.constant 0 : index
    %swap3A_340 = vector.load %arg8[%swap3A_336, %swap3A_337, %swap3A_338, %swap3A_339] : memref<8x1x128x64xf32, #tpu.memory_space<vmem>>, vector<1x1x128x64xf32>
    %swap3A_341 = vector.shape_cast %swap3A_340 : vector<1x1x128x64xf32> to vector<128x64xf32>
    %swap3A_342 = vector.shape_cast %dot_general3A_335 : vector<128x64xf32> to vector<1x1x128x64xf32>
    tpu.vector_store %arg8[%swap3A_336, %swap3A_337, %swap3A_338, %swap3A_339], %swap3A_342 {strides = array<i32>} : memref<8x1x128x64xf32, #tpu.memory_space<vmem>>, vector<1x1x128x64xf32>,
    %get3A_343 = arith.constant 3 : index
    %get3A_344 = arith.constant 0 : index
    %get3A_345 = arith.constant 0 : index
    %get3A_346 = arith.constant 0 : index
    %get3A_347 = vector.load %arg1[%get3A_343, %get3A_344, %get3A_345, %get3A_346] : memref<8x1x128x128xf32, #tpu.memory_space<vmem>>, vector<1x1x128x128xf32>
    %get3A_348 = vector.shape_cast %get3A_347 : vector<1x1x128x128xf32> to vector<128x128xf32>
    %get3A_349 = arith.constant 3 : index
    %get3A_350 = arith.constant 0 : index
    %get3A_351 = arith.constant 0 : index
    %get3A_352 = arith.constant 0 : index
    %get3A_353 = vector.load %arg2[%get3A_349, %get3A_350, %get3A_351, %get3A_352] : memref<8x1x128x128xf32, #tpu.memory_space<vmem>>, vector<1x1x128x128xf32>
    %get3A_354 = vector.shape_cast %get3A_353 : vector<1x1x128x128xf32> to vector<128x128xf32>
    %slice3A_355 = vector.extract_strided_slice %get3A_348 {offsets = [0, 0], sizes = [128, 64], strides = [1, 1]} : vector<128x128xf32> to vector<128x64xf32>
    %mul3A_356 = arith.mulf %slice3A_355, %slice3A_355 : vector<128x64xf32>
    %reduce_sum3A_357 = arith.constant dense<0.000000e+00> : vector<128xf32>
    %reduce_sum3A_358 = vector.multi_reduction <add>, %mul3A_356, %reduce_sum3A_357 [1] : vector<128x64xf32> to vector<128xf32>
    %broadcast_in_dim3A_359 = vector.shape_cast %reduce_sum3A_358 : vector<128xf32> to vector<128x1xf32>
    %sqrt3A_360 = math.sqrt %broadcast_in_dim3A_359 : vector<128x1xf32>
    %add3A_361 = arith.constant 9.99999997E-7 : f32
    %add3A_362 = vector.broadcast %add3A_361 : f32 to vector<128x1xf32>
    %add3A_363 = arith.addf %sqrt3A_360, %add3A_362 : vector<128x1xf32>
    %div3A_364 = vector.broadcast %add3A_363 : vector<128x1xf32> to vector<128x64xf32>
    %div3A_365 = arith.divf %slice3A_355, %div3A_364 : vector<128x64xf32>
    %slice3A_366 = vector.extract_strided_slice %get3A_354 {offsets = [0, 0], sizes = [128, 64], strides = [1, 1]} : vector<128x128xf32> to vector<128x64xf32>
    %mul3A_367 = arith.mulf %slice3A_366, %slice3A_366 : vector<128x64xf32>
    %reduce_sum3A_368 = arith.constant dense<0.000000e+00> : vector<128xf32>
    %reduce_sum3A_369 = vector.multi_reduction <add>, %mul3A_367, %reduce_sum3A_368 [1] : vector<128x64xf32> to vector<128xf32>
    %broadcast_in_dim3A_370 = vector.shape_cast %reduce_sum3A_369 : vector<128xf32> to vector<128x1xf32>
    %sqrt3A_371 = math.sqrt %broadcast_in_dim3A_370 : vector<128x1xf32>
    %add3A_372 = arith.constant 9.99999997E-7 : f32
    %add3A_373 = vector.broadcast %add3A_372 : f32 to vector<128x1xf32>
    %add3A_374 = arith.addf %sqrt3A_371, %add3A_373 : vector<128x1xf32>
    %div3A_375 = vector.broadcast %add3A_374 : vector<128x1xf32> to vector<128x64xf32>
    %div3A_376 = arith.divf %slice3A_366, %div3A_375 : vector<128x64xf32>
    %concatenate3A_377 = tpu.concatenate %div3A_365, %div3A_376 in 0 : vector<128x64xf32>, vector<128x64xf32> -> vector<256x64xf32>
    %slice3A_378 = vector.extract_strided_slice %get3A_348 {offsets = [0, 64], sizes = [128, 64], strides = [1, 1]} : vector<128x128xf32> to vector<128x64xf32>
    %slice3A_379 = vector.extract_strided_slice %get3A_354 {offsets = [0, 64], sizes = [128, 64], strides = [1, 1]} : vector<128x128xf32> to vector<128x64xf32>
    %concatenate3A_380 = tpu.concatenate %slice3A_378, %slice3A_379 in 0 : vector<128x64xf32>, vector<128x64xf32> -> vector<256x64xf32>
    %dot_general3A_381 = arith.constant dense<0.000000e+00> : vector<128x256xf32>
    %dot_general3A_382 = tpu.matmul %slice3A_355, %concatenate3A_377, %dot_general3A_381 {dimension_numbers = #tpu.dot_dimension_numbers<[1], [1], [0], [0], [0, 0, 1, 0], [], []>, transpose_lhs_hint = false} : vector<128x64xf32>, vector<256x64xf32>, vector<128x256xf32> -> vector<128x256xf32>
    %mul3A_383 = arith.constant 1.250000e-01 : f32
    %mul3A_384 = vector.broadcast %mul3A_383 : f32 to vector<128x256xf32>
    %mul3A_385 = arith.mulf %dot_general3A_382, %mul3A_384 : vector<128x256xf32>
    %get3A_386 = arith.constant 3 : index
    %get3A_387 = arith.constant 0 : index
    %get3A_388 = arith.constant 0 : index
    %get3A_389 = arith.constant 0 : index
    %get3A_390 = vector.load %arg3[%get3A_386, %get3A_387, %get3A_388, %get3A_389] : memref<8x1x128x1xi32, #tpu.memory_space<vmem>>, vector<1x1x128x1xi32>
    %get3A_391 = vector.shape_cast %get3A_390 : vector<1x1x128x1xi32> to vector<128x1xi32>
    %get3A_392 = arith.constant 3 : index
    %get3A_393 = arith.constant 0 : index
    %get3A_394 = arith.constant 0 : index
    %get3A_395 = arith.constant 0 : index
    %get3A_396 = vector.load %arg4[%get3A_392, %get3A_393, %get3A_394, %get3A_395] : memref<8x1x1x128xi32, #tpu.memory_space<vmem>>, vector<1x1x1x128xi32>
    %get3A_397 = vector.shape_cast %get3A_396 : vector<1x1x1x128xi32> to vector<1x128xi32>
    %get3A_398 = arith.constant 3 : index
    %get3A_399 = arith.constant 0 : index
    %get3A_400 = arith.constant 0 : index
    %get3A_401 = arith.constant 0 : index
    %get3A_402 = vector.load %arg5[%get3A_398, %get3A_399, %get3A_400, %get3A_401] : memref<8x1x1x128xi32, #tpu.memory_space<vmem>>, vector<1x1x1x128xi32>
    %get3A_403 = vector.shape_cast %get3A_402 : vector<1x1x1x128xi32> to vector<1x128xi32>
    %concatenate3A_404 = tpu.concatenate %get3A_397, %get3A_403 in 1 : vector<1x128xi32>, vector<1x128xi32> -> vector<1x256xi32>
    %eq3A_405 = vector.broadcast %get3A_391 : vector<128x1xi32> to vector<128x256xi32>
    %eq3A_406 = vector.broadcast %concatenate3A_404 : vector<1x256xi32> to vector<128x256xi32>
    %eq3A_407 = arith.cmpi eq, %eq3A_405, %eq3A_406 : vector<128x256xi32>
    %convert_element_type3A_408 = arith.extui %eq3A_407 : vector<128x256xi1> to vector<128x256xi32>
    %convert_element_type3A_409 = arith.sitofp %convert_element_type3A_408 : vector<128x256xi32> to vector<128x256xf32>
    %mul3A_410 = arith.constant 1.000000e+05 : f32
    %mul3A_411 = vector.broadcast %mul3A_410 : f32 to vector<128x256xf32>
    %mul3A_412 = arith.mulf %mul3A_411, %convert_element_type3A_409 : vector<128x256xf32>
    %sub3A_413 = arith.subf %mul3A_385, %mul3A_412 : vector<128x256xf32>
    %get3A_414 = arith.constant 3 : index
    %get3A_415 = arith.constant 0 : index
    %get3A_416 = arith.constant 0 : index
    %get3A_417 = arith.constant 0 : index
    %get3A_418 = vector.load %arg6[%get3A_414, %get3A_415, %get3A_416, %get3A_417] : memref<8x1x1x128xi32, #tpu.memory_space<vmem>>, vector<1x1x1x128xi32>
    %get3A_419 = vector.shape_cast %get3A_418 : vector<1x1x1x128xi32> to vector<1x128xi32>
    %get3A_420 = arith.constant 3 : index
    %get3A_421 = arith.constant 0 : index
    %get3A_422 = arith.constant 0 : index
    %get3A_423 = arith.constant 0 : index
    %get3A_424 = vector.load %arg7[%get3A_420, %get3A_421, %get3A_422, %get3A_423] : memref<8x1x1x128xi32, #tpu.memory_space<vmem>>, vector<1x1x1x128xi32>
    %get3A_425 = vector.shape_cast %get3A_424 : vector<1x1x1x128xi32> to vector<1x128xi32>
    %concatenate3A_426 = tpu.concatenate %get3A_419, %get3A_425 in 1 : vector<1x128xi32>, vector<1x128xi32> -> vector<1x256xi32>
    %ne3A_427 = arith.constant 0 : i32
    %ne3A_428 = vector.broadcast %ne3A_427 : i32 to vector<1x256xi32>
    %ne3A_429 = arith.cmpi ne, %concatenate3A_426, %ne3A_428 : vector<1x256xi32>
    %jit3A_430 = arith.constant -1.000000e+09 : f32
    %broadcast_in_dim3A_431 = vector.shape_cast %ne3A_429 : vector<1x256xi1> to vector<1x256xi1>
    %broadcast_in_dim3A_432 = vector.broadcast %broadcast_in_dim3A_431 : vector<1x256xi1> to vector<128x256xi1>
    %broadcast_in_dim3A_433 = vector.broadcast %jit3A_430 : f32 to vector<128x256xf32>
    %select_n3A_434 = arith.select %broadcast_in_dim3A_432, %sub3A_413, %broadcast_in_dim3A_433 : vector<128x256xi1>, vector<128x256xf32>
    %reduce_max3A_435 = arith.constant dense<0xFF800000> : vector<128xf32>
    %reduce_max3A_436 = vector.multi_reduction <maximumf>, %select_n3A_434, %reduce_max3A_435 [1] : vector<128x256xf32> to vector<128xf32>
    %broadcast_in_dim3A_437 = vector.shape_cast %reduce_max3A_436 : vector<128xf32> to vector<128x1xf32>
    %sub3A_438 = vector.broadcast %broadcast_in_dim3A_437 : vector<128x1xf32> to vector<128x256xf32>
    %sub3A_439 = arith.subf %select_n3A_434, %sub3A_438 : vector<128x256xf32>
    %exp3A_440 = math.exp %sub3A_439 : vector<128x256xf32>
    %reduce_sum3A_441 = arith.constant dense<0.000000e+00> : vector<128xf32>
    %reduce_sum3A_442 = vector.multi_reduction <add>, %exp3A_440, %reduce_sum3A_441 [1] : vector<128x256xf32> to vector<128xf32>
    %broadcast_in_dim3A_443 = vector.shape_cast %reduce_sum3A_442 : vector<128xf32> to vector<128x1xf32>
    %log3A_444 = math.log %broadcast_in_dim3A_443 : vector<128x1xf32>
    %add3A_445 = arith.addf %broadcast_in_dim3A_437, %log3A_444 : vector<128x1xf32>
    %swap3A_446 = arith.constant 3 : index
    %swap3A_447 = arith.constant 0 : index
    %swap3A_448 = arith.constant 0 : index
    %swap3A_449 = arith.constant 0 : index
    %swap3A_450 = vector.load %arg9[%swap3A_446, %swap3A_447, %swap3A_448, %swap3A_449] : memref<8x1x128x1xf32, #tpu.memory_space<vmem>>, vector<1x1x128x1xf32>
    %swap3A_451 = vector.shape_cast %swap3A_450 : vector<1x1x128x1xf32> to vector<128x1xf32>
    %swap3A_452 = vector.shape_cast %add3A_445 : vector<128x1xf32> to vector<1x1x128x1xf32>
    tpu.vector_store %arg9[%swap3A_446, %swap3A_447, %swap3A_448, %swap3A_449], %swap3A_452 {strides = array<i32>} : memref<8x1x128x1xf32, #tpu.memory_space<vmem>>, vector<1x1x128x1xf32>,
    %div3A_453 = vector.broadcast %broadcast_in_dim3A_443 : vector<128x1xf32> to vector<128x256xf32>
    %div3A_454 = arith.divf %exp3A_440, %div3A_453 : vector<128x256xf32>
    %dot_general3A_455 = arith.constant dense<0.000000e+00> : vector<128x64xf32>
    %dot_general3A_456 = tpu.matmul %div3A_454, %concatenate3A_380, %dot_general3A_455 {dimension_numbers = #tpu.dot_dimension_numbers<[1], [0], [0], [1], [0, 0, 1, 1], [], []>, transpose_lhs_hint = false} : vector<128x256xf32>, vector<256x64xf32>, vector<128x64xf32> -> vector<128x64xf32>
    %swap3A_457 = arith.constant 3 : index
    %swap3A_458 = arith.constant 0 : index
    %swap3A_459 = arith.constant 0 : index
    %swap3A_460 = arith.constant 0 : index
    %swap3A_461 = vector.load %arg8[%swap3A_457, %swap3A_458, %swap3A_459, %swap3A_460] : memref<8x1x128x64xf32, #tpu.memory_space<vmem>>, vector<1x1x128x64xf32>
    %swap3A_462 = vector.shape_cast %swap3A_461 : vector<1x1x128x64xf32> to vector<128x64xf32>
    %swap3A_463 = vector.shape_cast %dot_general3A_456 : vector<128x64xf32> to vector<1x1x128x64xf32>
    tpu.vector_store %arg8[%swap3A_457, %swap3A_458, %swap3A_459, %swap3A_460], %swap3A_463 {strides = array<i32>} : memref<8x1x128x64xf32, #tpu.memory_space<vmem>>, vector<1x1x128x64xf32>,
    %get3A_464 = arith.constant 4 : index
    %get3A_465 = arith.constant 0 : index
    %get3A_466 = arith.constant 0 : index
    %get3A_467 = arith.constant 0 : index
    %get3A_468 = vector.load %arg1[%get3A_464, %get3A_465, %get3A_466, %get3A_467] : memref<8x1x128x128xf32, #tpu.memory_space<vmem>>, vector<1x1x128x128xf32>
    %get3A_469 = vector.shape_cast %get3A_468 : vector<1x1x128x128xf32> to vector<128x128xf32>
    %get3A_470 = arith.constant 4 : index
    %get3A_471 = arith.constant 0 : index
    %get3A_472 = arith.constant 0 : index
    %get3A_473 = arith.constant 0 : index
    %get3A_474 = vector.load %arg2[%get3A_470, %get3A_471, %get3A_472, %get3A_473] : memref<8x1x128x128xf32, #tpu.memory_space<vmem>>, vector<1x1x128x128xf32>
    %get3A_475 = vector.shape_cast %get3A_474 : vector<1x1x128x128xf32> to vector<128x128xf32>
    %slice3A_476 = vector.extract_strided_slice %get3A_469 {offsets = [0, 0], sizes = [128, 64], strides = [1, 1]} : vector<128x128xf32> to vector<128x64xf32>
    %mul3A_477 = arith.mulf %slice3A_476, %slice3A_476 : vector<128x64xf32>
    %reduce_sum3A_478 = arith.constant dense<0.000000e+00> : vector<128xf32>
    %reduce_sum3A_479 = vector.multi_reduction <add>, %mul3A_477, %reduce_sum3A_478 [1] : vector<128x64xf32> to vector<128xf32>
    %broadcast_in_dim3A_480 = vector.shape_cast %reduce_sum3A_479 : vector<128xf32> to vector<128x1xf32>
    %sqrt3A_481 = math.sqrt %broadcast_in_dim3A_480 : vector<128x1xf32>
    %add3A_482 = arith.constant 9.99999997E-7 : f32
    %add3A_483 = vector.broadcast %add3A_482 : f32 to vector<128x1xf32>
    %add3A_484 = arith.addf %sqrt3A_481, %add3A_483 : vector<128x1xf32>
    %div3A_485 = vector.broadcast %add3A_484 : vector<128x1xf32> to vector<128x64xf32>
    %div3A_486 = arith.divf %slice3A_476, %div3A_485 : vector<128x64xf32>
    %slice3A_487 = vector.extract_strided_slice %get3A_475 {offsets = [0, 0], sizes = [128, 64], strides = [1, 1]} : vector<128x128xf32> to vector<128x64xf32>
    %mul3A_488 = arith.mulf %slice3A_487, %slice3A_487 : vector<128x64xf32>
    %reduce_sum3A_489 = arith.constant dense<0.000000e+00> : vector<128xf32>
    %reduce_sum3A_490 = vector.multi_reduction <add>, %mul3A_488, %reduce_sum3A_489 [1] : vector<128x64xf32> to vector<128xf32>
    %broadcast_in_dim3A_491 = vector.shape_cast %reduce_sum3A_490 : vector<128xf32> to vector<128x1xf32>
    %sqrt3A_492 = math.sqrt %broadcast_in_dim3A_491 : vector<128x1xf32>
    %add3A_493 = arith.constant 9.99999997E-7 : f32
    %add3A_494 = vector.broadcast %add3A_493 : f32 to vector<128x1xf32>
    %add3A_495 = arith.addf %sqrt3A_492, %add3A_494 : vector<128x1xf32>
    %div3A_496 = vector.broadcast %add3A_495 : vector<128x1xf32> to vector<128x64xf32>
    %div3A_497 = arith.divf %slice3A_487, %div3A_496 : vector<128x64xf32>
    %concatenate3A_498 = tpu.concatenate %div3A_486, %div3A_497 in 0 : vector<128x64xf32>, vector<128x64xf32> -> vector<256x64xf32>
    %slice3A_499 = vector.extract_strided_slice %get3A_469 {offsets = [0, 64], sizes = [128, 64], strides = [1, 1]} : vector<128x128xf32> to vector<128x64xf32>
    %slice3A_500 = vector.extract_strided_slice %get3A_475 {offsets = [0, 64], sizes = [128, 64], strides = [1, 1]} : vector<128x128xf32> to vector<128x64xf32>
    %concatenate3A_501 = tpu.concatenate %slice3A_499, %slice3A_500 in 0 : vector<128x64xf32>, vector<128x64xf32> -> vector<256x64xf32>
    %dot_general3A_502 = arith.constant dense<0.000000e+00> : vector<128x256xf32>
    %dot_general3A_503 = tpu.matmul %slice3A_476, %concatenate3A_498, %dot_general3A_502 {dimension_numbers = #tpu.dot_dimension_numbers<[1], [1], [0], [0], [0, 0, 1, 0], [], []>, transpose_lhs_hint = false} : vector<128x64xf32>, vector<256x64xf32>, vector<128x256xf32> -> vector<128x256xf32>
    %mul3A_504 = arith.constant 1.250000e-01 : f32
    %mul3A_505 = vector.broadcast %mul3A_504 : f32 to vector<128x256xf32>
    %mul3A_506 = arith.mulf %dot_general3A_503, %mul3A_505 : vector<128x256xf32>
    %get3A_507 = arith.constant 4 : index
    %get3A_508 = arith.constant 0 : index
    %get3A_509 = arith.constant 0 : index
    %get3A_510 = arith.constant 0 : index
    %get3A_511 = vector.load %arg3[%get3A_507, %get3A_508, %get3A_509, %get3A_510] : memref<8x1x128x1xi32, #tpu.memory_space<vmem>>, vector<1x1x128x1xi32>
    %get3A_512 = vector.shape_cast %get3A_511 : vector<1x1x128x1xi32> to vector<128x1xi32>
    %get3A_513 = arith.constant 4 : index
    %get3A_514 = arith.constant 0 : index
    %get3A_515 = arith.constant 0 : index
    %get3A_516 = arith.constant 0 : index
    %get3A_517 = vector.load %arg4[%get3A_513, %get3A_514, %get3A_515, %get3A_516] : memref<8x1x1x128xi32, #tpu.memory_space<vmem>>, vector<1x1x1x128xi32>
    %get3A_518 = vector.shape_cast %get3A_517 : vector<1x1x1x128xi32> to vector<1x128xi32>
    %get3A_519 = arith.constant 4 : index
    %get3A_520 = arith.constant 0 : index
    %get3A_521 = arith.constant 0 : index
    %get3A_522 = arith.constant 0 : index
    %get3A_523 = vector.load %arg5[%get3A_519, %get3A_520, %get3A_521, %get3A_522] : memref<8x1x1x128xi32, #tpu.memory_space<vmem>>, vector<1x1x1x128xi32>
    %get3A_524 = vector.shape_cast %get3A_523 : vector<1x1x1x128xi32> to vector<1x128xi32>
    %concatenate3A_525 = tpu.concatenate %get3A_518, %get3A_524 in 1 : vector<1x128xi32>, vector<1x128xi32> -> vector<1x256xi32>
    %eq3A_526 = vector.broadcast %get3A_512 : vector<128x1xi32> to vector<128x256xi32>
    %eq3A_527 = vector.broadcast %concatenate3A_525 : vector<1x256xi32> to vector<128x256xi32>
    %eq3A_528 = arith.cmpi eq, %eq3A_526, %eq3A_527 : vector<128x256xi32>
    %convert_element_type3A_529 = arith.extui %eq3A_528 : vector<128x256xi1> to vector<128x256xi32>
    %convert_element_type3A_530 = arith.sitofp %convert_element_type3A_529 : vector<128x256xi32> to vector<128x256xf32>
    %mul3A_531 = arith.constant 1.000000e+05 : f32
    %mul3A_532 = vector.broadcast %mul3A_531 : f32 to vector<128x256xf32>
    %mul3A_533 = arith.mulf %mul3A_532, %convert_element_type3A_530 : vector<128x256xf32>
    %sub3A_534 = arith.subf %mul3A_506, %mul3A_533 : vector<128x256xf32>
    %get3A_535 = arith.constant 4 : index
    %get3A_536 = arith.constant 0 : index
    %get3A_537 = arith.constant 0 : index
    %get3A_538 = arith.constant 0 : index
    %get3A_539 = vector.load %arg6[%get3A_535, %get3A_536, %get3A_537, %get3A_538] : memref<8x1x1x128xi32, #tpu.memory_space<vmem>>, vector<1x1x1x128xi32>
    %get3A_540 = vector.shape_cast %get3A_539 : vector<1x1x1x128xi32> to vector<1x128xi32>
    %get3A_541 = arith.constant 4 : index
    %get3A_542 = arith.constant 0 : index
    %get3A_543 = arith.constant 0 : index
    %get3A_544 = arith.constant 0 : index
    %get3A_545 = vector.load %arg7[%get3A_541, %get3A_542, %get3A_543, %get3A_544] : memref<8x1x1x128xi32, #tpu.memory_space<vmem>>, vector<1x1x1x128xi32>
    %get3A_546 = vector.shape_cast %get3A_545 : vector<1x1x1x128xi32> to vector<1x128xi32>
    %concatenate3A_547 = tpu.concatenate %get3A_540, %get3A_546 in 1 : vector<1x128xi32>, vector<1x128xi32> -> vector<1x256xi32>
    %ne3A_548 = arith.constant 0 : i32
    %ne3A_549 = vector.broadcast %ne3A_548 : i32 to vector<1x256xi32>
    %ne3A_550 = arith.cmpi ne, %concatenate3A_547, %ne3A_549 : vector<1x256xi32>
    %jit3A_551 = arith.constant -1.000000e+09 : f32
    %broadcast_in_dim3A_552 = vector.shape_cast %ne3A_550 : vector<1x256xi1> to vector<1x256xi1>
    %broadcast_in_dim3A_553 = vector.broadcast %broadcast_in_dim3A_552 : vector<1x256xi1> to vector<128x256xi1>
    %broadcast_in_dim3A_554 = vector.broadcast %jit3A_551 : f32 to vector<128x256xf32>
    %select_n3A_555 = arith.select %broadcast_in_dim3A_553, %sub3A_534, %broadcast_in_dim3A_554 : vector<128x256xi1>, vector<128x256xf32>
    %reduce_max3A_556 = arith.constant dense<0xFF800000> : vector<128xf32>
    %reduce_max3A_557 = vector.multi_reduction <maximumf>, %select_n3A_555, %reduce_max3A_556 [1] : vector<128x256xf32> to vector<128xf32>
    %broadcast_in_dim3A_558 = vector.shape_cast %reduce_max3A_557 : vector<128xf32> to vector<128x1xf32>
    %sub3A_559 = vector.broadcast %broadcast_in_dim3A_558 : vector<128x1xf32> to vector<128x256xf32>
    %sub3A_560 = arith.subf %select_n3A_555, %sub3A_559 : vector<128x256xf32>
    %exp3A_561 = math.exp %sub3A_560 : vector<128x256xf32>
    %reduce_sum3A_562 = arith.constant dense<0.000000e+00> : vector<128xf32>
    %reduce_sum3A_563 = vector.multi_reduction <add>, %exp3A_561, %reduce_sum3A_562 [1] : vector<128x256xf32> to vector<128xf32>
    %broadcast_in_dim3A_564 = vector.shape_cast %reduce_sum3A_563 : vector<128xf32> to vector<128x1xf32>
    %log3A_565 = math.log %broadcast_in_dim3A_564 : vector<128x1xf32>
    %add3A_566 = arith.addf %broadcast_in_dim3A_558, %log3A_565 : vector<128x1xf32>
    %swap3A_567 = arith.constant 4 : index
    %swap3A_568 = arith.constant 0 : index
    %swap3A_569 = arith.constant 0 : index
    %swap3A_570 = arith.constant 0 : index
    %swap3A_571 = vector.load %arg9[%swap3A_567, %swap3A_568, %swap3A_569, %swap3A_570] : memref<8x1x128x1xf32, #tpu.memory_space<vmem>>, vector<1x1x128x1xf32>
    %swap3A_572 = vector.shape_cast %swap3A_571 : vector<1x1x128x1xf32> to vector<128x1xf32>
    %swap3A_573 = vector.shape_cast %add3A_566 : vector<128x1xf32> to vector<1x1x128x1xf32>
    tpu.vector_store %arg9[%swap3A_567, %swap3A_568, %swap3A_569, %swap3A_570], %swap3A_573 {strides = array<i32>} : memref<8x1x128x1xf32, #tpu.memory_space<vmem>>, vector<1x1x128x1xf32>,
    %div3A_574 = vector.broadcast %broadcast_in_dim3A_564 : vector<128x1xf32> to vector<128x256xf32>
    %div3A_575 = arith.divf %exp3A_561, %div3A_574 : vector<128x256xf32>
    %dot_general3A_576 = arith.constant dense<0.000000e+00> : vector<128x64xf32>
    %dot_general3A_577 = tpu.matmul %div3A_575, %concatenate3A_501, %dot_general3A_576 {dimension_numbers = #tpu.dot_dimension_numbers<[1], [0], [0], [1], [0, 0, 1, 1], [], []>, transpose_lhs_hint = false} : vector<128x256xf32>, vector<256x64xf32>, vector<128x64xf32> -> vector<128x64xf32>
    %swap3A_578 = arith.constant 4 : index
    %swap3A_579 = arith.constant 0 : index
    %swap3A_580 = arith.constant 0 : index
    %swap3A_581 = arith.constant 0 : index
    %swap3A_582 = vector.load %arg8[%swap3A_578, %swap3A_579, %swap3A_580, %swap3A_581] : memref<8x1x128x64xf32, #tpu.memory_space<vmem>>, vector<1x1x128x64xf32>
    %swap3A_583 = vector.shape_cast %swap3A_582 : vector<1x1x128x64xf32> to vector<128x64xf32>
    %swap3A_584 = vector.shape_cast %dot_general3A_577 : vector<128x64xf32> to vector<1x1x128x64xf32>
    tpu.vector_store %arg8[%swap3A_578, %swap3A_579, %swap3A_580, %swap3A_581], %swap3A_584 {strides = array<i32>} : memref<8x1x128x64xf32, #tpu.memory_space<vmem>>, vector<1x1x128x64xf32>,
    %get3A_585 = arith.constant 5 : index
    %get3A_586 = arith.constant 0 : index
    %get3A_587 = arith.constant 0 : index
    %get3A_588 = arith.constant 0 : index
    %get3A_589 = vector.load %arg1[%get3A_585, %get3A_586, %get3A_587, %get3A_588] : memref<8x1x128x128xf32, #tpu.memory_space<vmem>>, vector<1x1x128x128xf32>
    %get3A_590 = vector.shape_cast %get3A_589 : vector<1x1x128x128xf32> to vector<128x128xf32>
    %get3A_591 = arith.constant 5 : index
    %get3A_592 = arith.constant 0 : index
    %get3A_593 = arith.constant 0 : index
    %get3A_594 = arith.constant 0 : index
    %get3A_595 = vector.load %arg2[%get3A_591, %get3A_592, %get3A_593, %get3A_594] : memref<8x1x128x128xf32, #tpu.memory_space<vmem>>, vector<1x1x128x128xf32>
    %get3A_596 = vector.shape_cast %get3A_595 : vector<1x1x128x128xf32> to vector<128x128xf32>
    %slice3A_597 = vector.extract_strided_slice %get3A_590 {offsets = [0, 0], sizes = [128, 64], strides = [1, 1]} : vector<128x128xf32> to vector<128x64xf32>
    %mul3A_598 = arith.mulf %slice3A_597, %slice3A_597 : vector<128x64xf32>
    %reduce_sum3A_599 = arith.constant dense<0.000000e+00> : vector<128xf32>
    %reduce_sum3A_600 = vector.multi_reduction <add>, %mul3A_598, %reduce_sum3A_599 [1] : vector<128x64xf32> to vector<128xf32>
    %broadcast_in_dim3A_601 = vector.shape_cast %reduce_sum3A_600 : vector<128xf32> to vector<128x1xf32>
    %sqrt3A_602 = math.sqrt %broadcast_in_dim3A_601 : vector<128x1xf32>
    %add3A_603 = arith.constant 9.99999997E-7 : f32
    %add3A_604 = vector.broadcast %add3A_603 : f32 to vector<128x1xf32>
    %add3A_605 = arith.addf %sqrt3A_602, %add3A_604 : vector<128x1xf32>
    %div3A_606 = vector.broadcast %add3A_605 : vector<128x1xf32> to vector<128x64xf32>
    %div3A_607 = arith.divf %slice3A_597, %div3A_606 : vector<128x64xf32>
    %slice3A_608 = vector.extract_strided_slice %get3A_596 {offsets = [0, 0], sizes = [128, 64], strides = [1, 1]} : vector<128x128xf32> to vector<128x64xf32>
    %mul3A_609 = arith.mulf %slice3A_608, %slice3A_608 : vector<128x64xf32>
    %reduce_sum3A_610 = arith.constant dense<0.000000e+00> : vector<128xf32>
    %reduce_sum3A_611 = vector.multi_reduction <add>, %mul3A_609, %reduce_sum3A_610 [1] : vector<128x64xf32> to vector<128xf32>
    %broadcast_in_dim3A_612 = vector.shape_cast %reduce_sum3A_611 : vector<128xf32> to vector<128x1xf32>
    %sqrt3A_613 = math.sqrt %broadcast_in_dim3A_612 : vector<128x1xf32>
    %add3A_614 = arith.constant 9.99999997E-7 : f32
    %add3A_615 = vector.broadcast %add3A_614 : f32 to vector<128x1xf32>
    %add3A_616 = arith.addf %sqrt3A_613, %add3A_615 : vector<128x1xf32>
    %div3A_617 = vector.broadcast %add3A_616 : vector<128x1xf32> to vector<128x64xf32>
    %div3A_618 = arith.divf %slice3A_608, %div3A_617 : vector<128x64xf32>
    %concatenate3A_619 = tpu.concatenate %div3A_607, %div3A_618 in 0 : vector<128x64xf32>, vector<128x64xf32> -> vector<256x64xf32>
    %slice3A_620 = vector.extract_strided_slice %get3A_590 {offsets = [0, 64], sizes = [128, 64], strides = [1, 1]} : vector<128x128xf32> to vector<128x64xf32>
    %slice3A_621 = vector.extract_strided_slice %get3A_596 {offsets = [0, 64], sizes = [128, 64], strides = [1, 1]} : vector<128x128xf32> to vector<128x64xf32>
    %concatenate3A_622 = tpu.concatenate %slice3A_620, %slice3A_621 in 0 : vector<128x64xf32>, vector<128x64xf32> -> vector<256x64xf32>
    %dot_general3A_623 = arith.constant dense<0.000000e+00> : vector<128x256xf32>
    %dot_general3A_624 = tpu.matmul %slice3A_597, %concatenate3A_619, %dot_general3A_623 {dimension_numbers = #tpu.dot_dimension_numbers<[1], [1], [0], [0], [0, 0, 1, 0], [], []>, transpose_lhs_hint = false} : vector<128x64xf32>, vector<256x64xf32>, vector<128x256xf32> -> vector<128x256xf32>
    %mul3A_625 = arith.constant 1.250000e-01 : f32
    %mul3A_626 = vector.broadcast %mul3A_625 : f32 to vector<128x256xf32>
    %mul3A_627 = arith.mulf %dot_general3A_624, %mul3A_626 : vector<128x256xf32>
    %get3A_628 = arith.constant 5 : index
    %get3A_629 = arith.constant 0 : index
    %get3A_630 = arith.constant 0 : index
    %get3A_631 = arith.constant 0 : index
    %get3A_632 = vector.load %arg3[%get3A_628, %get3A_629, %get3A_630, %get3A_631] : memref<8x1x128x1xi32, #tpu.memory_space<vmem>>, vector<1x1x128x1xi32>
    %get3A_633 = vector.shape_cast %get3A_632 : vector<1x1x128x1xi32> to vector<128x1xi32>
    %get3A_634 = arith.constant 5 : index
    %get3A_635 = arith.constant 0 : index
    %get3A_636 = arith.constant 0 : index
    %get3A_637 = arith.constant 0 : index
    %get3A_638 = vector.load %arg4[%get3A_634, %get3A_635, %get3A_636, %get3A_637] : memref<8x1x1x128xi32, #tpu.memory_space<vmem>>, vector<1x1x1x128xi32>
    %get3A_639 = vector.shape_cast %get3A_638 : vector<1x1x1x128xi32> to vector<1x128xi32>
    %get3A_640 = arith.constant 5 : index
    %get3A_641 = arith.constant 0 : index
    %get3A_642 = arith.constant 0 : index
    %get3A_643 = arith.constant 0 : index
    %get3A_644 = vector.load %arg5[%get3A_640, %get3A_641, %get3A_642, %get3A_643] : memref<8x1x1x128xi32, #tpu.memory_space<vmem>>, vector<1x1x1x128xi32>
    %get3A_645 = vector.shape_cast %get3A_644 : vector<1x1x1x128xi32> to vector<1x128xi32>
    %concatenate3A_646 = tpu.concatenate %get3A_639, %get3A_645 in 1 : vector<1x128xi32>, vector<1x128xi32> -> vector<1x256xi32>
    %eq3A_647 = vector.broadcast %get3A_633 : vector<128x1xi32> to vector<128x256xi32>
    %eq3A_648 = vector.broadcast %concatenate3A_646 : vector<1x256xi32> to vector<128x256xi32>
    %eq3A_649 = arith.cmpi eq, %eq3A_647, %eq3A_648 : vector<128x256xi32>
    %convert_element_type3A_650 = arith.extui %eq3A_649 : vector<128x256xi1> to vector<128x256xi32>
    %convert_element_type3A_651 = arith.sitofp %convert_element_type3A_650 : vector<128x256xi32> to vector<128x256xf32>
    %mul3A_652 = arith.constant 1.000000e+05 : f32
    %mul3A_653 = vector.broadcast %mul3A_652 : f32 to vector<128x256xf32>
    %mul3A_654 = arith.mulf %mul3A_653, %convert_element_type3A_651 : vector<128x256xf32>
    %sub3A_655 = arith.subf %mul3A_627, %mul3A_654 : vector<128x256xf32>
    %get3A_656 = arith.constant 5 : index
    %get3A_657 = arith.constant 0 : index
    %get3A_658 = arith.constant 0 : index
    %get3A_659 = arith.constant 0 : index
    %get3A_660 = vector.load %arg6[%get3A_656, %get3A_657, %get3A_658, %get3A_659] : memref<8x1x1x128xi32, #tpu.memory_space<vmem>>, vector<1x1x1x128xi32>
    %get3A_661 = vector.shape_cast %get3A_660 : vector<1x1x1x128xi32> to vector<1x128xi32>
    %get3A_662 = arith.constant 5 : index
    %get3A_663 = arith.constant 0 : index
    %get3A_664 = arith.constant 0 : index
    %get3A_665 = arith.constant 0 : index
    %get3A_666 = vector.load %arg7[%get3A_662, %get3A_663, %get3A_664, %get3A_665] : memref<8x1x1x128xi32, #tpu.memory_space<vmem>>, vector<1x1x1x128xi32>
    %get3A_667 = vector.shape_cast %get3A_666 : vector<1x1x1x128xi32> to vector<1x128xi32>
    %concatenate3A_668 = tpu.concatenate %get3A_661, %get3A_667 in 1 : vector<1x128xi32>, vector<1x128xi32> -> vector<1x256xi32>
    %ne3A_669 = arith.constant 0 : i32
    %ne3A_670 = vector.broadcast %ne3A_669 : i32 to vector<1x256xi32>
    %ne3A_671 = arith.cmpi ne, %concatenate3A_668, %ne3A_670 : vector<1x256xi32>
    %jit3A_672 = arith.constant -1.000000e+09 : f32
    %broadcast_in_dim3A_673 = vector.shape_cast %ne3A_671 : vector<1x256xi1> to vector<1x256xi1>
    %broadcast_in_dim3A_674 = vector.broadcast %broadcast_in_dim3A_673 : vector<1x256xi1> to vector<128x256xi1>
    %broadcast_in_dim3A_675 = vector.broadcast %jit3A_672 : f32 to vector<128x256xf32>
    %select_n3A_676 = arith.select %broadcast_in_dim3A_674, %sub3A_655, %broadcast_in_dim3A_675 : vector<128x256xi1>, vector<128x256xf32>
    %reduce_max3A_677 = arith.constant dense<0xFF800000> : vector<128xf32>
    %reduce_max3A_678 = vector.multi_reduction <maximumf>, %select_n3A_676, %reduce_max3A_677 [1] : vector<128x256xf32> to vector<128xf32>
    %broadcast_in_dim3A_679 = vector.shape_cast %reduce_max3A_678 : vector<128xf32> to vector<128x1xf32>
    %sub3A_680 = vector.broadcast %broadcast_in_dim3A_679 : vector<128x1xf32> to vector<128x256xf32>
    %sub3A_681 = arith.subf %select_n3A_676, %sub3A_680 : vector<128x256xf32>
    %exp3A_682 = math.exp %sub3A_681 : vector<128x256xf32>
    %reduce_sum3A_683 = arith.constant dense<0.000000e+00> : vector<128xf32>
    %reduce_sum3A_684 = vector.multi_reduction <add>, %exp3A_682, %reduce_sum3A_683 [1] : vector<128x256xf32> to vector<128xf32>
    %broadcast_in_dim3A_685 = vector.shape_cast %reduce_sum3A_684 : vector<128xf32> to vector<128x1xf32>
    %log3A_686 = math.log %broadcast_in_dim3A_685 : vector<128x1xf32>
    %add3A_687 = arith.addf %broadcast_in_dim3A_679, %log3A_686 : vector<128x1xf32>
    %swap3A_688 = arith.constant 5 : index
    %swap3A_689 = arith.constant 0 : index
    %swap3A_690 = arith.constant 0 : index
    %swap3A_691 = arith.constant 0 : index
    %swap3A_692 = vector.load %arg9[%swap3A_688, %swap3A_689, %swap3A_690, %swap3A_691] : memref<8x1x128x1xf32, #tpu.memory_space<vmem>>, vector<1x1x128x1xf32>
    %swap3A_693 = vector.shape_cast %swap3A_692 : vector<1x1x128x1xf32> to vector<128x1xf32>
    %swap3A_694 = vector.shape_cast %add3A_687 : vector<128x1xf32> to vector<1x1x128x1xf32>
    tpu.vector_store %arg9[%swap3A_688, %swap3A_689, %swap3A_690, %swap3A_691], %swap3A_694 {strides = array<i32>} : memref<8x1x128x1xf32, #tpu.memory_space<vmem>>, vector<1x1x128x1xf32>,
    %div3A_695 = vector.broadcast %broadcast_in_dim3A_685 : vector<128x1xf32> to vector<128x256xf32>
    %div3A_696 = arith.divf %exp3A_682, %div3A_695 : vector<128x256xf32>
    %dot_general3A_697 = arith.constant dense<0.000000e+00> : vector<128x64xf32>
    %dot_general3A_698 = tpu.matmul %div3A_696, %concatenate3A_622, %dot_general3A_697 {dimension_numbers = #tpu.dot_dimension_numbers<[1], [0], [0], [1], [0, 0, 1, 1], [], []>, transpose_lhs_hint = false} : vector<128x256xf32>, vector<256x64xf32>, vector<128x64xf32> -> vector<128x64xf32>
    %swap3A_699 = arith.constant 5 : index
    %swap3A_700 = arith.constant 0 : index
    %swap3A_701 = arith.constant 0 : index
    %swap3A_702 = arith.constant 0 : index
    %swap3A_703 = vector.load %arg8[%swap3A_699, %swap3A_700, %swap3A_701, %swap3A_702] : memref<8x1x128x64xf32, #tpu.memory_space<vmem>>, vector<1x1x128x64xf32>
    %swap3A_704 = vector.shape_cast %swap3A_703 : vector<1x1x128x64xf32> to vector<128x64xf32>
    %swap3A_705 = vector.shape_cast %dot_general3A_698 : vector<128x64xf32> to vector<1x1x128x64xf32>
    tpu.vector_store %arg8[%swap3A_699, %swap3A_700, %swap3A_701, %swap3A_702], %swap3A_705 {strides = array<i32>} : memref<8x1x128x64xf32, #tpu.memory_space<vmem>>, vector<1x1x128x64xf32>,
    %get3A_706 = arith.constant 6 : index
    %get3A_707 = arith.constant 0 : index
    %get3A_708 = arith.constant 0 : index
    %get3A_709 = arith.constant 0 : index
    %get3A_710 = vector.load %arg1[%get3A_706, %get3A_707, %get3A_708, %get3A_709] : memref<8x1x128x128xf32, #tpu.memory_space<vmem>>, vector<1x1x128x128xf32>
    %get3A_711 = vector.shape_cast %get3A_710 : vector<1x1x128x128xf32> to vector<128x128xf32>
    %get3A_712 = arith.constant 6 : index
    %get3A_713 = arith.constant 0 : index
    %get3A_714 = arith.constant 0 : index
    %get3A_715 = arith.constant 0 : index
    %get3A_716 = vector.load %arg2[%get3A_712, %get3A_713, %get3A_714, %get3A_715] : memref<8x1x128x128xf32, #tpu.memory_space<vmem>>, vector<1x1x128x128xf32>
    %get3A_717 = vector.shape_cast %get3A_716 : vector<1x1x128x128xf32> to vector<128x128xf32>
    %slice3A_718 = vector.extract_strided_slice %get3A_711 {offsets = [0, 0], sizes = [128, 64], strides = [1, 1]} : vector<128x128xf32> to vector<128x64xf32>
    %mul3A_719 = arith.mulf %slice3A_718, %slice3A_718 : vector<128x64xf32>
    %reduce_sum3A_720 = arith.constant dense<0.000000e+00> : vector<128xf32>
    %reduce_sum3A_721 = vector.multi_reduction <add>, %mul3A_719, %reduce_sum3A_720 [1] : vector<128x64xf32> to vector<128xf32>
    %broadcast_in_dim3A_722 = vector.shape_cast %reduce_sum3A_721 : vector<128xf32> to vector<128x1xf32>
    %sqrt3A_723 = math.sqrt %broadcast_in_dim3A_722 : vector<128x1xf32>
    %add3A_724 = arith.constant 9.99999997E-7 : f32
    %add3A_725 = vector.broadcast %add3A_724 : f32 to vector<128x1xf32>
    %add3A_726 = arith.addf %sqrt3A_723, %add3A_725 : vector<128x1xf32>
    %div3A_727 = vector.broadcast %add3A_726 : vector<128x1xf32> to vector<128x64xf32>
    %div3A_728 = arith.divf %slice3A_718, %div3A_727 : vector<128x64xf32>
    %slice3A_729 = vector.extract_strided_slice %get3A_717 {offsets = [0, 0], sizes = [128, 64], strides = [1, 1]} : vector<128x128xf32> to vector<128x64xf32>
    %mul3A_730 = arith.mulf %slice3A_729, %slice3A_729 : vector<128x64xf32>
    %reduce_sum3A_731 = arith.constant dense<0.000000e+00> : vector<128xf32>
    %reduce_sum3A_732 = vector.multi_reduction <add>, %mul3A_730, %reduce_sum3A_731 [1] : vector<128x64xf32> to vector<128xf32>
    %broadcast_in_dim3A_733 = vector.shape_cast %reduce_sum3A_732 : vector<128xf32> to vector<128x1xf32>
    %sqrt3A_734 = math.sqrt %broadcast_in_dim3A_733 : vector<128x1xf32>
    %add3A_735 = arith.constant 9.99999997E-7 : f32
    %add3A_736 = vector.broadcast %add3A_735 : f32 to vector<128x1xf32>
    %add3A_737 = arith.addf %sqrt3A_734, %add3A_736 : vector<128x1xf32>
    %div3A_738 = vector.broadcast %add3A_737 : vector<128x1xf32> to vector<128x64xf32>
    %div3A_739 = arith.divf %slice3A_729, %div3A_738 : vector<128x64xf32>
    %concatenate3A_740 = tpu.concatenate %div3A_728, %div3A_739 in 0 : vector<128x64xf32>, vector<128x64xf32> -> vector<256x64xf32>
    %slice3A_741 = vector.extract_strided_slice %get3A_711 {offsets = [0, 64], sizes = [128, 64], strides = [1, 1]} : vector<128x128xf32> to vector<128x64xf32>
    %slice3A_742 = vector.extract_strided_slice %get3A_717 {offsets = [0, 64], sizes = [128, 64], strides = [1, 1]} : vector<128x128xf32> to vector<128x64xf32>
    %concatenate3A_743 = tpu.concatenate %slice3A_741, %slice3A_742 in 0 : vector<128x64xf32>, vector<128x64xf32> -> vector<256x64xf32>
    %dot_general3A_744 = arith.constant dense<0.000000e+00> : vector<128x256xf32>
    %dot_general3A_745 = tpu.matmul %slice3A_718, %concatenate3A_740, %dot_general3A_744 {dimension_numbers = #tpu.dot_dimension_numbers<[1], [1], [0], [0], [0, 0, 1, 0], [], []>, transpose_lhs_hint = false} : vector<128x64xf32>, vector<256x64xf32>, vector<128x256xf32> -> vector<128x256xf32>
    %mul3A_746 = arith.constant 1.250000e-01 : f32
    %mul3A_747 = vector.broadcast %mul3A_746 : f32 to vector<128x256xf32>
    %mul3A_748 = arith.mulf %dot_general3A_745, %mul3A_747 : vector<128x256xf32>
    %get3A_749 = arith.constant 6 : index
    %get3A_750 = arith.constant 0 : index
    %get3A_751 = arith.constant 0 : index
    %get3A_752 = arith.constant 0 : index
    %get3A_753 = vector.load %arg3[%get3A_749, %get3A_750, %get3A_751, %get3A_752] : memref<8x1x128x1xi32, #tpu.memory_space<vmem>>, vector<1x1x128x1xi32>
    %get3A_754 = vector.shape_cast %get3A_753 : vector<1x1x128x1xi32> to vector<128x1xi32>
    %get3A_755 = arith.constant 6 : index
    %get3A_756 = arith.constant 0 : index
    %get3A_757 = arith.constant 0 : index
    %get3A_758 = arith.constant 0 : index
    %get3A_759 = vector.load %arg4[%get3A_755, %get3A_756, %get3A_757, %get3A_758] : memref<8x1x1x128xi32, #tpu.memory_space<vmem>>, vector<1x1x1x128xi32>
    %get3A_760 = vector.shape_cast %get3A_759 : vector<1x1x1x128xi32> to vector<1x128xi32>
    %get3A_761 = arith.constant 6 : index
    %get3A_762 = arith.constant 0 : index
    %get3A_763 = arith.constant 0 : index
    %get3A_764 = arith.constant 0 : index
    %get3A_765 = vector.load %arg5[%get3A_761, %get3A_762, %get3A_763, %get3A_764] : memref<8x1x1x128xi32, #tpu.memory_space<vmem>>, vector<1x1x1x128xi32>
    %get3A_766 = vector.shape_cast %get3A_765 : vector<1x1x1x128xi32> to vector<1x128xi32>
    %concatenate3A_767 = tpu.concatenate %get3A_760, %get3A_766 in 1 : vector<1x128xi32>, vector<1x128xi32> -> vector<1x256xi32>
    %eq3A_768 = vector.broadcast %get3A_754 : vector<128x1xi32> to vector<128x256xi32>
    %eq3A_769 = vector.broadcast %concatenate3A_767 : vector<1x256xi32> to vector<128x256xi32>
    %eq3A_770 = arith.cmpi eq, %eq3A_768, %eq3A_769 : vector<128x256xi32>
    %convert_element_type3A_771 = arith.extui %eq3A_770 : vector<128x256xi1> to vector<128x256xi32>
    %convert_element_type3A_772 = arith.sitofp %convert_element_type3A_771 : vector<128x256xi32> to vector<128x256xf32>
    %mul3A_773 = arith.constant 1.000000e+05 : f32
    %mul3A_774 = vector.broadcast %mul3A_773 : f32 to vector<128x256xf32>
    %mul3A_775 = arith.mulf %mul3A_774, %convert_element_type3A_772 : vector<128x256xf32>
    %sub3A_776 = arith.subf %mul3A_748, %mul3A_775 : vector<128x256xf32>
    %get3A_777 = arith.constant 6 : index
    %get3A_778 = arith.constant 0 : index
    %get3A_779 = arith.constant 0 : index
    %get3A_780 = arith.constant 0 : index
    %get3A_781 = vector.load %arg6[%get3A_777, %get3A_778, %get3A_779, %get3A_780] : memref<8x1x1x128xi32, #tpu.memory_space<vmem>>, vector<1x1x1x128xi32>
    %get3A_782 = vector.shape_cast %get3A_781 : vector<1x1x1x128xi32> to vector<1x128xi32>
    %get3A_783 = arith.constant 6 : index
    %get3A_784 = arith.constant 0 : index
    %get3A_785 = arith.constant 0 : index
    %get3A_786 = arith.constant 0 : index
    %get3A_787 = vector.load %arg7[%get3A_783, %get3A_784, %get3A_785, %get3A_786] : memref<8x1x1x128xi32, #tpu.memory_space<vmem>>, vector<1x1x1x128xi32>
    %get3A_788 = vector.shape_cast %get3A_787 : vector<1x1x1x128xi32> to vector<1x128xi32>
    %concatenate3A_789 = tpu.concatenate %get3A_782, %get3A_788 in 1 : vector<1x128xi32>, vector<1x128xi32> -> vector<1x256xi32>
    %ne3A_790 = arith.constant 0 : i32
    %ne3A_791 = vector.broadcast %ne3A_790 : i32 to vector<1x256xi32>
    %ne3A_792 = arith.cmpi ne, %concatenate3A_789, %ne3A_791 : vector<1x256xi32>
    %jit3A_793 = arith.constant -1.000000e+09 : f32
    %broadcast_in_dim3A_794 = vector.shape_cast %ne3A_792 : vector<1x256xi1> to vector<1x256xi1>
    %broadcast_in_dim3A_795 = vector.broadcast %broadcast_in_dim3A_794 : vector<1x256xi1> to vector<128x256xi1>
    %broadcast_in_dim3A_796 = vector.broadcast %jit3A_793 : f32 to vector<128x256xf32>
    %select_n3A_797 = arith.select %broadcast_in_dim3A_795, %sub3A_776, %broadcast_in_dim3A_796 : vector<128x256xi1>, vector<128x256xf32>
    %reduce_max3A_798 = arith.constant dense<0xFF800000> : vector<128xf32>
    %reduce_max3A_799 = vector.multi_reduction <maximumf>, %select_n3A_797, %reduce_max3A_798 [1] : vector<128x256xf32> to vector<128xf32>
    %broadcast_in_dim3A_800 = vector.shape_cast %reduce_max3A_799 : vector<128xf32> to vector<128x1xf32>
    %sub3A_801 = vector.broadcast %broadcast_in_dim3A_800 : vector<128x1xf32> to vector<128x256xf32>
    %sub3A_802 = arith.subf %select_n3A_797, %sub3A_801 : vector<128x256xf32>
    %exp3A_803 = math.exp %sub3A_802 : vector<128x256xf32>
    %reduce_sum3A_804 = arith.constant dense<0.000000e+00> : vector<128xf32>
    %reduce_sum3A_805 = vector.multi_reduction <add>, %exp3A_803, %reduce_sum3A_804 [1] : vector<128x256xf32> to vector<128xf32>
    %broadcast_in_dim3A_806 = vector.shape_cast %reduce_sum3A_805 : vector<128xf32> to vector<128x1xf32>
    %log3A_807 = math.log %broadcast_in_dim3A_806 : vector<128x1xf32>
    %add3A_808 = arith.addf %broadcast_in_dim3A_800, %log3A_807 : vector<128x1xf32>
    %swap3A_809 = arith.constant 6 : index
    %swap3A_810 = arith.constant 0 : index
    %swap3A_811 = arith.constant 0 : index
    %swap3A_812 = arith.constant 0 : index
    %swap3A_813 = vector.load %arg9[%swap3A_809, %swap3A_810, %swap3A_811, %swap3A_812] : memref<8x1x128x1xf32, #tpu.memory_space<vmem>>, vector<1x1x128x1xf32>
    %swap3A_814 = vector.shape_cast %swap3A_813 : vector<1x1x128x1xf32> to vector<128x1xf32>
    %swap3A_815 = vector.shape_cast %add3A_808 : vector<128x1xf32> to vector<1x1x128x1xf32>
    tpu.vector_store %arg9[%swap3A_809, %swap3A_810, %swap3A_811, %swap3A_812], %swap3A_815 {strides = array<i32>} : memref<8x1x128x1xf32, #tpu.memory_space<vmem>>, vector<1x1x128x1xf32>,
    %div3A_816 = vector.broadcast %broadcast_in_dim3A_806 : vector<128x1xf32> to vector<128x256xf32>
    %div3A_817 = arith.divf %exp3A_803, %div3A_816 : vector<128x256xf32>
    %dot_general3A_818 = arith.constant dense<0.000000e+00> : vector<128x64xf32>
    %dot_general3A_819 = tpu.matmul %div3A_817, %concatenate3A_743, %dot_general3A_818 {dimension_numbers = #tpu.dot_dimension_numbers<[1], [0], [0], [1], [0, 0, 1, 1], [], []>, transpose_lhs_hint = false} : vector<128x256xf32>, vector<256x64xf32>, vector<128x64xf32> -> vector<128x64xf32>
    %swap3A_820 = arith.constant 6 : index
    %swap3A_821 = arith.constant 0 : index
    %swap3A_822 = arith.constant 0 : index
    %swap3A_823 = arith.constant 0 : index
    %swap3A_824 = vector.load %arg8[%swap3A_820, %swap3A_821, %swap3A_822, %swap3A_823] : memref<8x1x128x64xf32, #tpu.memory_space<vmem>>, vector<1x1x128x64xf32>
    %swap3A_825 = vector.shape_cast %swap3A_824 : vector<1x1x128x64xf32> to vector<128x64xf32>
    %swap3A_826 = vector.shape_cast %dot_general3A_819 : vector<128x64xf32> to vector<1x1x128x64xf32>
    tpu.vector_store %arg8[%swap3A_820, %swap3A_821, %swap3A_822, %swap3A_823], %swap3A_826 {strides = array<i32>} : memref<8x1x128x64xf32, #tpu.memory_space<vmem>>, vector<1x1x128x64xf32>,
    %get3A_827 = arith.constant 7 : index
    %get3A_828 = arith.constant 0 : index
    %get3A_829 = arith.constant 0 : index
    %get3A_830 = arith.constant 0 : index
    %get3A_831 = vector.load %arg1[%get3A_827, %get3A_828, %get3A_829, %get3A_830] : memref<8x1x128x128xf32, #tpu.memory_space<vmem>>, vector<1x1x128x128xf32>
    %get3A_832 = vector.shape_cast %get3A_831 : vector<1x1x128x128xf32> to vector<128x128xf32>
    %get3A_833 = arith.constant 7 : index
    %get3A_834 = arith.constant 0 : index
    %get3A_835 = arith.constant 0 : index
    %get3A_836 = arith.constant 0 : index
    %get3A_837 = vector.load %arg2[%get3A_833, %get3A_834, %get3A_835, %get3A_836] : memref<8x1x128x128xf32, #tpu.memory_space<vmem>>, vector<1x1x128x128xf32>
    %get3A_838 = vector.shape_cast %get3A_837 : vector<1x1x128x128xf32> to vector<128x128xf32>
    %slice3A_839 = vector.extract_strided_slice %get3A_832 {offsets = [0, 0], sizes = [128, 64], strides = [1, 1]} : vector<128x128xf32> to vector<128x64xf32>
    %mul3A_840 = arith.mulf %slice3A_839, %slice3A_839 : vector<128x64xf32>
    %reduce_sum3A_841 = arith.constant dense<0.000000e+00> : vector<128xf32>
    %reduce_sum3A_842 = vector.multi_reduction <add>, %mul3A_840, %reduce_sum3A_841 [1] : vector<128x64xf32> to vector<128xf32>
    %broadcast_in_dim3A_843 = vector.shape_cast %reduce_sum3A_842 : vector<128xf32> to vector<128x1xf32>
    %sqrt3A_844 = math.sqrt %broadcast_in_dim3A_843 : vector<128x1xf32>
    %add3A_845 = arith.constant 9.99999997E-7 : f32
    %add3A_846 = vector.broadcast %add3A_845 : f32 to vector<128x1xf32>
    %add3A_847 = arith.addf %sqrt3A_844, %add3A_846 : vector<128x1xf32>
    %div3A_848 = vector.broadcast %add3A_847 : vector<128x1xf32> to vector<128x64xf32>
    %div3A_849 = arith.divf %slice3A_839, %div3A_848 : vector<128x64xf32>
    %slice3A_850 = vector.extract_strided_slice %get3A_838 {offsets = [0, 0], sizes = [128, 64], strides = [1, 1]} : vector<128x128xf32> to vector<128x64xf32>
    %mul3A_851 = arith.mulf %slice3A_850, %slice3A_850 : vector<128x64xf32>
    %reduce_sum3A_852 = arith.constant dense<0.000000e+00> : vector<128xf32>
    %reduce_sum3A_853 = vector.multi_reduction <add>, %mul3A_851, %reduce_sum3A_852 [1] : vector<128x64xf32> to vector<128xf32>
    %broadcast_in_dim3A_854 = vector.shape_cast %reduce_sum3A_853 : vector<128xf32> to vector<128x1xf32>
    %sqrt3A_855 = math.sqrt %broadcast_in_dim3A_854 : vector<128x1xf32>
    %add3A_856 = arith.constant 9.99999997E-7 : f32
    %add3A_857 = vector.broadcast %add3A_856 : f32 to vector<128x1xf32>
    %add3A_858 = arith.addf %sqrt3A_855, %add3A_857 : vector<128x1xf32>
    %div3A_859 = vector.broadcast %add3A_858 : vector<128x1xf32> to vector<128x64xf32>
    %div3A_860 = arith.divf %slice3A_850, %div3A_859 : vector<128x64xf32>
    %concatenate3A_861 = tpu.concatenate %div3A_849, %div3A_860 in 0 : vector<128x64xf32>, vector<128x64xf32> -> vector<256x64xf32>
    %slice3A_862 = vector.extract_strided_slice %get3A_832 {offsets = [0, 64], sizes = [128, 64], strides = [1, 1]} : vector<128x128xf32> to vector<128x64xf32>
    %slice3A_863 = vector.extract_strided_slice %get3A_838 {offsets = [0, 64], sizes = [128, 64], strides = [1, 1]} : vector<128x128xf32> to vector<128x64xf32>
    %concatenate3A_864 = tpu.concatenate %slice3A_862, %slice3A_863 in 0 : vector<128x64xf32>, vector<128x64xf32> -> vector<256x64xf32>
    %dot_general3A_865 = arith.constant dense<0.000000e+00> : vector<128x256xf32>
    %dot_general3A_866 = tpu.matmul %slice3A_839, %concatenate3A_861, %dot_general3A_865 {dimension_numbers = #tpu.dot_dimension_numbers<[1], [1], [0], [0], [0, 0, 1, 0], [], []>, transpose_lhs_hint = false} : vector<128x64xf32>, vector<256x64xf32>, vector<128x256xf32> -> vector<128x256xf32>
    %mul3A_867 = arith.constant 1.250000e-01 : f32
    %mul3A_868 = vector.broadcast %mul3A_867 : f32 to vector<128x256xf32>
    %mul3A_869 = arith.mulf %dot_general3A_866, %mul3A_868 : vector<128x256xf32>
    %get3A_870 = arith.constant 7 : index
    %get3A_871 = arith.constant 0 : index
    %get3A_872 = arith.constant 0 : index
    %get3A_873 = arith.constant 0 : index
    %get3A_874 = vector.load %arg3[%get3A_870, %get3A_871, %get3A_872, %get3A_873] : memref<8x1x128x1xi32, #tpu.memory_space<vmem>>, vector<1x1x128x1xi32>
    %get3A_875 = vector.shape_cast %get3A_874 : vector<1x1x128x1xi32> to vector<128x1xi32>
    %get3A_876 = arith.constant 7 : index
    %get3A_877 = arith.constant 0 : index
    %get3A_878 = arith.constant 0 : index
    %get3A_879 = arith.constant 0 : index
    %get3A_880 = vector.load %arg4[%get3A_876, %get3A_877, %get3A_878, %get3A_879] : memref<8x1x1x128xi32, #tpu.memory_space<vmem>>, vector<1x1x1x128xi32>
    %get3A_881 = vector.shape_cast %get3A_880 : vector<1x1x1x128xi32> to vector<1x128xi32>
    %get3A_882 = arith.constant 7 : index
    %get3A_883 = arith.constant 0 : index
    %get3A_884 = arith.constant 0 : index
    %get3A_885 = arith.constant 0 : index
    %get3A_886 = vector.load %arg5[%get3A_882, %get3A_883, %get3A_884, %get3A_885] : memref<8x1x1x128xi32, #tpu.memory_space<vmem>>, vector<1x1x1x128xi32>
    %get3A_887 = vector.shape_cast %get3A_886 : vector<1x1x1x128xi32> to vector<1x128xi32>
    %concatenate3A_888 = tpu.concatenate %get3A_881, %get3A_887 in 1 : vector<1x128xi32>, vector<1x128xi32> -> vector<1x256xi32>
    %eq3A_889 = vector.broadcast %get3A_875 : vector<128x1xi32> to vector<128x256xi32>
    %eq3A_890 = vector.broadcast %concatenate3A_888 : vector<1x256xi32> to vector<128x256xi32>
    %eq3A_891 = arith.cmpi eq, %eq3A_889, %eq3A_890 : vector<128x256xi32>
    %convert_element_type3A_892 = arith.extui %eq3A_891 : vector<128x256xi1> to vector<128x256xi32>
    %convert_element_type3A_893 = arith.sitofp %convert_element_type3A_892 : vector<128x256xi32> to vector<128x256xf32>
    %mul3A_894 = arith.constant 1.000000e+05 : f32
    %mul3A_895 = vector.broadcast %mul3A_894 : f32 to vector<128x256xf32>
    %mul3A_896 = arith.mulf %mul3A_895, %convert_element_type3A_893 : vector<128x256xf32>
    %sub3A_897 = arith.subf %mul3A_869, %mul3A_896 : vector<128x256xf32>
    %get3A_898 = arith.constant 7 : index
    %get3A_899 = arith.constant 0 : index
    %get3A_900 = arith.constant 0 : index
    %get3A_901 = arith.constant 0 : index
    %get3A_902 = vector.load %arg6[%get3A_898, %get3A_899, %get3A_900, %get3A_901] : memref<8x1x1x128xi32, #tpu.memory_space<vmem>>, vector<1x1x1x128xi32>
    %get3A_903 = vector.shape_cast %get3A_902 : vector<1x1x1x128xi32> to vector<1x128xi32>
    %get3A_904 = arith.constant 7 : index
    %get3A_905 = arith.constant 0 : index
    %get3A_906 = arith.constant 0 : index
    %get3A_907 = arith.constant 0 : index
    %get3A_908 = vector.load %arg7[%get3A_904, %get3A_905, %get3A_906, %get3A_907] : memref<8x1x1x128xi32, #tpu.memory_space<vmem>>, vector<1x1x1x128xi32>
    %get3A_909 = vector.shape_cast %get3A_908 : vector<1x1x1x128xi32> to vector<1x128xi32>
    %concatenate3A_910 = tpu.concatenate %get3A_903, %get3A_909 in 1 : vector<1x128xi32>, vector<1x128xi32> -> vector<1x256xi32>
    %ne3A_911 = arith.constant 0 : i32
    %ne3A_912 = vector.broadcast %ne3A_911 : i32 to vector<1x256xi32>
    %ne3A_913 = arith.cmpi ne, %concatenate3A_910, %ne3A_912 : vector<1x256xi32>
    %jit3A_914 = arith.constant -1.000000e+09 : f32
    %broadcast_in_dim3A_915 = vector.shape_cast %ne3A_913 : vector<1x256xi1> to vector<1x256xi1>
    %broadcast_in_dim3A_916 = vector.broadcast %broadcast_in_dim3A_915 : vector<1x256xi1> to vector<128x256xi1>
    %broadcast_in_dim3A_917 = vector.broadcast %jit3A_914 : f32 to vector<128x256xf32>
    %select_n3A_918 = arith.select %broadcast_in_dim3A_916, %sub3A_897, %broadcast_in_dim3A_917 : vector<128x256xi1>, vector<128x256xf32>
    %reduce_max3A_919 = arith.constant dense<0xFF800000> : vector<128xf32>
    %reduce_max3A_920 = vector.multi_reduction <maximumf>, %select_n3A_918, %reduce_max3A_919 [1] : vector<128x256xf32> to vector<128xf32>
    %broadcast_in_dim3A_921 = vector.shape_cast %reduce_max3A_920 : vector<128xf32> to vector<128x1xf32>
    %sub3A_922 = vector.broadcast %broadcast_in_dim3A_921 : vector<128x1xf32> to vector<128x256xf32>
    %sub3A_923 = arith.subf %select_n3A_918, %sub3A_922 : vector<128x256xf32>
    %exp3A_924 = math.exp %sub3A_923 : vector<128x256xf32>
    %reduce_sum3A_925 = arith.constant dense<0.000000e+00> : vector<128xf32>
    %reduce_sum3A_926 = vector.multi_reduction <add>, %exp3A_924, %reduce_sum3A_925 [1] : vector<128x256xf32> to vector<128xf32>
    %broadcast_in_dim3A_927 = vector.shape_cast %reduce_sum3A_926 : vector<128xf32> to vector<128x1xf32>
    %log3A_928 = math.log %broadcast_in_dim3A_927 : vector<128x1xf32>
    %add3A_929 = arith.addf %broadcast_in_dim3A_921, %log3A_928 : vector<128x1xf32>
    %swap3A_930 = arith.constant 7 : index
    %swap3A_931 = arith.constant 0 : index
    %swap3A_932 = arith.constant 0 : index
    %swap3A_933 = arith.constant 0 : index
    %swap3A_934 = vector.load %arg9[%swap3A_930, %swap3A_931, %swap3A_932, %swap3A_933] : memref<8x1x128x1xf32, #tpu.memory_space<vmem>>, vector<1x1x128x1xf32>
    %swap3A_935 = vector.shape_cast %swap3A_934 : vector<1x1x128x1xf32> to vector<128x1xf32>
    %swap3A_936 = vector.shape_cast %add3A_929 : vector<128x1xf32> to vector<1x1x128x1xf32>
    tpu.vector_store %arg9[%swap3A_930, %swap3A_931, %swap3A_932, %swap3A_933], %swap3A_936 {strides = array<i32>} : memref<8x1x128x1xf32, #tpu.memory_space<vmem>>, vector<1x1x128x1xf32>,
    %div3A_937 = vector.broadcast %broadcast_in_dim3A_927 : vector<128x1xf32> to vector<128x256xf32>
    %div3A_938 = arith.divf %exp3A_924, %div3A_937 : vector<128x256xf32>
    %dot_general3A_939 = arith.constant dense<0.000000e+00> : vector<128x64xf32>
    %dot_general3A_940 = tpu.matmul %div3A_938, %concatenate3A_864, %dot_general3A_939 {dimension_numbers = #tpu.dot_dimension_numbers<[1], [0], [0], [1], [0, 0, 1, 1], [], []>, transpose_lhs_hint = false} : vector<128x256xf32>, vector<256x64xf32>, vector<128x64xf32> -> vector<128x64xf32>
    %swap3A_941 = arith.constant 7 : index
    %swap3A_942 = arith.constant 0 : index
    %swap3A_943 = arith.constant 0 : index
    %swap3A_944 = arith.constant 0 : index
    %swap3A_945 = vector.load %arg8[%swap3A_941, %swap3A_942, %swap3A_943, %swap3A_944] : memref<8x1x128x64xf32, #tpu.memory_space<vmem>>, vector<1x1x128x64xf32>
    %swap3A_946 = vector.shape_cast %swap3A_945 : vector<1x1x128x64xf32> to vector<128x64xf32>
    %swap3A_947 = vector.shape_cast %dot_general3A_940 : vector<128x64xf32> to vector<1x1x128x64xf32>
    tpu.vector_store %arg8[%swap3A_941, %swap3A_942, %swap3A_943, %swap3A_944], %swap3A_947 {strides = array<i32>} : memref<8x1x128x64xf32, #tpu.memory_space<vmem>>, vector<1x1x128x64xf32>,
    return
  }
  func.func @transform_0(%arg0: i32) -> (i32, i32, i32, i32) {
    %c0_i32 = arith.constant 0 : i32
    %c0_i32_0 = arith.constant 0 : i32
    %c0_i32_1 = arith.constant 0 : i32
    %c0_i32_2 = arith.constant 0 : i32
    return %c0_i32, %arg0, %c0_i32_0, %c0_i32_1 : i32, i32, i32, i32
  }
  func.func @transform_1(%arg0: i32) -> (i32, i32, i32, i32) {
    %add3A = arith.constant 130 : i32
    %add3A_0 = arith.addi %arg0, %add3A : i32
    %sub3A = arith.constant 1 : i32
    %sub3A_1 = arith.subi %add3A_0, %sub3A : i32
    %jit3A = arith.constant 130 : i32
    %eq3A = arith.constant 0 : i32
    %eq3A_2 = arith.cmpi eq, %jit3A, %eq3A : i32
    %jit3A_3 = arith.constant 1 : i32
    %select_n3A = arith.select %eq3A_2, %jit3A_3, %jit3A : i32
    %rem3A = arith.remsi %sub3A_1, %select_n3A : i32
    %ne3A = arith.constant 0 : i32
    %ne3A_4 = arith.cmpi ne, %rem3A, %ne3A : i32
    %lt3A = arith.constant 0 : i32
    %lt3A_5 = arith.cmpi slt, %rem3A, %lt3A : i32
    %lt3A_6 = arith.constant 0 : i32
    %lt3A_7 = arith.cmpi slt, %select_n3A, %lt3A_6 : i32
    %ne3A_8 = arith.xori %lt3A_5, %lt3A_7 : i1
    %and3A = arith.andi %ne3A_8, %ne3A_4 : i1
    %add3A_9 = arith.addi %rem3A, %select_n3A : i32
    %select_n3A_10 = arith.select %and3A, %add3A_9, %rem3A : i32
    %c0_i32 = arith.constant 0 : i32
    %c0_i32_11 = arith.constant 0 : i32
    %c0_i32_12 = arith.constant 0 : i32
    %c0_i32_13 = arith.constant 0 : i32
    return %c0_i32, %select_n3A_10, %c0_i32_11, %c0_i32_12 : i32, i32, i32, i32
  }
  func.func @transform_2(%arg0: i32) -> (i32, i32, i32, i32) {
    %c0_i32 = arith.constant 0 : i32
    %c0_i32_0 = arith.constant 0 : i32
    %c0_i32_1 = arith.constant 0 : i32
    %c0_i32_2 = arith.constant 0 : i32
    return %c0_i32, %arg0, %c0_i32_0, %c0_i32_1 : i32, i32, i32, i32
  }
  func.func @transform_3(%arg0: i32) -> (i32, i32, i32, i32) {
    %c0_i32 = arith.constant 0 : i32
    %c0_i32_0 = arith.constant 0 : i32
    %c0_i32_1 = arith.constant 0 : i32
    %c0_i32_2 = arith.constant 0 : i32
    return %c0_i32, %arg0, %c0_i32_0, %c0_i32_1 : i32, i32, i32, i32
  }
  func.func @transform_4(%arg0: i32) -> (i32, i32, i32, i32) {
    %add3A = arith.constant 130 : i32
    %add3A_0 = arith.addi %arg0, %add3A : i32
    %sub3A = arith.constant 1 : i32
    %sub3A_1 = arith.subi %add3A_0, %sub3A : i32
    %jit3A = arith.constant 130 : i32
    %eq3A = arith.constant 0 : i32
    %eq3A_2 = arith.cmpi eq, %jit3A, %eq3A : i32
    %jit3A_3 = arith.constant 1 : i32
    %select_n3A = arith.select %eq3A_2, %jit3A_3, %jit3A : i32
    %rem3A = arith.remsi %sub3A_1, %select_n3A : i32
    %ne3A = arith.constant 0 : i32
    %ne3A_4 = arith.cmpi ne, %rem3A, %ne3A : i32
    %lt3A = arith.constant 0 : i32
    %lt3A_5 = arith.cmpi slt, %rem3A, %lt3A : i32
    %lt3A_6 = arith.constant 0 : i32
    %lt3A_7 = arith.cmpi slt, %select_n3A, %lt3A_6 : i32
    %ne3A_8 = arith.xori %lt3A_5, %lt3A_7 : i1
    %and3A = arith.andi %ne3A_8, %ne3A_4 : i1
    %add3A_9 = arith.addi %rem3A, %select_n3A : i32
    %select_n3A_10 = arith.select %and3A, %add3A_9, %rem3A : i32
    %c0_i32 = arith.constant 0 : i32
    %c0_i32_11 = arith.constant 0 : i32
    %c0_i32_12 = arith.constant 0 : i32
    %c0_i32_13 = arith.constant 0 : i32
    return %c0_i32, %select_n3A_10, %c0_i32_11, %c0_i32_12 : i32, i32, i32, i32
  }
  func.func @transform_5(%arg0: i32) -> (i32, i32, i32, i32) {
    %c0_i32 = arith.constant 0 : i32
    %c0_i32_0 = arith.constant 0 : i32
    %c0_i32_1 = arith.constant 0 : i32
    %c0_i32_2 = arith.constant 0 : i32
    return %c0_i32, %arg0, %c0_i32_0, %c0_i32_1 : i32, i32, i32, i32
  }
  func.func @transform_6(%arg0: i32) -> (i32, i32, i32, i32) {
    %add3A = arith.constant 130 : i32
    %add3A_0 = arith.addi %arg0, %add3A : i32
    %sub3A = arith.constant 1 : i32
    %sub3A_1 = arith.subi %add3A_0, %sub3A : i32
    %jit3A = arith.constant 130 : i32
    %eq3A = arith.constant 0 : i32
    %eq3A_2 = arith.cmpi eq, %jit3A, %eq3A : i32
    %jit3A_3 = arith.constant 1 : i32
    %select_n3A = arith.select %eq3A_2, %jit3A_3, %jit3A : i32
    %rem3A = arith.remsi %sub3A_1, %select_n3A : i32
    %ne3A = arith.constant 0 : i32
    %ne3A_4 = arith.cmpi ne, %rem3A, %ne3A : i32
    %lt3A = arith.constant 0 : i32
    %lt3A_5 = arith.cmpi slt, %rem3A, %lt3A : i32
    %lt3A_6 = arith.constant 0 : i32
    %lt3A_7 = arith.cmpi slt, %select_n3A, %lt3A_6 : i32
    %ne3A_8 = arith.xori %lt3A_5, %lt3A_7 : i1
    %and3A = arith.andi %ne3A_8, %ne3A_4 : i1
    %add3A_9 = arith.addi %rem3A, %select_n3A : i32
    %select_n3A_10 = arith.select %and3A, %add3A_9, %rem3A : i32
    %c0_i32 = arith.constant 0 : i32
    %c0_i32_11 = arith.constant 0 : i32
    %c0_i32_12 = arith.constant 0 : i32
    %c0_i32_13 = arith.constant 0 : i32
    return %c0_i32, %select_n3A_10, %c0_i32_11, %c0_i32_12 : i32, i32, i32, i32
  }
  func.func @transform_7(%arg0: i32) -> (i32, i32, i32, i32) {
    %c0_i32 = arith.constant 0 : i32
    %c0_i32_0 = arith.constant 0 : i32
    %c0_i32_1 = arith.constant 0 : i32
    %c0_i32_2 = arith.constant 0 : i32
    return %c0_i32, %arg0, %c0_i32_0, %c0_i32_1 : i32, i32, i32, i32
  }
  func.func @transform_8(%arg0: i32) -> (i32, i32, i32, i32) {
    %c0_i32 = arith.constant 0 : i32
    %c0_i32_0 = arith.constant 0 : i32
    %c0_i32_1 = arith.constant 0 : i32
    %c0_i32_2 = arith.constant 0 : i32
    return %c0_i32, %arg0, %c0_i32_0, %c0_i32_1 : i32, i32, i32, i32
  }
}

module attributes {stable_mosaic.version = 14 : i64} {
  func.func @_k4_body(%arg0: i32, %arg1: memref<512x256xf32, #tpu.memory_space<vmem>>, %arg2: memref<512x256xf32, #tpu.memory_space<vmem>>, %arg3: memref<512x4xf32, #tpu.memory_space<vmem>>, %arg4: memref<512x4xf32, #tpu.memory_space<vmem>>, %arg5: memref<512x256xf32, #tpu.memory_space<vmem>>, %arg6: memref<4x256xf32, #tpu.memory_space<vmem>>, %arg7: memref<256x256xf32, #tpu.memory_space<vmem>>, %arg8: memref<1x256xf32, #tpu.memory_space<vmem>>, %arg9: memref<1x256xf32, #tpu.memory_space<vmem>>, %arg10: memref<1x256xf32, #tpu.memory_space<vmem>>, %arg11: memref<256x256xf32, #tpu.memory_space<vmem>>, %arg12: memref<1x256xf32, #tpu.memory_space<vmem>>, %arg13: memref<256x256xf32, #tpu.memory_space<vmem>>, %arg14: memref<1x256xf32, #tpu.memory_space<vmem>>, %arg15: memref<256x1xf32, #tpu.memory_space<vmem>>, %arg16: memref<1x1xf32, #tpu.memory_space<vmem>>, %arg17: memref<256x256xf32, #tpu.memory_space<vmem>>, %arg18: memref<1x256xf32, #tpu.memory_space<vmem>>, %arg19: memref<256x256xf32, #tpu.memory_space<vmem>>, %arg20: memref<1x256xf32, #tpu.memory_space<vmem>>, %arg21: memref<256x256xf32, #tpu.memory_space<vmem>>, %arg22: memref<1x256xf32, #tpu.memory_space<vmem>>, %arg23: memref<256x256xf32, #tpu.memory_space<vmem>>, %arg24: memref<1x256xf32, #tpu.memory_space<vmem>>, %arg25: memref<1x256xf32, #tpu.memory_space<vmem>>, %arg26: memref<1x256xf32, #tpu.memory_space<vmem>>, %arg27: memref<256x256xf32, #tpu.memory_space<vmem>>, %arg28: memref<1x256xf32, #tpu.memory_space<vmem>>, %arg29: memref<256x256xf32, #tpu.memory_space<vmem>>, %arg30: memref<1x256xf32, #tpu.memory_space<vmem>>, %arg31: memref<256x1xf32, #tpu.memory_space<vmem>>, %arg32: memref<1x1xf32, #tpu.memory_space<vmem>>, %arg33: memref<8x256xf32, #tpu.memory_space<vmem>>, %arg34: memref<8x256xf32, #tpu.memory_space<vmem>>, %arg35: memref<256x256xf32, #tpu.memory_space<vmem>>, %arg36: memref<1x256xf32, #tpu.memory_space<vmem>>, %arg37: memref<256x256xf32, #tpu.memory_space<vmem>>, %arg38: memref<1x256xf32, #tpu.memory_space<vmem>>, %arg39: memref<1x256xf32, #tpu.memory_space<vmem>>, %arg40: memref<1x256xf32, #tpu.memory_space<vmem>>, %arg41: memref<32x64xf32, #tpu.memory_space<vmem>>, %arg42: memref<1x1xf32, #tpu.memory_space<vmem>>, %arg43: memref<1x1xf32, #tpu.memory_space<vmem>>, %arg44: memref<1x256xf32, #tpu.memory_space<vmem>>, %arg45: memref<1x1xf32, #tpu.memory_space<vmem>>, %arg46: memref<1x1xf32, #tpu.memory_space<vmem>>, %arg47: memref<1x256xf32, #tpu.memory_space<vmem>>, %arg48: memref<32x1xf32, #tpu.memory_space<vmem>>, %arg49: memref<32x1xf32, #tpu.memory_space<vmem>>, %arg50: memref<32x64xf32, #tpu.memory_space<vmem>>) attributes {dimension_semantics = [#tpu.dimension_semantics<arbitrary>], iteration_bounds = array<i64: 32>, scalar_prefetch = 0 : i64, scratch_operands = 9 : i64, tpu.core_type = #tpu.core_type<tc>, window_params = [{transform_indices = @transform_0, window_bounds = array<i64: 512, 256>}, {transform_indices = @transform_1, window_bounds = array<i64: 512, 256>}, {transform_indices = @transform_2, window_bounds = array<i64: 512, 4>}, {transform_indices = @transform_3, window_bounds = array<i64: 512, 4>}, {transform_indices = @transform_4, window_bounds = array<i64: 512, 256>}, {pipeline_mode = #tpu.pipeline_mode<synchronous>, transform_indices = @transform_5, window_bounds = array<i64: 4, 256>}, {pipeline_mode = #tpu.pipeline_mode<synchronous>, transform_indices = @transform_6, window_bounds = array<i64: 256, 256>}, {pipeline_mode = #tpu.pipeline_mode<synchronous>, transform_indices = @transform_7, window_bounds = array<i64: 1, 256>}, {pipeline_mode = #tpu.pipeline_mode<synchronous>, transform_indices = @transform_8, window_bounds = array<i64: 1, 256>}, {pipeline_mode = #tpu.pipeline_mode<synchronous>, transform_indices = @transform_9, window_bounds = array<i64: 1, 256>}, {pipeline_mode = #tpu.pipeline_mode<synchronous>, transform_indices = @transform_10, window_bounds = array<i64: 256, 256>}, {pipeline_mode = #tpu.pipeline_mode<synchronous>, transform_indices = @transform_11, window_bounds = array<i64: 1, 256>}, {pipeline_mode = #tpu.pipeline_mode<synchronous>, transform_indices = @transform_12, window_bounds = array<i64: 256, 256>}, {pipeline_mode = #tpu.pipeline_mode<synchronous>, transform_indices = @transform_13, window_bounds = array<i64: 1, 256>}, {pipeline_mode = #tpu.pipeline_mode<synchronous>, transform_indices = @transform_14, window_bounds = array<i64: 256, 1>}, {pipeline_mode = #tpu.pipeline_mode<synchronous>, transform_indices = @transform_15, window_bounds = array<i64: 1, 1>}, {pipeline_mode = #tpu.pipeline_mode<synchronous>, transform_indices = @transform_16, window_bounds = array<i64: 256, 256>}, {pipeline_mode = #tpu.pipeline_mode<synchronous>, transform_indices = @transform_17, window_bounds = array<i64: 1, 256>}, {pipeline_mode = #tpu.pipeline_mode<synchronous>, transform_indices = @transform_18, window_bounds = array<i64: 256, 256>}, {pipeline_mode = #tpu.pipeline_mode<synchronous>, transform_indices = @transform_19, window_bounds = array<i64: 1, 256>}, {pipeline_mode = #tpu.pipeline_mode<synchronous>, transform_indices = @transform_20, window_bounds = array<i64: 256, 256>}, {pipeline_mode = #tpu.pipeline_mode<synchronous>, transform_indices = @transform_21, window_bounds = array<i64: 1, 256>}, {pipeline_mode = #tpu.pipeline_mode<synchronous>, transform_indices = @transform_22, window_bounds = array<i64: 256, 256>}, {pipeline_mode = #tpu.pipeline_mode<synchronous>, transform_indices = @transform_23, window_bounds = array<i64: 1, 256>}, {pipeline_mode = #tpu.pipeline_mode<synchronous>, transform_indices = @transform_24, window_bounds = array<i64: 1, 256>}, {pipeline_mode = #tpu.pipeline_mode<synchronous>, transform_indices = @transform_25, window_bounds = array<i64: 1, 256>}, {pipeline_mode = #tpu.pipeline_mode<synchronous>, transform_indices = @transform_26, window_bounds = array<i64: 256, 256>}, {pipeline_mode = #tpu.pipeline_mode<synchronous>, transform_indices = @transform_27, window_bounds = array<i64: 1, 256>}, {pipeline_mode = #tpu.pipeline_mode<synchronous>, transform_indices = @transform_28, window_bounds = array<i64: 256, 256>}, {pipeline_mode = #tpu.pipeline_mode<synchronous>, transform_indices = @transform_29, window_bounds = array<i64: 1, 256>}, {pipeline_mode = #tpu.pipeline_mode<synchronous>, transform_indices = @transform_30, window_bounds = array<i64: 256, 1>}, {pipeline_mode = #tpu.pipeline_mode<synchronous>, transform_indices = @transform_31, window_bounds = array<i64: 1, 1>}, {pipeline_mode = #tpu.pipeline_mode<synchronous>, transform_indices = @transform_32, window_bounds = array<i64: 8, 256>}, {pipeline_mode = #tpu.pipeline_mode<synchronous>, transform_indices = @transform_33, window_bounds = array<i64: 8, 256>}, {pipeline_mode = #tpu.pipeline_mode<synchronous>, transform_indices = @transform_34, window_bounds = array<i64: 256, 256>}, {pipeline_mode = #tpu.pipeline_mode<synchronous>, transform_indices = @transform_35, window_bounds = array<i64: 1, 256>}, {pipeline_mode = #tpu.pipeline_mode<synchronous>, transform_indices = @transform_36, window_bounds = array<i64: 256, 256>}, {pipeline_mode = #tpu.pipeline_mode<synchronous>, transform_indices = @transform_37, window_bounds = array<i64: 1, 256>}, {pipeline_mode = #tpu.pipeline_mode<synchronous>, transform_indices = @transform_38, window_bounds = array<i64: 1, 256>}, {pipeline_mode = #tpu.pipeline_mode<synchronous>, transform_indices = @transform_39, window_bounds = array<i64: 1, 256>}, {pipeline_mode = #tpu.pipeline_mode<synchronous>, transform_indices = @transform_40, window_bounds = array<i64: 32, 64>}]} {
    %eq3A = arith.constant 0 : i32
    %eq3A_0 = arith.cmpi eq, %arg0, %eq3A : i32
    %convert_element_type3A = arith.extui %eq3A_0 : i1 to i32
    %cond3A = arith.constant 0 : i32
    %cond3A_1 = arith.cmpi ne, %convert_element_type3A, %cond3A : i32
    scf.if %cond3A_1 {
      %broadcast_in_dim3A_616 = arith.constant -1.000000e+30 : f32
      %broadcast_in_dim3A_617 = vector.broadcast %broadcast_in_dim3A_616 : f32 to vector<1x1xf32>
      %swap3A_618 = arith.constant 0 : index
      %swap3A_619 = arith.constant 0 : index
      %swap3A_620 = vector.load %arg42[%swap3A_618, %swap3A_619] : memref<1x1xf32, #tpu.memory_space<vmem>>, vector<1x1xf32>
      tpu.vector_store %arg42[%swap3A_618, %swap3A_619], %broadcast_in_dim3A_617 {strides = array<i32>} : memref<1x1xf32, #tpu.memory_space<vmem>>, vector<1x1xf32>,
      %broadcast_in_dim3A_621 = arith.constant -1.000000e+30 : f32
      %broadcast_in_dim3A_622 = vector.broadcast %broadcast_in_dim3A_621 : f32 to vector<1x1xf32>
      %swap3A_623 = arith.constant 0 : index
      %swap3A_624 = arith.constant 0 : index
      %swap3A_625 = vector.load %arg45[%swap3A_623, %swap3A_624] : memref<1x1xf32, #tpu.memory_space<vmem>>, vector<1x1xf32>
      tpu.vector_store %arg45[%swap3A_623, %swap3A_624], %broadcast_in_dim3A_622 {strides = array<i32>} : memref<1x1xf32, #tpu.memory_space<vmem>>, vector<1x1xf32>,
      %broadcast_in_dim3A_626 = arith.constant -1.000000e+30 : f32
      %broadcast_in_dim3A_627 = vector.broadcast %broadcast_in_dim3A_626 : f32 to vector<32x1xf32>
      %swap3A_628 = arith.constant 0 : index
      %swap3A_629 = arith.constant 0 : index
      %swap3A_630 = vector.load %arg48[%swap3A_628, %swap3A_629] : memref<32x1xf32, #tpu.memory_space<vmem>>, vector<32x1xf32>
      tpu.vector_store %arg48[%swap3A_628, %swap3A_629], %broadcast_in_dim3A_627 {strides = array<i32>} : memref<32x1xf32, #tpu.memory_space<vmem>>, vector<32x1xf32>,
      %broadcast_in_dim3A_631 = arith.constant 0.000000e+00 : f32
      %broadcast_in_dim3A_632 = vector.broadcast %broadcast_in_dim3A_631 : f32 to vector<1x1xf32>
      %swap3A_633 = arith.constant 0 : index
      %swap3A_634 = arith.constant 0 : index
      %swap3A_635 = vector.load %arg43[%swap3A_633, %swap3A_634] : memref<1x1xf32, #tpu.memory_space<vmem>>, vector<1x1xf32>
      tpu.vector_store %arg43[%swap3A_633, %swap3A_634], %broadcast_in_dim3A_632 {strides = array<i32>} : memref<1x1xf32, #tpu.memory_space<vmem>>, vector<1x1xf32>,
      %broadcast_in_dim3A_636 = arith.constant 0.000000e+00 : f32
      %broadcast_in_dim3A_637 = vector.broadcast %broadcast_in_dim3A_636 : f32 to vector<1x1xf32>
      %swap3A_638 = arith.constant 0 : index
      %swap3A_639 = arith.constant 0 : index
      %swap3A_640 = vector.load %arg46[%swap3A_638, %swap3A_639] : memref<1x1xf32, #tpu.memory_space<vmem>>, vector<1x1xf32>
      tpu.vector_store %arg46[%swap3A_638, %swap3A_639], %broadcast_in_dim3A_637 {strides = array<i32>} : memref<1x1xf32, #tpu.memory_space<vmem>>, vector<1x1xf32>,
      %broadcast_in_dim3A_641 = arith.constant 0.000000e+00 : f32
      %broadcast_in_dim3A_642 = vector.broadcast %broadcast_in_dim3A_641 : f32 to vector<32x1xf32>
      %swap3A_643 = arith.constant 0 : index
      %swap3A_644 = arith.constant 0 : index
      %swap3A_645 = vector.load %arg49[%swap3A_643, %swap3A_644] : memref<32x1xf32, #tpu.memory_space<vmem>>, vector<32x1xf32>
      tpu.vector_store %arg49[%swap3A_643, %swap3A_644], %broadcast_in_dim3A_642 {strides = array<i32>} : memref<32x1xf32, #tpu.memory_space<vmem>>, vector<32x1xf32>,
      %broadcast_in_dim3A_646 = arith.constant 0.000000e+00 : f32
      %broadcast_in_dim3A_647 = vector.broadcast %broadcast_in_dim3A_646 : f32 to vector<1x256xf32>
      %swap3A_648 = arith.constant 0 : index
      %swap3A_649 = arith.constant 0 : index
      %swap3A_650 = vector.load %arg44[%swap3A_648, %swap3A_649] : memref<1x256xf32, #tpu.memory_space<vmem>>, vector<1x256xf32>
      tpu.vector_store %arg44[%swap3A_648, %swap3A_649], %broadcast_in_dim3A_647 {strides = array<i32>} : memref<1x256xf32, #tpu.memory_space<vmem>>, vector<1x256xf32>,
      %broadcast_in_dim3A_651 = arith.constant 0.000000e+00 : f32
      %broadcast_in_dim3A_652 = vector.broadcast %broadcast_in_dim3A_651 : f32 to vector<1x256xf32>
      %swap3A_653 = arith.constant 0 : index
      %swap3A_654 = arith.constant 0 : index
      %swap3A_655 = vector.load %arg47[%swap3A_653, %swap3A_654] : memref<1x256xf32, #tpu.memory_space<vmem>>, vector<1x256xf32>
      tpu.vector_store %arg47[%swap3A_653, %swap3A_654], %broadcast_in_dim3A_652 {strides = array<i32>} : memref<1x256xf32, #tpu.memory_space<vmem>>, vector<1x256xf32>,
      %broadcast_in_dim3A_656 = arith.constant 0.000000e+00 : f32
      %broadcast_in_dim3A_657 = vector.broadcast %broadcast_in_dim3A_656 : f32 to vector<32x64xf32>
      %swap3A_658 = arith.constant 0 : index
      %swap3A_659 = arith.constant 0 : index
      %swap3A_660 = vector.load %arg50[%swap3A_658, %swap3A_659] : memref<32x64xf32, #tpu.memory_space<vmem>>, vector<32x64xf32>
      tpu.vector_store %arg50[%swap3A_658, %swap3A_659], %broadcast_in_dim3A_657 {strides = array<i32>} : memref<32x64xf32, #tpu.memory_space<vmem>>, vector<32x64xf32>,
    } else {
    }
    %get3A = arith.constant 0 : index
    %get3A_2 = arith.constant 0 : index
    %get3A_3 = vector.load %arg5[%get3A, %get3A_2] : memref<512x256xf32, #tpu.memory_space<vmem>>, vector<512x256xf32>
    %get3A_4 = arith.constant 0 : index
    %get3A_5 = arith.constant 0 : index
    %get3A_6 = vector.load %arg3[%get3A_4, %get3A_5] : memref<512x4xf32, #tpu.memory_space<vmem>>, vector<512x4xf32>
    %get3A_7 = arith.constant 0 : index
    %get3A_8 = arith.constant 0 : index
    %get3A_9 = vector.load %arg4[%get3A_7, %get3A_8] : memref<512x4xf32, #tpu.memory_space<vmem>>, vector<512x4xf32>
    %max3A = arith.maximumf %get3A_6, %get3A_9 : vector<512x4xf32>
    %sub3A = arith.subf %get3A_6, %max3A : vector<512x4xf32>
    %exp3A = math.exp %sub3A : vector<512x4xf32>
    %sub3A_10 = arith.subf %get3A_9, %max3A : vector<512x4xf32>
    %exp3A_11 = math.exp %sub3A_10 : vector<512x4xf32>
    %add3A = arith.addf %exp3A, %exp3A_11 : vector<512x4xf32>
    %log3A = math.log %add3A : vector<512x4xf32>
    %add3A_12 = arith.addf %max3A, %log3A : vector<512x4xf32>
    %sub3A_13 = arith.subf %get3A_6, %add3A_12 : vector<512x4xf32>
    %exp3A_14 = math.exp %sub3A_13 : vector<512x4xf32>
    %get3A_15 = arith.constant 0 : index
    %get3A_16 = arith.constant 0 : index
    %get3A_17 = vector.load %arg6[%get3A_15, %get3A_16] : memref<4x256xf32, #tpu.memory_space<vmem>>, vector<4x256xf32>
    %dot_general3A = arith.constant dense<0.000000e+00> : vector<512x256xf32>
    %dot_general3A_18 = tpu.matmul %exp3A_14, %get3A_17, %dot_general3A {dimension_numbers = #tpu.dot_dimension_numbers<[1], [0], [0], [1], [0, 0, 1, 1], [], []>, transpose_lhs_hint = false} : vector<512x4xf32>, vector<4x256xf32>, vector<512x256xf32> -> vector<512x256xf32>
    %sub3A_19 = arith.subf %get3A_9, %add3A_12 : vector<512x4xf32>
    %exp3A_20 = math.exp %sub3A_19 : vector<512x4xf32>
    %get3A_21 = arith.constant 0 : index
    %get3A_22 = arith.constant 0 : index
    %get3A_23 = vector.load %arg6[%get3A_21, %get3A_22] : memref<4x256xf32, #tpu.memory_space<vmem>>, vector<4x256xf32>
    %dot_general3A_24 = arith.constant dense<0.000000e+00> : vector<512x256xf32>
    %dot_general3A_25 = tpu.matmul %exp3A_20, %get3A_23, %dot_general3A_24 {dimension_numbers = #tpu.dot_dimension_numbers<[1], [0], [0], [1], [0, 0, 1, 1], [], []>, transpose_lhs_hint = false} : vector<512x4xf32>, vector<4x256xf32>, vector<512x256xf32> -> vector<512x256xf32>
    %get3A_26 = arith.constant 0 : index
    %get3A_27 = arith.constant 0 : index
    %get3A_28 = vector.load %arg1[%get3A_26, %get3A_27] : memref<512x256xf32, #tpu.memory_space<vmem>>, vector<512x256xf32>
    %mul3A = arith.mulf %dot_general3A_18, %get3A_28 : vector<512x256xf32>
    %get3A_29 = arith.constant 0 : index
    %get3A_30 = arith.constant 0 : index
    %get3A_31 = vector.load %arg2[%get3A_29, %get3A_30] : memref<512x256xf32, #tpu.memory_space<vmem>>, vector<512x256xf32>
    %mul3A_32 = arith.mulf %dot_general3A_25, %get3A_31 : vector<512x256xf32>
    %add3A_33 = arith.addf %mul3A, %mul3A_32 : vector<512x256xf32>
    %get3A_34 = arith.constant 0 : index
    %get3A_35 = arith.constant 0 : index
    %get3A_36 = vector.load %arg7[%get3A_34, %get3A_35] : memref<256x256xf32, #tpu.memory_space<vmem>>, vector<256x256xf32>
    %dot_general3A_37 = arith.constant dense<0.000000e+00> : vector<512x256xf32>
    %dot_general3A_38 = tpu.matmul %add3A_33, %get3A_36, %dot_general3A_37 {dimension_numbers = #tpu.dot_dimension_numbers<[1], [0], [0], [1], [0, 0, 1, 1], [], []>, transpose_lhs_hint = false} : vector<512x256xf32>, vector<256x256xf32>, vector<512x256xf32> -> vector<512x256xf32>
    %get3A_39 = arith.constant 0 : index
    %get3A_40 = arith.constant 0 : index
    %get3A_41 = vector.load %arg8[%get3A_39, %get3A_40] : memref<1x256xf32, #tpu.memory_space<vmem>>, vector<1x256xf32>
    %add3A_42 = vector.broadcast %get3A_41 : vector<1x256xf32> to vector<512x256xf32>
    %add3A_43 = arith.addf %dot_general3A_38, %add3A_42 : vector<512x256xf32>
    %add3A_44 = arith.addf %add3A_43, %get3A_3 : vector<512x256xf32>
    %get3A_45 = arith.constant 0 : index
    %get3A_46 = arith.constant 0 : index
    %get3A_47 = vector.load %arg9[%get3A_45, %get3A_46] : memref<1x256xf32, #tpu.memory_space<vmem>>, vector<1x256xf32>
    %get3A_48 = arith.constant 0 : index
    %get3A_49 = arith.constant 0 : index
    %get3A_50 = vector.load %arg10[%get3A_48, %get3A_49] : memref<1x256xf32, #tpu.memory_space<vmem>>, vector<1x256xf32>
    %reduce_sum3A = arith.constant dense<0.000000e+00> : vector<512xf32>
    %reduce_sum3A_51 = vector.multi_reduction <add>, %add3A_44, %reduce_sum3A [1] : vector<512x256xf32> to vector<512xf32>
    %broadcast_in_dim3A = vector.shape_cast %reduce_sum3A_51 : vector<512xf32> to vector<512x1xf32>
    %div3A = arith.constant 2.560000e+02 : f32
    %div3A_52 = vector.broadcast %div3A : f32 to vector<512x1xf32>
    %div3A_53 = arith.divf %broadcast_in_dim3A, %div3A_52 : vector<512x1xf32>
    %sub3A_54 = vector.broadcast %div3A_53 : vector<512x1xf32> to vector<512x256xf32>
    %sub3A_55 = arith.subf %add3A_44, %sub3A_54 : vector<512x256xf32>
    %integer_pow3A = arith.mulf %sub3A_55, %sub3A_55 : vector<512x256xf32>
    %reduce_sum3A_56 = arith.constant dense<0.000000e+00> : vector<512xf32>
    %reduce_sum3A_57 = vector.multi_reduction <add>, %integer_pow3A, %reduce_sum3A_56 [1] : vector<512x256xf32> to vector<512xf32>
    %broadcast_in_dim3A_58 = vector.shape_cast %reduce_sum3A_57 : vector<512xf32> to vector<512x1xf32>
    %div3A_59 = arith.constant 2.560000e+02 : f32
    %div3A_60 = vector.broadcast %div3A_59 : f32 to vector<512x1xf32>
    %div3A_61 = arith.divf %broadcast_in_dim3A_58, %div3A_60 : vector<512x1xf32>
    %sub3A_62 = vector.broadcast %div3A_53 : vector<512x1xf32> to vector<512x256xf32>
    %sub3A_63 = arith.subf %add3A_44, %sub3A_62 : vector<512x256xf32>
    %add3A_64 = arith.constant 9.99999974E-6 : f32
    %add3A_65 = vector.broadcast %add3A_64 : f32 to vector<512x1xf32>
    %add3A_66 = arith.addf %div3A_61, %add3A_65 : vector<512x1xf32>
    %sqrt3A = math.sqrt %add3A_66 : vector<512x1xf32>
    %div3A_67 = vector.broadcast %sqrt3A : vector<512x1xf32> to vector<512x256xf32>
    %div3A_68 = arith.divf %sub3A_63, %div3A_67 : vector<512x256xf32>
    %mul3A_69 = vector.broadcast %get3A_47 : vector<1x256xf32> to vector<512x256xf32>
    %mul3A_70 = arith.mulf %div3A_68, %mul3A_69 : vector<512x256xf32>
    %add3A_71 = vector.broadcast %get3A_50 : vector<1x256xf32> to vector<512x256xf32>
    %add3A_72 = arith.addf %mul3A_70, %add3A_71 : vector<512x256xf32>
    %get3A_73 = arith.constant 0 : index
    %get3A_74 = arith.constant 0 : index
    %get3A_75 = vector.load %arg11[%get3A_73, %get3A_74] : memref<256x256xf32, #tpu.memory_space<vmem>>, vector<256x256xf32>
    %dot_general3A_76 = arith.constant dense<0.000000e+00> : vector<512x256xf32>
    %dot_general3A_77 = tpu.matmul %add3A_72, %get3A_75, %dot_general3A_76 {dimension_numbers = #tpu.dot_dimension_numbers<[1], [0], [0], [1], [0, 0, 1, 1], [], []>, transpose_lhs_hint = false} : vector<512x256xf32>, vector<256x256xf32>, vector<512x256xf32> -> vector<512x256xf32>
    %get3A_78 = arith.constant 0 : index
    %get3A_79 = arith.constant 0 : index
    %get3A_80 = vector.load %arg12[%get3A_78, %get3A_79] : memref<1x256xf32, #tpu.memory_space<vmem>>, vector<1x256xf32>
    %add3A_81 = vector.broadcast %get3A_80 : vector<1x256xf32> to vector<512x256xf32>
    %add3A_82 = arith.addf %dot_general3A_77, %add3A_81 : vector<512x256xf32>
    %tanh3A = math.tanh %add3A_82 : vector<512x256xf32>
    %get3A_83 = arith.constant 0 : index
    %get3A_84 = arith.constant 0 : index
    %get3A_85 = vector.load %arg13[%get3A_83, %get3A_84] : memref<256x256xf32, #tpu.memory_space<vmem>>, vector<256x256xf32>
    %dot_general3A_86 = arith.constant dense<0.000000e+00> : vector<512x256xf32>
    %dot_general3A_87 = tpu.matmul %add3A_72, %get3A_85, %dot_general3A_86 {dimension_numbers = #tpu.dot_dimension_numbers<[1], [0], [0], [1], [0, 0, 1, 1], [], []>, transpose_lhs_hint = false} : vector<512x256xf32>, vector<256x256xf32>, vector<512x256xf32> -> vector<512x256xf32>
    %get3A_88 = arith.constant 0 : index
    %get3A_89 = arith.constant 0 : index
    %get3A_90 = vector.load %arg14[%get3A_88, %get3A_89] : memref<1x256xf32, #tpu.memory_space<vmem>>, vector<1x256xf32>
    %add3A_91 = vector.broadcast %get3A_90 : vector<1x256xf32> to vector<512x256xf32>
    %add3A_92 = arith.addf %dot_general3A_87, %add3A_91 : vector<512x256xf32>
    %logistic3A = arith.negf %add3A_92 : vector<512x256xf32>
    %logistic3A_93 = math.exp %logistic3A : vector<512x256xf32>
    %logistic3A_94 = arith.constant 1.000000e+00 : f32
    %logistic3A_95 = vector.broadcast %logistic3A_94 : f32 to vector<512x256xf32>
    %logistic3A_96 = arith.addf %logistic3A_95, %logistic3A_93 : vector<512x256xf32>
    %logistic3A_97 = arith.divf %logistic3A_95, %logistic3A_96 : vector<512x256xf32>
    %mul3A_98 = arith.mulf %tanh3A, %logistic3A_97 : vector<512x256xf32>
    %get3A_99 = arith.constant 0 : index
    %get3A_100 = arith.constant 0 : index
    %get3A_101 = vector.load %arg15[%get3A_99, %get3A_100] : memref<256x1xf32, #tpu.memory_space<vmem>>, vector<256x1xf32>
    %dot_general3A_102 = arith.constant dense<0.000000e+00> : vector<512x1xf32>
    %dot_general3A_103 = tpu.matmul %mul3A_98, %get3A_101, %dot_general3A_102 {dimension_numbers = #tpu.dot_dimension_numbers<[1], [0], [0], [1], [0, 0, 1, 1], [], []>, transpose_lhs_hint = false} : vector<512x256xf32>, vector<256x1xf32>, vector<512x1xf32> -> vector<512x1xf32>
    %get3A_104 = arith.constant 0 : index
    %get3A_105 = arith.constant 0 : index
    %get3A_106 = vector.load %arg16[%get3A_104, %get3A_105] : memref<1x1xf32, #tpu.memory_space<vmem>>, vector<1x1xf32>
    %add3A_107 = vector.broadcast %get3A_106 : vector<1x1xf32> to vector<512x1xf32>
    %add3A_108 = arith.addf %dot_general3A_103, %add3A_107 : vector<512x1xf32>
    %reduce_max3A = arith.constant dense<0xFF800000> : vector<1xf32>
    %reduce_max3A_109 = vector.multi_reduction <maximumf>, %add3A_108, %reduce_max3A [0] : vector<512x1xf32> to vector<1xf32>
    %broadcast_in_dim3A_110 = vector.shape_cast %reduce_max3A_109 : vector<1xf32> to vector<1x1xf32>
    %get3A_111 = arith.constant 0 : index
    %get3A_112 = arith.constant 0 : index
    %get3A_113 = vector.load %arg42[%get3A_111, %get3A_112] : memref<1x1xf32, #tpu.memory_space<vmem>>, vector<1x1xf32>
    %max3A_114 = arith.maximumf %get3A_113, %broadcast_in_dim3A_110 : vector<1x1xf32>
    %get3A_115 = arith.constant 0 : index
    %get3A_116 = arith.constant 0 : index
    %get3A_117 = vector.load %arg42[%get3A_115, %get3A_116] : memref<1x1xf32, #tpu.memory_space<vmem>>, vector<1x1xf32>
    %sub3A_118 = arith.subf %get3A_117, %max3A_114 : vector<1x1xf32>
    %exp3A_119 = math.exp %sub3A_118 : vector<1x1xf32>
    %sub3A_120 = vector.broadcast %max3A_114 : vector<1x1xf32> to vector<512x1xf32>
    %sub3A_121 = arith.subf %add3A_108, %sub3A_120 : vector<512x1xf32>
    %exp3A_122 = math.exp %sub3A_121 : vector<512x1xf32>
    %get3A_123 = arith.constant 0 : index
    %get3A_124 = arith.constant 0 : index
    %get3A_125 = vector.load %arg43[%get3A_123, %get3A_124] : memref<1x1xf32, #tpu.memory_space<vmem>>, vector<1x1xf32>
    %mul3A_126 = arith.mulf %exp3A_119, %get3A_125 : vector<1x1xf32>
    %reduce_sum3A_127 = arith.constant dense<0.000000e+00> : vector<1xf32>
    %reduce_sum3A_128 = vector.multi_reduction <add>, %exp3A_122, %reduce_sum3A_127 [0] : vector<512x1xf32> to vector<1xf32>
    %broadcast_in_dim3A_129 = vector.shape_cast %reduce_sum3A_128 : vector<1xf32> to vector<1x1xf32>
    %add3A_130 = arith.addf %mul3A_126, %broadcast_in_dim3A_129 : vector<1x1xf32>
    %swap3A = arith.constant 0 : index
    %swap3A_131 = arith.constant 0 : index
    %swap3A_132 = vector.load %arg43[%swap3A, %swap3A_131] : memref<1x1xf32, #tpu.memory_space<vmem>>, vector<1x1xf32>
    tpu.vector_store %arg43[%swap3A, %swap3A_131], %add3A_130 {strides = array<i32>} : memref<1x1xf32, #tpu.memory_space<vmem>>, vector<1x1xf32>,
    %dot_general3A_133 = arith.constant dense<0.000000e+00> : vector<1x256xf32>
    %dot_general3A_134 = tpu.matmul %exp3A_122, %add3A_72, %dot_general3A_133 {dimension_numbers = #tpu.dot_dimension_numbers<[0], [0], [1], [1], [0, 1, 1, 1], [], []>, transpose_lhs_hint = false} : vector<512x1xf32>, vector<512x256xf32>, vector<1x256xf32> -> vector<1x256xf32>
    %get3A_135 = arith.constant 0 : index
    %get3A_136 = arith.constant 0 : index
    %get3A_137 = vector.load %arg44[%get3A_135, %get3A_136] : memref<1x256xf32, #tpu.memory_space<vmem>>, vector<1x256xf32>
    %mul3A_138 = vector.broadcast %exp3A_119 : vector<1x1xf32> to vector<1x256xf32>
    %mul3A_139 = arith.mulf %mul3A_138, %get3A_137 : vector<1x256xf32>
    %add3A_140 = arith.addf %mul3A_139, %dot_general3A_134 : vector<1x256xf32>
    %swap3A_141 = arith.constant 0 : index
    %swap3A_142 = arith.constant 0 : index
    %swap3A_143 = vector.load %arg44[%swap3A_141, %swap3A_142] : memref<1x256xf32, #tpu.memory_space<vmem>>, vector<1x256xf32>
    tpu.vector_store %arg44[%swap3A_141, %swap3A_142], %add3A_140 {strides = array<i32>} : memref<1x256xf32, #tpu.memory_space<vmem>>, vector<1x256xf32>,
    %swap3A_144 = arith.constant 0 : index
    %swap3A_145 = arith.constant 0 : index
    %swap3A_146 = vector.load %arg42[%swap3A_144, %swap3A_145] : memref<1x1xf32, #tpu.memory_space<vmem>>, vector<1x1xf32>
    tpu.vector_store %arg42[%swap3A_144, %swap3A_145], %max3A_114 {strides = array<i32>} : memref<1x1xf32, #tpu.memory_space<vmem>>, vector<1x1xf32>,
    %get3A_147 = arith.constant 0 : index
    %get3A_148 = arith.constant 0 : index
    %get3A_149 = vector.load %arg33[%get3A_147, %get3A_148] : memref<8x256xf32, #tpu.memory_space<vmem>>, vector<8x256xf32>
    %get3A_150 = arith.constant 0 : index
    %get3A_151 = arith.constant 0 : index
    %get3A_152 = vector.load %arg19[%get3A_150, %get3A_151] : memref<256x256xf32, #tpu.memory_space<vmem>>, vector<256x256xf32>
    %dot_general3A_153 = arith.constant dense<0.000000e+00> : vector<8x256xf32>
    %dot_general3A_154 = tpu.matmul %get3A_149, %get3A_152, %dot_general3A_153 {dimension_numbers = #tpu.dot_dimension_numbers<[1], [0], [0], [1], [0, 0, 1, 1], [], []>, transpose_lhs_hint = false} : vector<8x256xf32>, vector<256x256xf32>, vector<8x256xf32> -> vector<8x256xf32>
    %get3A_155 = arith.constant 0 : index
    %get3A_156 = arith.constant 0 : index
    %get3A_157 = vector.load %arg20[%get3A_155, %get3A_156] : memref<1x256xf32, #tpu.memory_space<vmem>>, vector<1x256xf32>
    %add3A_158 = vector.broadcast %get3A_157 : vector<1x256xf32> to vector<8x256xf32>
    %add3A_159 = arith.addf %dot_general3A_154, %add3A_158 : vector<8x256xf32>
    %get3A_160 = arith.constant 0 : index
    %get3A_161 = arith.constant 0 : index
    %get3A_162 = vector.load %arg33[%get3A_160, %get3A_161] : memref<8x256xf32, #tpu.memory_space<vmem>>, vector<8x256xf32>
    %get3A_163 = arith.constant 0 : index
    %get3A_164 = arith.constant 0 : index
    %get3A_165 = vector.load %arg21[%get3A_163, %get3A_164] : memref<256x256xf32, #tpu.memory_space<vmem>>, vector<256x256xf32>
    %dot_general3A_166 = arith.constant dense<0.000000e+00> : vector<8x256xf32>
    %dot_general3A_167 = tpu.matmul %get3A_162, %get3A_165, %dot_general3A_166 {dimension_numbers = #tpu.dot_dimension_numbers<[1], [0], [0], [1], [0, 0, 1, 1], [], []>, transpose_lhs_hint = false} : vector<8x256xf32>, vector<256x256xf32>, vector<8x256xf32> -> vector<8x256xf32>
    %get3A_168 = arith.constant 0 : index
    %get3A_169 = arith.constant 0 : index
    %get3A_170 = vector.load %arg22[%get3A_168, %get3A_169] : memref<1x256xf32, #tpu.memory_space<vmem>>, vector<1x256xf32>
    %add3A_171 = vector.broadcast %get3A_170 : vector<1x256xf32> to vector<8x256xf32>
    %add3A_172 = arith.addf %dot_general3A_167, %add3A_171 : vector<8x256xf32>
    %get3A_173 = arith.constant 0 : index
    %get3A_174 = arith.constant 0 : index
    %get3A_175 = vector.load %arg17[%get3A_173, %get3A_174] : memref<256x256xf32, #tpu.memory_space<vmem>>, vector<256x256xf32>
    %dot_general3A_176 = arith.constant dense<0.000000e+00> : vector<512x256xf32>
    %dot_general3A_177 = tpu.matmul %get3A_3, %get3A_175, %dot_general3A_176 {dimension_numbers = #tpu.dot_dimension_numbers<[1], [0], [0], [1], [0, 0, 1, 1], [], []>, transpose_lhs_hint = false} : vector<512x256xf32>, vector<256x256xf32>, vector<512x256xf32> -> vector<512x256xf32>
    %get3A_178 = arith.constant 0 : index
    %get3A_179 = arith.constant 0 : index
    %get3A_180 = vector.load %arg18[%get3A_178, %get3A_179] : memref<1x256xf32, #tpu.memory_space<vmem>>, vector<1x256xf32>
    %add3A_181 = vector.broadcast %get3A_180 : vector<1x256xf32> to vector<512x256xf32>
    %add3A_182 = arith.addf %dot_general3A_177, %add3A_181 : vector<512x256xf32>
    %iota3A = tpu.iota {dimensions = array<i32: 1>} : vector<1x8xi32>
    %lt3A = arith.constant 6 : i32
    %lt3A_183 = vector.broadcast %lt3A : i32 to vector<1x8xi32>
    %lt3A_184 = arith.cmpi slt, %iota3A, %lt3A_183 : vector<1x8xi32>
    %slice3A = vector.extract_strided_slice %add3A_182 {offsets = [0, 0], sizes = [512, 64], strides = [1, 1]} : vector<512x256xf32> to vector<512x64xf32>
    %slice3A_185 = vector.extract_strided_slice %add3A_159 {offsets = [0, 0], sizes = [8, 64], strides = [1, 1]} : vector<8x256xf32> to vector<8x64xf32>
    %dot_general3A_186 = arith.constant dense<0.000000e+00> : vector<512x8xf32>
    %dot_general3A_187 = tpu.matmul %slice3A, %slice3A_185, %dot_general3A_186 {dimension_numbers = #tpu.dot_dimension_numbers<[1], [1], [0], [0], [0, 0, 1, 0], [], []>, transpose_lhs_hint = false} : vector<512x64xf32>, vector<8x64xf32>, vector<512x8xf32> -> vector<512x8xf32>
    %mul3A_188 = arith.constant 1.250000e-01 : f32
    %mul3A_189 = vector.broadcast %mul3A_188 : f32 to vector<512x8xf32>
    %mul3A_190 = arith.mulf %dot_general3A_187, %mul3A_189 : vector<512x8xf32>
    %jit3A = arith.constant -1.000000e+09 : f32
    %broadcast_in_dim3A_191 = vector.shape_cast %lt3A_184 : vector<1x8xi1> to vector<1x8xi1>
    %broadcast_in_dim3A_192 = vector.broadcast %broadcast_in_dim3A_191 : vector<1x8xi1> to vector<512x8xi1>
    %broadcast_in_dim3A_193 = vector.broadcast %jit3A : f32 to vector<512x8xf32>
    %select_n3A = arith.select %broadcast_in_dim3A_192, %mul3A_190, %broadcast_in_dim3A_193 : vector<512x8xi1>, vector<512x8xf32>
    %reduce_max3A_194 = arith.constant dense<0xFF800000> : vector<512xf32>
    %reduce_max3A_195 = vector.multi_reduction <maximumf>, %select_n3A, %reduce_max3A_194 [1] : vector<512x8xf32> to vector<512xf32>
    %broadcast_in_dim3A_196 = vector.shape_cast %reduce_max3A_195 : vector<512xf32> to vector<512x1xf32>
    %sub3A_197 = vector.broadcast %broadcast_in_dim3A_196 : vector<512x1xf32> to vector<512x8xf32>
    %sub3A_198 = arith.subf %select_n3A, %sub3A_197 : vector<512x8xf32>
    %exp3A_199 = math.exp %sub3A_198 : vector<512x8xf32>
    %reduce_sum3A_200 = arith.constant dense<0.000000e+00> : vector<512xf32>
    %reduce_sum3A_201 = vector.multi_reduction <add>, %exp3A_199, %reduce_sum3A_200 [1] : vector<512x8xf32> to vector<512xf32>
    %broadcast_in_dim3A_202 = vector.shape_cast %reduce_sum3A_201 : vector<512xf32> to vector<512x1xf32>
    %div3A_203 = vector.broadcast %broadcast_in_dim3A_202 : vector<512x1xf32> to vector<512x8xf32>
    %div3A_204 = arith.divf %exp3A_199, %div3A_203 : vector<512x8xf32>
    %slice3A_205 = vector.extract_strided_slice %add3A_172 {offsets = [0, 0], sizes = [8, 64], strides = [1, 1]} : vector<8x256xf32> to vector<8x64xf32>
    %dot_general3A_206 = arith.constant dense<0.000000e+00> : vector<512x64xf32>
    %dot_general3A_207 = tpu.matmul %div3A_204, %slice3A_205, %dot_general3A_206 {dimension_numbers = #tpu.dot_dimension_numbers<[1], [0], [0], [1], [0, 0, 1, 1], [], []>, transpose_lhs_hint = false} : vector<512x8xf32>, vector<8x64xf32>, vector<512x64xf32> -> vector<512x64xf32>
    %slice3A_208 = vector.extract_strided_slice %add3A_182 {offsets = [0, 64], sizes = [512, 64], strides = [1, 1]} : vector<512x256xf32> to vector<512x64xf32>
    %slice3A_209 = vector.extract_strided_slice %add3A_159 {offsets = [0, 64], sizes = [8, 64], strides = [1, 1]} : vector<8x256xf32> to vector<8x64xf32>
    %dot_general3A_210 = arith.constant dense<0.000000e+00> : vector<512x8xf32>
    %dot_general3A_211 = tpu.matmul %slice3A_208, %slice3A_209, %dot_general3A_210 {dimension_numbers = #tpu.dot_dimension_numbers<[1], [1], [0], [0], [0, 0, 1, 0], [], []>, transpose_lhs_hint = false} : vector<512x64xf32>, vector<8x64xf32>, vector<512x8xf32> -> vector<512x8xf32>
    %mul3A_212 = arith.constant 1.250000e-01 : f32
    %mul3A_213 = vector.broadcast %mul3A_212 : f32 to vector<512x8xf32>
    %mul3A_214 = arith.mulf %dot_general3A_211, %mul3A_213 : vector<512x8xf32>
    %jit3A_215 = arith.constant -1.000000e+09 : f32
    %broadcast_in_dim3A_216 = vector.shape_cast %lt3A_184 : vector<1x8xi1> to vector<1x8xi1>
    %broadcast_in_dim3A_217 = vector.broadcast %broadcast_in_dim3A_216 : vector<1x8xi1> to vector<512x8xi1>
    %broadcast_in_dim3A_218 = vector.broadcast %jit3A_215 : f32 to vector<512x8xf32>
    %select_n3A_219 = arith.select %broadcast_in_dim3A_217, %mul3A_214, %broadcast_in_dim3A_218 : vector<512x8xi1>, vector<512x8xf32>
    %reduce_max3A_220 = arith.constant dense<0xFF800000> : vector<512xf32>
    %reduce_max3A_221 = vector.multi_reduction <maximumf>, %select_n3A_219, %reduce_max3A_220 [1] : vector<512x8xf32> to vector<512xf32>
    %broadcast_in_dim3A_222 = vector.shape_cast %reduce_max3A_221 : vector<512xf32> to vector<512x1xf32>
    %sub3A_223 = vector.broadcast %broadcast_in_dim3A_222 : vector<512x1xf32> to vector<512x8xf32>
    %sub3A_224 = arith.subf %select_n3A_219, %sub3A_223 : vector<512x8xf32>
    %exp3A_225 = math.exp %sub3A_224 : vector<512x8xf32>
    %reduce_sum3A_226 = arith.constant dense<0.000000e+00> : vector<512xf32>
    %reduce_sum3A_227 = vector.multi_reduction <add>, %exp3A_225, %reduce_sum3A_226 [1] : vector<512x8xf32> to vector<512xf32>
    %broadcast_in_dim3A_228 = vector.shape_cast %reduce_sum3A_227 : vector<512xf32> to vector<512x1xf32>
    %div3A_229 = vector.broadcast %broadcast_in_dim3A_228 : vector<512x1xf32> to vector<512x8xf32>
    %div3A_230 = arith.divf %exp3A_225, %div3A_229 : vector<512x8xf32>
    %slice3A_231 = vector.extract_strided_slice %add3A_172 {offsets = [0, 64], sizes = [8, 64], strides = [1, 1]} : vector<8x256xf32> to vector<8x64xf32>
    %dot_general3A_232 = arith.constant dense<0.000000e+00> : vector<512x64xf32>
    %dot_general3A_233 = tpu.matmul %div3A_230, %slice3A_231, %dot_general3A_232 {dimension_numbers = #tpu.dot_dimension_numbers<[1], [0], [0], [1], [0, 0, 1, 1], [], []>, transpose_lhs_hint = false} : vector<512x8xf32>, vector<8x64xf32>, vector<512x64xf32> -> vector<512x64xf32>
    %slice3A_234 = vector.extract_strided_slice %add3A_182 {offsets = [0, 128], sizes = [512, 64], strides = [1, 1]} : vector<512x256xf32> to vector<512x64xf32>
    %slice3A_235 = vector.extract_strided_slice %add3A_159 {offsets = [0, 128], sizes = [8, 64], strides = [1, 1]} : vector<8x256xf32> to vector<8x64xf32>
    %dot_general3A_236 = arith.constant dense<0.000000e+00> : vector<512x8xf32>
    %dot_general3A_237 = tpu.matmul %slice3A_234, %slice3A_235, %dot_general3A_236 {dimension_numbers = #tpu.dot_dimension_numbers<[1], [1], [0], [0], [0, 0, 1, 0], [], []>, transpose_lhs_hint = false} : vector<512x64xf32>, vector<8x64xf32>, vector<512x8xf32> -> vector<512x8xf32>
    %mul3A_238 = arith.constant 1.250000e-01 : f32
    %mul3A_239 = vector.broadcast %mul3A_238 : f32 to vector<512x8xf32>
    %mul3A_240 = arith.mulf %dot_general3A_237, %mul3A_239 : vector<512x8xf32>
    %jit3A_241 = arith.constant -1.000000e+09 : f32
    %broadcast_in_dim3A_242 = vector.shape_cast %lt3A_184 : vector<1x8xi1> to vector<1x8xi1>
    %broadcast_in_dim3A_243 = vector.broadcast %broadcast_in_dim3A_242 : vector<1x8xi1> to vector<512x8xi1>
    %broadcast_in_dim3A_244 = vector.broadcast %jit3A_241 : f32 to vector<512x8xf32>
    %select_n3A_245 = arith.select %broadcast_in_dim3A_243, %mul3A_240, %broadcast_in_dim3A_244 : vector<512x8xi1>, vector<512x8xf32>
    %reduce_max3A_246 = arith.constant dense<0xFF800000> : vector<512xf32>
    %reduce_max3A_247 = vector.multi_reduction <maximumf>, %select_n3A_245, %reduce_max3A_246 [1] : vector<512x8xf32> to vector<512xf32>
    %broadcast_in_dim3A_248 = vector.shape_cast %reduce_max3A_247 : vector<512xf32> to vector<512x1xf32>
    %sub3A_249 = vector.broadcast %broadcast_in_dim3A_248 : vector<512x1xf32> to vector<512x8xf32>
    %sub3A_250 = arith.subf %select_n3A_245, %sub3A_249 : vector<512x8xf32>
    %exp3A_251 = math.exp %sub3A_250 : vector<512x8xf32>
    %reduce_sum3A_252 = arith.constant dense<0.000000e+00> : vector<512xf32>
    %reduce_sum3A_253 = vector.multi_reduction <add>, %exp3A_251, %reduce_sum3A_252 [1] : vector<512x8xf32> to vector<512xf32>
    %broadcast_in_dim3A_254 = vector.shape_cast %reduce_sum3A_253 : vector<512xf32> to vector<512x1xf32>
    %div3A_255 = vector.broadcast %broadcast_in_dim3A_254 : vector<512x1xf32> to vector<512x8xf32>
    %div3A_256 = arith.divf %exp3A_251, %div3A_255 : vector<512x8xf32>
    %slice3A_257 = vector.extract_strided_slice %add3A_172 {offsets = [0, 128], sizes = [8, 64], strides = [1, 1]} : vector<8x256xf32> to vector<8x64xf32>
    %dot_general3A_258 = arith.constant dense<0.000000e+00> : vector<512x64xf32>
    %dot_general3A_259 = tpu.matmul %div3A_256, %slice3A_257, %dot_general3A_258 {dimension_numbers = #tpu.dot_dimension_numbers<[1], [0], [0], [1], [0, 0, 1, 1], [], []>, transpose_lhs_hint = false} : vector<512x8xf32>, vector<8x64xf32>, vector<512x64xf32> -> vector<512x64xf32>
    %slice3A_260 = vector.extract_strided_slice %add3A_182 {offsets = [0, 192], sizes = [512, 64], strides = [1, 1]} : vector<512x256xf32> to vector<512x64xf32>
    %slice3A_261 = vector.extract_strided_slice %add3A_159 {offsets = [0, 192], sizes = [8, 64], strides = [1, 1]} : vector<8x256xf32> to vector<8x64xf32>
    %dot_general3A_262 = arith.constant dense<0.000000e+00> : vector<512x8xf32>
    %dot_general3A_263 = tpu.matmul %slice3A_260, %slice3A_261, %dot_general3A_262 {dimension_numbers = #tpu.dot_dimension_numbers<[1], [1], [0], [0], [0, 0, 1, 0], [], []>, transpose_lhs_hint = false} : vector<512x64xf32>, vector<8x64xf32>, vector<512x8xf32> -> vector<512x8xf32>
    %mul3A_264 = arith.constant 1.250000e-01 : f32
    %mul3A_265 = vector.broadcast %mul3A_264 : f32 to vector<512x8xf32>
    %mul3A_266 = arith.mulf %dot_general3A_263, %mul3A_265 : vector<512x8xf32>
    %jit3A_267 = arith.constant -1.000000e+09 : f32
    %broadcast_in_dim3A_268 = vector.shape_cast %lt3A_184 : vector<1x8xi1> to vector<1x8xi1>
    %broadcast_in_dim3A_269 = vector.broadcast %broadcast_in_dim3A_268 : vector<1x8xi1> to vector<512x8xi1>
    %broadcast_in_dim3A_270 = vector.broadcast %jit3A_267 : f32 to vector<512x8xf32>
    %select_n3A_271 = arith.select %broadcast_in_dim3A_269, %mul3A_266, %broadcast_in_dim3A_270 : vector<512x8xi1>, vector<512x8xf32>
    %reduce_max3A_272 = arith.constant dense<0xFF800000> : vector<512xf32>
    %reduce_max3A_273 = vector.multi_reduction <maximumf>, %select_n3A_271, %reduce_max3A_272 [1] : vector<512x8xf32> to vector<512xf32>
    %broadcast_in_dim3A_274 = vector.shape_cast %reduce_max3A_273 : vector<512xf32> to vector<512x1xf32>
    %sub3A_275 = vector.broadcast %broadcast_in_dim3A_274 : vector<512x1xf32> to vector<512x8xf32>
    %sub3A_276 = arith.subf %select_n3A_271, %sub3A_275 : vector<512x8xf32>
    %exp3A_277 = math.exp %sub3A_276 : vector<512x8xf32>
    %reduce_sum3A_278 = arith.constant dense<0.000000e+00> : vector<512xf32>
    %reduce_sum3A_279 = vector.multi_reduction <add>, %exp3A_277, %reduce_sum3A_278 [1] : vector<512x8xf32> to vector<512xf32>
    %broadcast_in_dim3A_280 = vector.shape_cast %reduce_sum3A_279 : vector<512xf32> to vector<512x1xf32>
    %div3A_281 = vector.broadcast %broadcast_in_dim3A_280 : vector<512x1xf32> to vector<512x8xf32>
    %div3A_282 = arith.divf %exp3A_277, %div3A_281 : vector<512x8xf32>
    %slice3A_283 = vector.extract_strided_slice %add3A_172 {offsets = [0, 192], sizes = [8, 64], strides = [1, 1]} : vector<8x256xf32> to vector<8x64xf32>
    %dot_general3A_284 = arith.constant dense<0.000000e+00> : vector<512x64xf32>
    %dot_general3A_285 = tpu.matmul %div3A_282, %slice3A_283, %dot_general3A_284 {dimension_numbers = #tpu.dot_dimension_numbers<[1], [0], [0], [1], [0, 0, 1, 1], [], []>, transpose_lhs_hint = false} : vector<512x8xf32>, vector<8x64xf32>, vector<512x64xf32> -> vector<512x64xf32>
    %concatenate3A = tpu.concatenate %dot_general3A_207, %dot_general3A_233, %dot_general3A_259, %dot_general3A_285 in 1 : vector<512x64xf32>, vector<512x64xf32>, vector<512x64xf32>, vector<512x64xf32> -> vector<512x256xf32>
    %get3A_286 = arith.constant 0 : index
    %get3A_287 = arith.constant 0 : index
    %get3A_288 = vector.load %arg23[%get3A_286, %get3A_287] : memref<256x256xf32, #tpu.memory_space<vmem>>, vector<256x256xf32>
    %dot_general3A_289 = arith.constant dense<0.000000e+00> : vector<512x256xf32>
    %dot_general3A_290 = tpu.matmul %concatenate3A, %get3A_288, %dot_general3A_289 {dimension_numbers = #tpu.dot_dimension_numbers<[1], [0], [0], [1], [0, 0, 1, 1], [], []>, transpose_lhs_hint = false} : vector<512x256xf32>, vector<256x256xf32>, vector<512x256xf32> -> vector<512x256xf32>
    %get3A_291 = arith.constant 0 : index
    %get3A_292 = arith.constant 0 : index
    %get3A_293 = vector.load %arg24[%get3A_291, %get3A_292] : memref<1x256xf32, #tpu.memory_space<vmem>>, vector<1x256xf32>
    %add3A_294 = vector.broadcast %get3A_293 : vector<1x256xf32> to vector<512x256xf32>
    %add3A_295 = arith.addf %dot_general3A_290, %add3A_294 : vector<512x256xf32>
    %add3A_296 = arith.addf %add3A_295, %get3A_3 : vector<512x256xf32>
    %get3A_297 = arith.constant 0 : index
    %get3A_298 = arith.constant 0 : index
    %get3A_299 = vector.load %arg25[%get3A_297, %get3A_298] : memref<1x256xf32, #tpu.memory_space<vmem>>, vector<1x256xf32>
    %get3A_300 = arith.constant 0 : index
    %get3A_301 = arith.constant 0 : index
    %get3A_302 = vector.load %arg26[%get3A_300, %get3A_301] : memref<1x256xf32, #tpu.memory_space<vmem>>, vector<1x256xf32>
    %reduce_sum3A_303 = arith.constant dense<0.000000e+00> : vector<512xf32>
    %reduce_sum3A_304 = vector.multi_reduction <add>, %add3A_296, %reduce_sum3A_303 [1] : vector<512x256xf32> to vector<512xf32>
    %broadcast_in_dim3A_305 = vector.shape_cast %reduce_sum3A_304 : vector<512xf32> to vector<512x1xf32>
    %div3A_306 = arith.constant 2.560000e+02 : f32
    %div3A_307 = vector.broadcast %div3A_306 : f32 to vector<512x1xf32>
    %div3A_308 = arith.divf %broadcast_in_dim3A_305, %div3A_307 : vector<512x1xf32>
    %sub3A_309 = vector.broadcast %div3A_308 : vector<512x1xf32> to vector<512x256xf32>
    %sub3A_310 = arith.subf %add3A_296, %sub3A_309 : vector<512x256xf32>
    %integer_pow3A_311 = arith.mulf %sub3A_310, %sub3A_310 : vector<512x256xf32>
    %reduce_sum3A_312 = arith.constant dense<0.000000e+00> : vector<512xf32>
    %reduce_sum3A_313 = vector.multi_reduction <add>, %integer_pow3A_311, %reduce_sum3A_312 [1] : vector<512x256xf32> to vector<512xf32>
    %broadcast_in_dim3A_314 = vector.shape_cast %reduce_sum3A_313 : vector<512xf32> to vector<512x1xf32>
    %div3A_315 = arith.constant 2.560000e+02 : f32
    %div3A_316 = vector.broadcast %div3A_315 : f32 to vector<512x1xf32>
    %div3A_317 = arith.divf %broadcast_in_dim3A_314, %div3A_316 : vector<512x1xf32>
    %sub3A_318 = vector.broadcast %div3A_308 : vector<512x1xf32> to vector<512x256xf32>
    %sub3A_319 = arith.subf %add3A_296, %sub3A_318 : vector<512x256xf32>
    %add3A_320 = arith.constant 9.99999974E-6 : f32
    %add3A_321 = vector.broadcast %add3A_320 : f32 to vector<512x1xf32>
    %add3A_322 = arith.addf %div3A_317, %add3A_321 : vector<512x1xf32>
    %sqrt3A_323 = math.sqrt %add3A_322 : vector<512x1xf32>
    %div3A_324 = vector.broadcast %sqrt3A_323 : vector<512x1xf32> to vector<512x256xf32>
    %div3A_325 = arith.divf %sub3A_319, %div3A_324 : vector<512x256xf32>
    %mul3A_326 = vector.broadcast %get3A_299 : vector<1x256xf32> to vector<512x256xf32>
    %mul3A_327 = arith.mulf %div3A_325, %mul3A_326 : vector<512x256xf32>
    %add3A_328 = vector.broadcast %get3A_302 : vector<1x256xf32> to vector<512x256xf32>
    %add3A_329 = arith.addf %mul3A_327, %add3A_328 : vector<512x256xf32>
    %get3A_330 = arith.constant 0 : index
    %get3A_331 = arith.constant 0 : index
    %get3A_332 = vector.load %arg27[%get3A_330, %get3A_331] : memref<256x256xf32, #tpu.memory_space<vmem>>, vector<256x256xf32>
    %dot_general3A_333 = arith.constant dense<0.000000e+00> : vector<512x256xf32>
    %dot_general3A_334 = tpu.matmul %add3A_329, %get3A_332, %dot_general3A_333 {dimension_numbers = #tpu.dot_dimension_numbers<[1], [0], [0], [1], [0, 0, 1, 1], [], []>, transpose_lhs_hint = false} : vector<512x256xf32>, vector<256x256xf32>, vector<512x256xf32> -> vector<512x256xf32>
    %get3A_335 = arith.constant 0 : index
    %get3A_336 = arith.constant 0 : index
    %get3A_337 = vector.load %arg28[%get3A_335, %get3A_336] : memref<1x256xf32, #tpu.memory_space<vmem>>, vector<1x256xf32>
    %add3A_338 = vector.broadcast %get3A_337 : vector<1x256xf32> to vector<512x256xf32>
    %add3A_339 = arith.addf %dot_general3A_334, %add3A_338 : vector<512x256xf32>
    %tanh3A_340 = math.tanh %add3A_339 : vector<512x256xf32>
    %get3A_341 = arith.constant 0 : index
    %get3A_342 = arith.constant 0 : index
    %get3A_343 = vector.load %arg29[%get3A_341, %get3A_342] : memref<256x256xf32, #tpu.memory_space<vmem>>, vector<256x256xf32>
    %dot_general3A_344 = arith.constant dense<0.000000e+00> : vector<512x256xf32>
    %dot_general3A_345 = tpu.matmul %add3A_329, %get3A_343, %dot_general3A_344 {dimension_numbers = #tpu.dot_dimension_numbers<[1], [0], [0], [1], [0, 0, 1, 1], [], []>, transpose_lhs_hint = false} : vector<512x256xf32>, vector<256x256xf32>, vector<512x256xf32> -> vector<512x256xf32>
    %get3A_346 = arith.constant 0 : index
    %get3A_347 = arith.constant 0 : index
    %get3A_348 = vector.load %arg30[%get3A_346, %get3A_347] : memref<1x256xf32, #tpu.memory_space<vmem>>, vector<1x256xf32>
    %add3A_349 = vector.broadcast %get3A_348 : vector<1x256xf32> to vector<512x256xf32>
    %add3A_350 = arith.addf %dot_general3A_345, %add3A_349 : vector<512x256xf32>
    %logistic3A_351 = arith.negf %add3A_350 : vector<512x256xf32>
    %logistic3A_352 = math.exp %logistic3A_351 : vector<512x256xf32>
    %logistic3A_353 = arith.constant 1.000000e+00 : f32
    %logistic3A_354 = vector.broadcast %logistic3A_353 : f32 to vector<512x256xf32>
    %logistic3A_355 = arith.addf %logistic3A_354, %logistic3A_352 : vector<512x256xf32>
    %logistic3A_356 = arith.divf %logistic3A_354, %logistic3A_355 : vector<512x256xf32>
    %mul3A_357 = arith.mulf %tanh3A_340, %logistic3A_356 : vector<512x256xf32>
    %get3A_358 = arith.constant 0 : index
    %get3A_359 = arith.constant 0 : index
    %get3A_360 = vector.load %arg31[%get3A_358, %get3A_359] : memref<256x1xf32, #tpu.memory_space<vmem>>, vector<256x1xf32>
    %dot_general3A_361 = arith.constant dense<0.000000e+00> : vector<512x1xf32>
    %dot_general3A_362 = tpu.matmul %mul3A_357, %get3A_360, %dot_general3A_361 {dimension_numbers = #tpu.dot_dimension_numbers<[1], [0], [0], [1], [0, 0, 1, 1], [], []>, transpose_lhs_hint = false} : vector<512x256xf32>, vector<256x1xf32>, vector<512x1xf32> -> vector<512x1xf32>
    %get3A_363 = arith.constant 0 : index
    %get3A_364 = arith.constant 0 : index
    %get3A_365 = vector.load %arg32[%get3A_363, %get3A_364] : memref<1x1xf32, #tpu.memory_space<vmem>>, vector<1x1xf32>
    %add3A_366 = vector.broadcast %get3A_365 : vector<1x1xf32> to vector<512x1xf32>
    %add3A_367 = arith.addf %dot_general3A_362, %add3A_366 : vector<512x1xf32>
    %reduce_max3A_368 = arith.constant dense<0xFF800000> : vector<1xf32>
    %reduce_max3A_369 = vector.multi_reduction <maximumf>, %add3A_367, %reduce_max3A_368 [0] : vector<512x1xf32> to vector<1xf32>
    %broadcast_in_dim3A_370 = vector.shape_cast %reduce_max3A_369 : vector<1xf32> to vector<1x1xf32>
    %get3A_371 = arith.constant 0 : index
    %get3A_372 = arith.constant 0 : index
    %get3A_373 = vector.load %arg45[%get3A_371, %get3A_372] : memref<1x1xf32, #tpu.memory_space<vmem>>, vector<1x1xf32>
    %max3A_374 = arith.maximumf %get3A_373, %broadcast_in_dim3A_370 : vector<1x1xf32>
    %get3A_375 = arith.constant 0 : index
    %get3A_376 = arith.constant 0 : index
    %get3A_377 = vector.load %arg45[%get3A_375, %get3A_376] : memref<1x1xf32, #tpu.memory_space<vmem>>, vector<1x1xf32>
    %sub3A_378 = arith.subf %get3A_377, %max3A_374 : vector<1x1xf32>
    %exp3A_379 = math.exp %sub3A_378 : vector<1x1xf32>
    %sub3A_380 = vector.broadcast %max3A_374 : vector<1x1xf32> to vector<512x1xf32>
    %sub3A_381 = arith.subf %add3A_367, %sub3A_380 : vector<512x1xf32>
    %exp3A_382 = math.exp %sub3A_381 : vector<512x1xf32>
    %get3A_383 = arith.constant 0 : index
    %get3A_384 = arith.constant 0 : index
    %get3A_385 = vector.load %arg46[%get3A_383, %get3A_384] : memref<1x1xf32, #tpu.memory_space<vmem>>, vector<1x1xf32>
    %mul3A_386 = arith.mulf %exp3A_379, %get3A_385 : vector<1x1xf32>
    %reduce_sum3A_387 = arith.constant dense<0.000000e+00> : vector<1xf32>
    %reduce_sum3A_388 = vector.multi_reduction <add>, %exp3A_382, %reduce_sum3A_387 [0] : vector<512x1xf32> to vector<1xf32>
    %broadcast_in_dim3A_389 = vector.shape_cast %reduce_sum3A_388 : vector<1xf32> to vector<1x1xf32>
    %add3A_390 = arith.addf %mul3A_386, %broadcast_in_dim3A_389 : vector<1x1xf32>
    %swap3A_391 = arith.constant 0 : index
    %swap3A_392 = arith.constant 0 : index
    %swap3A_393 = vector.load %arg46[%swap3A_391, %swap3A_392] : memref<1x1xf32, #tpu.memory_space<vmem>>, vector<1x1xf32>
    tpu.vector_store %arg46[%swap3A_391, %swap3A_392], %add3A_390 {strides = array<i32>} : memref<1x1xf32, #tpu.memory_space<vmem>>, vector<1x1xf32>,
    %dot_general3A_394 = arith.constant dense<0.000000e+00> : vector<1x256xf32>
    %dot_general3A_395 = tpu.matmul %exp3A_382, %add3A_329, %dot_general3A_394 {dimension_numbers = #tpu.dot_dimension_numbers<[0], [0], [1], [1], [0, 1, 1, 1], [], []>, transpose_lhs_hint = false} : vector<512x1xf32>, vector<512x256xf32>, vector<1x256xf32> -> vector<1x256xf32>
    %get3A_396 = arith.constant 0 : index
    %get3A_397 = arith.constant 0 : index
    %get3A_398 = vector.load %arg47[%get3A_396, %get3A_397] : memref<1x256xf32, #tpu.memory_space<vmem>>, vector<1x256xf32>
    %mul3A_399 = vector.broadcast %exp3A_379 : vector<1x1xf32> to vector<1x256xf32>
    %mul3A_400 = arith.mulf %mul3A_399, %get3A_398 : vector<1x256xf32>
    %add3A_401 = arith.addf %mul3A_400, %dot_general3A_395 : vector<1x256xf32>
    %swap3A_402 = arith.constant 0 : index
    %swap3A_403 = arith.constant 0 : index
    %swap3A_404 = vector.load %arg47[%swap3A_402, %swap3A_403] : memref<1x256xf32, #tpu.memory_space<vmem>>, vector<1x256xf32>
    tpu.vector_store %arg47[%swap3A_402, %swap3A_403], %add3A_401 {strides = array<i32>} : memref<1x256xf32, #tpu.memory_space<vmem>>, vector<1x256xf32>,
    %swap3A_405 = arith.constant 0 : index
    %swap3A_406 = arith.constant 0 : index
    %swap3A_407 = vector.load %arg45[%swap3A_405, %swap3A_406] : memref<1x1xf32, #tpu.memory_space<vmem>>, vector<1x1xf32>
    tpu.vector_store %arg45[%swap3A_405, %swap3A_406], %max3A_374 {strides = array<i32>} : memref<1x1xf32, #tpu.memory_space<vmem>>, vector<1x1xf32>,
    %get3A_408 = arith.constant 0 : index
    %get3A_409 = arith.constant 0 : index
    %get3A_410 = vector.load %arg35[%get3A_408, %get3A_409] : memref<256x256xf32, #tpu.memory_space<vmem>>, vector<256x256xf32>
    %dot_general3A_411 = arith.constant dense<0.000000e+00> : vector<512x256xf32>
    %dot_general3A_412 = tpu.matmul %get3A_3, %get3A_410, %dot_general3A_411 {dimension_numbers = #tpu.dot_dimension_numbers<[1], [0], [0], [1], [0, 0, 1, 1], [], []>, transpose_lhs_hint = false} : vector<512x256xf32>, vector<256x256xf32>, vector<512x256xf32> -> vector<512x256xf32>
    %get3A_413 = arith.constant 0 : index
    %get3A_414 = arith.constant 0 : index
    %get3A_415 = vector.load %arg36[%get3A_413, %get3A_414] : memref<1x256xf32, #tpu.memory_space<vmem>>, vector<1x256xf32>
    %add3A_416 = vector.broadcast %get3A_415 : vector<1x256xf32> to vector<512x256xf32>
    %add3A_417 = arith.addf %dot_general3A_412, %add3A_416 : vector<512x256xf32>
    %get3A_418 = arith.constant 0 : index
    %get3A_419 = arith.constant 0 : index
    %get3A_420 = vector.load %arg37[%get3A_418, %get3A_419] : memref<256x256xf32, #tpu.memory_space<vmem>>, vector<256x256xf32>
    %dot_general3A_421 = arith.constant dense<0.000000e+00> : vector<512x256xf32>
    %dot_general3A_422 = tpu.matmul %get3A_3, %get3A_420, %dot_general3A_421 {dimension_numbers = #tpu.dot_dimension_numbers<[1], [0], [0], [1], [0, 0, 1, 1], [], []>, transpose_lhs_hint = false} : vector<512x256xf32>, vector<256x256xf32>, vector<512x256xf32> -> vector<512x256xf32>
    %get3A_423 = arith.constant 0 : index
    %get3A_424 = arith.constant 0 : index
    %get3A_425 = vector.load %arg38[%get3A_423, %get3A_424] : memref<1x256xf32, #tpu.memory_space<vmem>>, vector<1x256xf32>
    %add3A_426 = vector.broadcast %get3A_425 : vector<1x256xf32> to vector<512x256xf32>
    %add3A_427 = arith.addf %dot_general3A_422, %add3A_426 : vector<512x256xf32>
    %get3A_428 = arith.constant 0 : index
    %get3A_429 = arith.constant 0 : index
    %get3A_430 = vector.load %arg34[%get3A_428, %get3A_429] : memref<8x256xf32, #tpu.memory_space<vmem>>, vector<8x256xf32>
    %slice3A_431 = vector.extract_strided_slice %get3A_430 {offsets = [0, 0], sizes = [8, 64], strides = [1, 1]} : vector<8x256xf32> to vector<8x64xf32>
    %slice3A_432 = vector.extract_strided_slice %add3A_417 {offsets = [0, 0], sizes = [512, 64], strides = [1, 1]} : vector<512x256xf32> to vector<512x64xf32>
    %dot_general3A_433 = arith.constant dense<0.000000e+00> : vector<8x512xf32>
    %dot_general3A_434 = tpu.matmul %slice3A_431, %slice3A_432, %dot_general3A_433 {dimension_numbers = #tpu.dot_dimension_numbers<[1], [1], [0], [0], [0, 0, 1, 0], [], []>, transpose_lhs_hint = false} : vector<8x64xf32>, vector<512x64xf32>, vector<8x512xf32> -> vector<8x512xf32>
    %mul3A_435 = arith.constant 1.250000e-01 : f32
    %mul3A_436 = vector.broadcast %mul3A_435 : f32 to vector<8x512xf32>
    %mul3A_437 = arith.mulf %dot_general3A_434, %mul3A_436 : vector<8x512xf32>
    %reduce_max3A_438 = arith.constant dense<0xFF800000> : vector<8xf32>
    %reduce_max3A_439 = vector.multi_reduction <maximumf>, %mul3A_437, %reduce_max3A_438 [1] : vector<8x512xf32> to vector<8xf32>
    %broadcast_in_dim3A_440 = vector.shape_cast %reduce_max3A_439 : vector<8xf32> to vector<8x1xf32>
    %get3A_441 = arith.constant 0 : index
    %get3A_442 = arith.constant 0 : index
    %get3A_443 = vector.load %arg48[%get3A_441, %get3A_442] : memref<32x1xf32, #tpu.memory_space<vmem>>, vector<8x1xf32>
    %max3A_444 = arith.maximumf %get3A_443, %broadcast_in_dim3A_440 : vector<8x1xf32>
    %sub3A_445 = arith.subf %get3A_443, %max3A_444 : vector<8x1xf32>
    %exp3A_446 = math.exp %sub3A_445 : vector<8x1xf32>
    %sub3A_447 = vector.broadcast %max3A_444 : vector<8x1xf32> to vector<8x512xf32>
    %sub3A_448 = arith.subf %mul3A_437, %sub3A_447 : vector<8x512xf32>
    %exp3A_449 = math.exp %sub3A_448 : vector<8x512xf32>
    %get3A_450 = arith.constant 0 : index
    %get3A_451 = arith.constant 0 : index
    %get3A_452 = vector.load %arg49[%get3A_450, %get3A_451] : memref<32x1xf32, #tpu.memory_space<vmem>>, vector<8x1xf32>
    %mul3A_453 = arith.mulf %exp3A_446, %get3A_452 : vector<8x1xf32>
    %reduce_sum3A_454 = arith.constant dense<0.000000e+00> : vector<8xf32>
    %reduce_sum3A_455 = vector.multi_reduction <add>, %exp3A_449, %reduce_sum3A_454 [1] : vector<8x512xf32> to vector<8xf32>
    %broadcast_in_dim3A_456 = vector.shape_cast %reduce_sum3A_455 : vector<8xf32> to vector<8x1xf32>
    %add3A_457 = arith.addf %mul3A_453, %broadcast_in_dim3A_456 : vector<8x1xf32>
    %swap3A_458 = arith.constant 0 : index
    %swap3A_459 = arith.constant 0 : index
    %swap3A_460 = vector.load %arg49[%swap3A_458, %swap3A_459] : memref<32x1xf32, #tpu.memory_space<vmem>>, vector<8x1xf32>
    tpu.vector_store %arg49[%swap3A_458, %swap3A_459], %add3A_457 {strides = array<i32>} : memref<32x1xf32, #tpu.memory_space<vmem>>, vector<8x1xf32>,
    %get3A_461 = arith.constant 0 : index
    %get3A_462 = arith.constant 0 : index
    %get3A_463 = vector.load %arg50[%get3A_461, %get3A_462] : memref<32x64xf32, #tpu.memory_space<vmem>>, vector<8x64xf32>
    %mul3A_464 = vector.broadcast %exp3A_446 : vector<8x1xf32> to vector<8x64xf32>
    %mul3A_465 = arith.mulf %mul3A_464, %get3A_463 : vector<8x64xf32>
    %slice3A_466 = vector.extract_strided_slice %add3A_427 {offsets = [0, 0], sizes = [512, 64], strides = [1, 1]} : vector<512x256xf32> to vector<512x64xf32>
    %dot_general3A_467 = arith.constant dense<0.000000e+00> : vector<8x64xf32>
    %dot_general3A_468 = tpu.matmul %exp3A_449, %slice3A_466, %dot_general3A_467 {dimension_numbers = #tpu.dot_dimension_numbers<[1], [0], [0], [1], [0, 0, 1, 1], [], []>, transpose_lhs_hint = false} : vector<8x512xf32>, vector<512x64xf32>, vector<8x64xf32> -> vector<8x64xf32>
    %add3A_469 = arith.addf %mul3A_465, %dot_general3A_468 : vector<8x64xf32>
    %swap3A_470 = arith.constant 0 : index
    %swap3A_471 = arith.constant 0 : index
    %swap3A_472 = vector.load %arg50[%swap3A_470, %swap3A_471] : memref<32x64xf32, #tpu.memory_space<vmem>>, vector<8x64xf32>
    tpu.vector_store %arg50[%swap3A_470, %swap3A_471], %add3A_469 {strides = array<i32>} : memref<32x64xf32, #tpu.memory_space<vmem>>, vector<8x64xf32>,
    %swap3A_473 = arith.constant 0 : index
    %swap3A_474 = arith.constant 0 : index
    %swap3A_475 = vector.load %arg48[%swap3A_473, %swap3A_474] : memref<32x1xf32, #tpu.memory_space<vmem>>, vector<8x1xf32>
    tpu.vector_store %arg48[%swap3A_473, %swap3A_474], %max3A_444 {strides = array<i32>} : memref<32x1xf32, #tpu.memory_space<vmem>>, vector<8x1xf32>,
    %slice3A_476 = vector.extract_strided_slice %get3A_430 {offsets = [0, 64], sizes = [8, 64], strides = [1, 1]} : vector<8x256xf32> to vector<8x64xf32>
    %slice3A_477 = vector.extract_strided_slice %add3A_417 {offsets = [0, 64], sizes = [512, 64], strides = [1, 1]} : vector<512x256xf32> to vector<512x64xf32>
    %dot_general3A_478 = arith.constant dense<0.000000e+00> : vector<8x512xf32>
    %dot_general3A_479 = tpu.matmul %slice3A_476, %slice3A_477, %dot_general3A_478 {dimension_numbers = #tpu.dot_dimension_numbers<[1], [1], [0], [0], [0, 0, 1, 0], [], []>, transpose_lhs_hint = false} : vector<8x64xf32>, vector<512x64xf32>, vector<8x512xf32> -> vector<8x512xf32>
    %mul3A_480 = arith.constant 1.250000e-01 : f32
    %mul3A_481 = vector.broadcast %mul3A_480 : f32 to vector<8x512xf32>
    %mul3A_482 = arith.mulf %dot_general3A_479, %mul3A_481 : vector<8x512xf32>
    %reduce_max3A_483 = arith.constant dense<0xFF800000> : vector<8xf32>
    %reduce_max3A_484 = vector.multi_reduction <maximumf>, %mul3A_482, %reduce_max3A_483 [1] : vector<8x512xf32> to vector<8xf32>
    %broadcast_in_dim3A_485 = vector.shape_cast %reduce_max3A_484 : vector<8xf32> to vector<8x1xf32>
    %get3A_486 = arith.constant 8 : index
    %get3A_487 = arith.constant 0 : index
    %get3A_488 = vector.load %arg48[%get3A_486, %get3A_487] : memref<32x1xf32, #tpu.memory_space<vmem>>, vector<8x1xf32>
    %max3A_489 = arith.maximumf %get3A_488, %broadcast_in_dim3A_485 : vector<8x1xf32>
    %sub3A_490 = arith.subf %get3A_488, %max3A_489 : vector<8x1xf32>
    %exp3A_491 = math.exp %sub3A_490 : vector<8x1xf32>
    %sub3A_492 = vector.broadcast %max3A_489 : vector<8x1xf32> to vector<8x512xf32>
    %sub3A_493 = arith.subf %mul3A_482, %sub3A_492 : vector<8x512xf32>
    %exp3A_494 = math.exp %sub3A_493 : vector<8x512xf32>
    %get3A_495 = arith.constant 8 : index
    %get3A_496 = arith.constant 0 : index
    %get3A_497 = vector.load %arg49[%get3A_495, %get3A_496] : memref<32x1xf32, #tpu.memory_space<vmem>>, vector<8x1xf32>
    %mul3A_498 = arith.mulf %exp3A_491, %get3A_497 : vector<8x1xf32>
    %reduce_sum3A_499 = arith.constant dense<0.000000e+00> : vector<8xf32>
    %reduce_sum3A_500 = vector.multi_reduction <add>, %exp3A_494, %reduce_sum3A_499 [1] : vector<8x512xf32> to vector<8xf32>
    %broadcast_in_dim3A_501 = vector.shape_cast %reduce_sum3A_500 : vector<8xf32> to vector<8x1xf32>
    %add3A_502 = arith.addf %mul3A_498, %broadcast_in_dim3A_501 : vector<8x1xf32>
    %swap3A_503 = arith.constant 8 : index
    %swap3A_504 = arith.constant 0 : index
    %swap3A_505 = vector.load %arg49[%swap3A_503, %swap3A_504] : memref<32x1xf32, #tpu.memory_space<vmem>>, vector<8x1xf32>
    tpu.vector_store %arg49[%swap3A_503, %swap3A_504], %add3A_502 {strides = array<i32>} : memref<32x1xf32, #tpu.memory_space<vmem>>, vector<8x1xf32>,
    %get3A_506 = arith.constant 8 : index
    %get3A_507 = arith.constant 0 : index
    %get3A_508 = vector.load %arg50[%get3A_506, %get3A_507] : memref<32x64xf32, #tpu.memory_space<vmem>>, vector<8x64xf32>
    %mul3A_509 = vector.broadcast %exp3A_491 : vector<8x1xf32> to vector<8x64xf32>
    %mul3A_510 = arith.mulf %mul3A_509, %get3A_508 : vector<8x64xf32>
    %slice3A_511 = vector.extract_strided_slice %add3A_427 {offsets = [0, 64], sizes = [512, 64], strides = [1, 1]} : vector<512x256xf32> to vector<512x64xf32>
    %dot_general3A_512 = arith.constant dense<0.000000e+00> : vector<8x64xf32>
    %dot_general3A_513 = tpu.matmul %exp3A_494, %slice3A_511, %dot_general3A_512 {dimension_numbers = #tpu.dot_dimension_numbers<[1], [0], [0], [1], [0, 0, 1, 1], [], []>, transpose_lhs_hint = false} : vector<8x512xf32>, vector<512x64xf32>, vector<8x64xf32> -> vector<8x64xf32>
    %add3A_514 = arith.addf %mul3A_510, %dot_general3A_513 : vector<8x64xf32>
    %swap3A_515 = arith.constant 8 : index
    %swap3A_516 = arith.constant 0 : index
    %swap3A_517 = vector.load %arg50[%swap3A_515, %swap3A_516] : memref<32x64xf32, #tpu.memory_space<vmem>>, vector<8x64xf32>
    tpu.vector_store %arg50[%swap3A_515, %swap3A_516], %add3A_514 {strides = array<i32>} : memref<32x64xf32, #tpu.memory_space<vmem>>, vector<8x64xf32>,
    %swap3A_518 = arith.constant 8 : index
    %swap3A_519 = arith.constant 0 : index
    %swap3A_520 = vector.load %arg48[%swap3A_518, %swap3A_519] : memref<32x1xf32, #tpu.memory_space<vmem>>, vector<8x1xf32>
    tpu.vector_store %arg48[%swap3A_518, %swap3A_519], %max3A_489 {strides = array<i32>} : memref<32x1xf32, #tpu.memory_space<vmem>>, vector<8x1xf32>,
    %slice3A_521 = vector.extract_strided_slice %get3A_430 {offsets = [0, 128], sizes = [8, 64], strides = [1, 1]} : vector<8x256xf32> to vector<8x64xf32>
    %slice3A_522 = vector.extract_strided_slice %add3A_417 {offsets = [0, 128], sizes = [512, 64], strides = [1, 1]} : vector<512x256xf32> to vector<512x64xf32>
    %dot_general3A_523 = arith.constant dense<0.000000e+00> : vector<8x512xf32>
    %dot_general3A_524 = tpu.matmul %slice3A_521, %slice3A_522, %dot_general3A_523 {dimension_numbers = #tpu.dot_dimension_numbers<[1], [1], [0], [0], [0, 0, 1, 0], [], []>, transpose_lhs_hint = false} : vector<8x64xf32>, vector<512x64xf32>, vector<8x512xf32> -> vector<8x512xf32>
    %mul3A_525 = arith.constant 1.250000e-01 : f32
    %mul3A_526 = vector.broadcast %mul3A_525 : f32 to vector<8x512xf32>
    %mul3A_527 = arith.mulf %dot_general3A_524, %mul3A_526 : vector<8x512xf32>
    %reduce_max3A_528 = arith.constant dense<0xFF800000> : vector<8xf32>
    %reduce_max3A_529 = vector.multi_reduction <maximumf>, %mul3A_527, %reduce_max3A_528 [1] : vector<8x512xf32> to vector<8xf32>
    %broadcast_in_dim3A_530 = vector.shape_cast %reduce_max3A_529 : vector<8xf32> to vector<8x1xf32>
    %get3A_531 = arith.constant 16 : index
    %get3A_532 = arith.constant 0 : index
    %get3A_533 = vector.load %arg48[%get3A_531, %get3A_532] : memref<32x1xf32, #tpu.memory_space<vmem>>, vector<8x1xf32>
    %max3A_534 = arith.maximumf %get3A_533, %broadcast_in_dim3A_530 : vector<8x1xf32>
    %sub3A_535 = arith.subf %get3A_533, %max3A_534 : vector<8x1xf32>
    %exp3A_536 = math.exp %sub3A_535 : vector<8x1xf32>
    %sub3A_537 = vector.broadcast %max3A_534 : vector<8x1xf32> to vector<8x512xf32>
    %sub3A_538 = arith.subf %mul3A_527, %sub3A_537 : vector<8x512xf32>
    %exp3A_539 = math.exp %sub3A_538 : vector<8x512xf32>
    %get3A_540 = arith.constant 16 : index
    %get3A_541 = arith.constant 0 : index
    %get3A_542 = vector.load %arg49[%get3A_540, %get3A_541] : memref<32x1xf32, #tpu.memory_space<vmem>>, vector<8x1xf32>
    %mul3A_543 = arith.mulf %exp3A_536, %get3A_542 : vector<8x1xf32>
    %reduce_sum3A_544 = arith.constant dense<0.000000e+00> : vector<8xf32>
    %reduce_sum3A_545 = vector.multi_reduction <add>, %exp3A_539, %reduce_sum3A_544 [1] : vector<8x512xf32> to vector<8xf32>
    %broadcast_in_dim3A_546 = vector.shape_cast %reduce_sum3A_545 : vector<8xf32> to vector<8x1xf32>
    %add3A_547 = arith.addf %mul3A_543, %broadcast_in_dim3A_546 : vector<8x1xf32>
    %swap3A_548 = arith.constant 16 : index
    %swap3A_549 = arith.constant 0 : index
    %swap3A_550 = vector.load %arg49[%swap3A_548, %swap3A_549] : memref<32x1xf32, #tpu.memory_space<vmem>>, vector<8x1xf32>
    tpu.vector_store %arg49[%swap3A_548, %swap3A_549], %add3A_547 {strides = array<i32>} : memref<32x1xf32, #tpu.memory_space<vmem>>, vector<8x1xf32>,
    %get3A_551 = arith.constant 16 : index
    %get3A_552 = arith.constant 0 : index
    %get3A_553 = vector.load %arg50[%get3A_551, %get3A_552] : memref<32x64xf32, #tpu.memory_space<vmem>>, vector<8x64xf32>
    %mul3A_554 = vector.broadcast %exp3A_536 : vector<8x1xf32> to vector<8x64xf32>
    %mul3A_555 = arith.mulf %mul3A_554, %get3A_553 : vector<8x64xf32>
    %slice3A_556 = vector.extract_strided_slice %add3A_427 {offsets = [0, 128], sizes = [512, 64], strides = [1, 1]} : vector<512x256xf32> to vector<512x64xf32>
    %dot_general3A_557 = arith.constant dense<0.000000e+00> : vector<8x64xf32>
    %dot_general3A_558 = tpu.matmul %exp3A_539, %slice3A_556, %dot_general3A_557 {dimension_numbers = #tpu.dot_dimension_numbers<[1], [0], [0], [1], [0, 0, 1, 1], [], []>, transpose_lhs_hint = false} : vector<8x512xf32>, vector<512x64xf32>, vector<8x64xf32> -> vector<8x64xf32>
    %add3A_559 = arith.addf %mul3A_555, %dot_general3A_558 : vector<8x64xf32>
    %swap3A_560 = arith.constant 16 : index
    %swap3A_561 = arith.constant 0 : index
    %swap3A_562 = vector.load %arg50[%swap3A_560, %swap3A_561] : memref<32x64xf32, #tpu.memory_space<vmem>>, vector<8x64xf32>
    tpu.vector_store %arg50[%swap3A_560, %swap3A_561], %add3A_559 {strides = array<i32>} : memref<32x64xf32, #tpu.memory_space<vmem>>, vector<8x64xf32>,
    %swap3A_563 = arith.constant 16 : index
    %swap3A_564 = arith.constant 0 : index
    %swap3A_565 = vector.load %arg48[%swap3A_563, %swap3A_564] : memref<32x1xf32, #tpu.memory_space<vmem>>, vector<8x1xf32>
    tpu.vector_store %arg48[%swap3A_563, %swap3A_564], %max3A_534 {strides = array<i32>} : memref<32x1xf32, #tpu.memory_space<vmem>>, vector<8x1xf32>,
    %slice3A_566 = vector.extract_strided_slice %get3A_430 {offsets = [0, 192], sizes = [8, 64], strides = [1, 1]} : vector<8x256xf32> to vector<8x64xf32>
    %slice3A_567 = vector.extract_strided_slice %add3A_417 {offsets = [0, 192], sizes = [512, 64], strides = [1, 1]} : vector<512x256xf32> to vector<512x64xf32>
    %dot_general3A_568 = arith.constant dense<0.000000e+00> : vector<8x512xf32>
    %dot_general3A_569 = tpu.matmul %slice3A_566, %slice3A_567, %dot_general3A_568 {dimension_numbers = #tpu.dot_dimension_numbers<[1], [1], [0], [0], [0, 0, 1, 0], [], []>, transpose_lhs_hint = false} : vector<8x64xf32>, vector<512x64xf32>, vector<8x512xf32> -> vector<8x512xf32>
    %mul3A_570 = arith.constant 1.250000e-01 : f32
    %mul3A_571 = vector.broadcast %mul3A_570 : f32 to vector<8x512xf32>
    %mul3A_572 = arith.mulf %dot_general3A_569, %mul3A_571 : vector<8x512xf32>
    %reduce_max3A_573 = arith.constant dense<0xFF800000> : vector<8xf32>
    %reduce_max3A_574 = vector.multi_reduction <maximumf>, %mul3A_572, %reduce_max3A_573 [1] : vector<8x512xf32> to vector<8xf32>
    %broadcast_in_dim3A_575 = vector.shape_cast %reduce_max3A_574 : vector<8xf32> to vector<8x1xf32>
    %get3A_576 = arith.constant 24 : index
    %get3A_577 = arith.constant 0 : index
    %get3A_578 = vector.load %arg48[%get3A_576, %get3A_577] : memref<32x1xf32, #tpu.memory_space<vmem>>, vector<8x1xf32>
    %max3A_579 = arith.maximumf %get3A_578, %broadcast_in_dim3A_575 : vector<8x1xf32>
    %sub3A_580 = arith.subf %get3A_578, %max3A_579 : vector<8x1xf32>
    %exp3A_581 = math.exp %sub3A_580 : vector<8x1xf32>
    %sub3A_582 = vector.broadcast %max3A_579 : vector<8x1xf32> to vector<8x512xf32>
    %sub3A_583 = arith.subf %mul3A_572, %sub3A_582 : vector<8x512xf32>
    %exp3A_584 = math.exp %sub3A_583 : vector<8x512xf32>
    %get3A_585 = arith.constant 24 : index
    %get3A_586 = arith.constant 0 : index
    %get3A_587 = vector.load %arg49[%get3A_585, %get3A_586] : memref<32x1xf32, #tpu.memory_space<vmem>>, vector<8x1xf32>
    %mul3A_588 = arith.mulf %exp3A_581, %get3A_587 : vector<8x1xf32>
    %reduce_sum3A_589 = arith.constant dense<0.000000e+00> : vector<8xf32>
    %reduce_sum3A_590 = vector.multi_reduction <add>, %exp3A_584, %reduce_sum3A_589 [1] : vector<8x512xf32> to vector<8xf32>
    %broadcast_in_dim3A_591 = vector.shape_cast %reduce_sum3A_590 : vector<8xf32> to vector<8x1xf32>
    %add3A_592 = arith.addf %mul3A_588, %broadcast_in_dim3A_591 : vector<8x1xf32>
    %swap3A_593 = arith.constant 24 : index
    %swap3A_594 = arith.constant 0 : index
    %swap3A_595 = vector.load %arg49[%swap3A_593, %swap3A_594] : memref<32x1xf32, #tpu.memory_space<vmem>>, vector<8x1xf32>
    tpu.vector_store %arg49[%swap3A_593, %swap3A_594], %add3A_592 {strides = array<i32>} : memref<32x1xf32, #tpu.memory_space<vmem>>, vector<8x1xf32>,
    %get3A_596 = arith.constant 24 : index
    %get3A_597 = arith.constant 0 : index
    %get3A_598 = vector.load %arg50[%get3A_596, %get3A_597] : memref<32x64xf32, #tpu.memory_space<vmem>>, vector<8x64xf32>
    %mul3A_599 = vector.broadcast %exp3A_581 : vector<8x1xf32> to vector<8x64xf32>
    %mul3A_600 = arith.mulf %mul3A_599, %get3A_598 : vector<8x64xf32>
    %slice3A_601 = vector.extract_strided_slice %add3A_427 {offsets = [0, 192], sizes = [512, 64], strides = [1, 1]} : vector<512x256xf32> to vector<512x64xf32>
    %dot_general3A_602 = arith.constant dense<0.000000e+00> : vector<8x64xf32>
    %dot_general3A_603 = tpu.matmul %exp3A_584, %slice3A_601, %dot_general3A_602 {dimension_numbers = #tpu.dot_dimension_numbers<[1], [0], [0], [1], [0, 0, 1, 1], [], []>, transpose_lhs_hint = false} : vector<8x512xf32>, vector<512x64xf32>, vector<8x64xf32> -> vector<8x64xf32>
    %add3A_604 = arith.addf %mul3A_600, %dot_general3A_603 : vector<8x64xf32>
    %swap3A_605 = arith.constant 24 : index
    %swap3A_606 = arith.constant 0 : index
    %swap3A_607 = vector.load %arg50[%swap3A_605, %swap3A_606] : memref<32x64xf32, #tpu.memory_space<vmem>>, vector<8x64xf32>
    tpu.vector_store %arg50[%swap3A_605, %swap3A_606], %add3A_604 {strides = array<i32>} : memref<32x64xf32, #tpu.memory_space<vmem>>, vector<8x64xf32>,
    %swap3A_608 = arith.constant 24 : index
    %swap3A_609 = arith.constant 0 : index
    %swap3A_610 = vector.load %arg48[%swap3A_608, %swap3A_609] : memref<32x1xf32, #tpu.memory_space<vmem>>, vector<8x1xf32>
    tpu.vector_store %arg48[%swap3A_608, %swap3A_609], %max3A_579 {strides = array<i32>} : memref<32x1xf32, #tpu.memory_space<vmem>>, vector<8x1xf32>,
    %eq3A_611 = arith.constant 31 : i32
    %eq3A_612 = arith.cmpi eq, %arg0, %eq3A_611 : i32
    %convert_element_type3A_613 = arith.extui %eq3A_612 : i1 to i32
    %cond3A_614 = arith.constant 0 : i32
    %cond3A_615 = arith.cmpi ne, %convert_element_type3A_613, %cond3A_614 : i32
    scf.if %cond3A_615 {
      %get3A_616 = arith.constant 0 : index
      %get3A_617 = arith.constant 0 : index
      %get3A_618 = vector.load %arg44[%get3A_616, %get3A_617] : memref<1x256xf32, #tpu.memory_space<vmem>>, vector<1x256xf32>
      %get3A_619 = arith.constant 0 : index
      %get3A_620 = arith.constant 0 : index
      %get3A_621 = vector.load %arg43[%get3A_619, %get3A_620] : memref<1x1xf32, #tpu.memory_space<vmem>>, vector<1x1xf32>
      %div3A_622 = vector.broadcast %get3A_621 : vector<1x1xf32> to vector<1x256xf32>
      %div3A_623 = arith.divf %get3A_618, %div3A_622 : vector<1x256xf32>
      %swap3A_624 = arith.constant 0 : index
      %swap3A_625 = arith.constant 0 : index
      %swap3A_626 = vector.load %arg39[%swap3A_624, %swap3A_625] : memref<1x256xf32, #tpu.memory_space<vmem>>, vector<1x256xf32>
      tpu.vector_store %arg39[%swap3A_624, %swap3A_625], %div3A_623 {strides = array<i32>} : memref<1x256xf32, #tpu.memory_space<vmem>>, vector<1x256xf32>,
      %get3A_627 = arith.constant 0 : index
      %get3A_628 = arith.constant 0 : index
      %get3A_629 = vector.load %arg47[%get3A_627, %get3A_628] : memref<1x256xf32, #tpu.memory_space<vmem>>, vector<1x256xf32>
      %get3A_630 = arith.constant 0 : index
      %get3A_631 = arith.constant 0 : index
      %get3A_632 = vector.load %arg46[%get3A_630, %get3A_631] : memref<1x1xf32, #tpu.memory_space<vmem>>, vector<1x1xf32>
      %div3A_633 = vector.broadcast %get3A_632 : vector<1x1xf32> to vector<1x256xf32>
      %div3A_634 = arith.divf %get3A_629, %div3A_633 : vector<1x256xf32>
      %swap3A_635 = arith.constant 0 : index
      %swap3A_636 = arith.constant 0 : index
      %swap3A_637 = vector.load %arg40[%swap3A_635, %swap3A_636] : memref<1x256xf32, #tpu.memory_space<vmem>>, vector<1x256xf32>
      tpu.vector_store %arg40[%swap3A_635, %swap3A_636], %div3A_634 {strides = array<i32>} : memref<1x256xf32, #tpu.memory_space<vmem>>, vector<1x256xf32>,
      %get3A_638 = arith.constant 0 : index
      %get3A_639 = arith.constant 0 : index
      %get3A_640 = vector.load %arg50[%get3A_638, %get3A_639] : memref<32x64xf32, #tpu.memory_space<vmem>>, vector<32x64xf32>
      %get3A_641 = arith.constant 0 : index
      %get3A_642 = arith.constant 0 : index
      %get3A_643 = vector.load %arg49[%get3A_641, %get3A_642] : memref<32x1xf32, #tpu.memory_space<vmem>>, vector<32x1xf32>
      %div3A_644 = vector.broadcast %get3A_643 : vector<32x1xf32> to vector<32x64xf32>
      %div3A_645 = arith.divf %get3A_640, %div3A_644 : vector<32x64xf32>
      %swap3A_646 = arith.constant 0 : index
      %swap3A_647 = arith.constant 0 : index
      %swap3A_648 = vector.load %arg41[%swap3A_646, %swap3A_647] : memref<32x64xf32, #tpu.memory_space<vmem>>, vector<32x64xf32>
      tpu.vector_store %arg41[%swap3A_646, %swap3A_647], %div3A_645 {strides = array<i32>} : memref<32x64xf32, #tpu.memory_space<vmem>>, vector<32x64xf32>,
    } else {
    }
    return
  }
  func.func @transform_0(%arg0: i32) -> (i32, i32) {
    %c0_i32 = arith.constant 0 : i32
    %c0_i32_0 = arith.constant 0 : i32
    return %arg0, %c0_i32 : i32, i32
  }
  func.func @transform_1(%arg0: i32) -> (i32, i32) {
    %c0_i32 = arith.constant 0 : i32
    %c0_i32_0 = arith.constant 0 : i32
    return %arg0, %c0_i32 : i32, i32
  }
  func.func @transform_2(%arg0: i32) -> (i32, i32) {
    %c0_i32 = arith.constant 0 : i32
    %c0_i32_0 = arith.constant 0 : i32
    return %arg0, %c0_i32 : i32, i32
  }
  func.func @transform_3(%arg0: i32) -> (i32, i32) {
    %c0_i32 = arith.constant 0 : i32
    %c0_i32_0 = arith.constant 0 : i32
    return %arg0, %c0_i32 : i32, i32
  }
  func.func @transform_4(%arg0: i32) -> (i32, i32) {
    %c0_i32 = arith.constant 0 : i32
    %c0_i32_0 = arith.constant 0 : i32
    return %arg0, %c0_i32 : i32, i32
  }
  func.func @transform_5(%arg0: i32) -> (i32, i32) {
    %c0_i32 = arith.constant 0 : i32
    %c0_i32_0 = arith.constant 0 : i32
    %c0_i32_1 = arith.constant 0 : i32
    return %c0_i32, %c0_i32_0 : i32, i32
  }
  func.func @transform_6(%arg0: i32) -> (i32, i32) {
    %c0_i32 = arith.constant 0 : i32
    %c0_i32_0 = arith.constant 0 : i32
    %c0_i32_1 = arith.constant 0 : i32
    return %c0_i32, %c0_i32_0 : i32, i32
  }
  func.func @transform_7(%arg0: i32) -> (i32, i32) {
    %c0_i32 = arith.constant 0 : i32
    %c0_i32_0 = arith.constant 0 : i32
    %c0_i32_1 = arith.constant 0 : i32
    return %c0_i32, %c0_i32_0 : i32, i32
  }
  func.func @transform_8(%arg0: i32) -> (i32, i32) {
    %c0_i32 = arith.constant 0 : i32
    %c0_i32_0 = arith.constant 0 : i32
    %c0_i32_1 = arith.constant 0 : i32
    return %c0_i32, %c0_i32_0 : i32, i32
  }
  func.func @transform_9(%arg0: i32) -> (i32, i32) {
    %c0_i32 = arith.constant 0 : i32
    %c0_i32_0 = arith.constant 0 : i32
    %c0_i32_1 = arith.constant 0 : i32
    return %c0_i32, %c0_i32_0 : i32, i32
  }
  func.func @transform_10(%arg0: i32) -> (i32, i32) {
    %c0_i32 = arith.constant 0 : i32
    %c0_i32_0 = arith.constant 0 : i32
    %c0_i32_1 = arith.constant 0 : i32
    return %c0_i32, %c0_i32_0 : i32, i32
  }
  func.func @transform_11(%arg0: i32) -> (i32, i32) {
    %c0_i32 = arith.constant 0 : i32
    %c0_i32_0 = arith.constant 0 : i32
    %c0_i32_1 = arith.constant 0 : i32
    return %c0_i32, %c0_i32_0 : i32, i32
  }
  func.func @transform_12(%arg0: i32) -> (i32, i32) {
    %c0_i32 = arith.constant 0 : i32
    %c0_i32_0 = arith.constant 0 : i32
    %c0_i32_1 = arith.constant 0 : i32
    return %c0_i32, %c0_i32_0 : i32, i32
  }
  func.func @transform_13(%arg0: i32) -> (i32, i32) {
    %c0_i32 = arith.constant 0 : i32
    %c0_i32_0 = arith.constant 0 : i32
    %c0_i32_1 = arith.constant 0 : i32
    return %c0_i32, %c0_i32_0 : i32, i32
  }
  func.func @transform_14(%arg0: i32) -> (i32, i32) {
    %c0_i32 = arith.constant 0 : i32
    %c0_i32_0 = arith.constant 0 : i32
    %c0_i32_1 = arith.constant 0 : i32
    return %c0_i32, %c0_i32_0 : i32, i32
  }
  func.func @transform_15(%arg0: i32) -> (i32, i32) {
    %c0_i32 = arith.constant 0 : i32
    %c0_i32_0 = arith.constant 0 : i32
    %c0_i32_1 = arith.constant 0 : i32
    return %c0_i32, %c0_i32_0 : i32, i32
  }
  func.func @transform_16(%arg0: i32) -> (i32, i32) {
    %c0_i32 = arith.constant 0 : i32
    %c0_i32_0 = arith.constant 0 : i32
    %c0_i32_1 = arith.constant 0 : i32
    return %c0_i32, %c0_i32_0 : i32, i32
  }
  func.func @transform_17(%arg0: i32) -> (i32, i32) {
    %c0_i32 = arith.constant 0 : i32
    %c0_i32_0 = arith.constant 0 : i32
    %c0_i32_1 = arith.constant 0 : i32
    return %c0_i32, %c0_i32_0 : i32, i32
  }
  func.func @transform_18(%arg0: i32) -> (i32, i32) {
    %c0_i32 = arith.constant 0 : i32
    %c0_i32_0 = arith.constant 0 : i32
    %c0_i32_1 = arith.constant 0 : i32
    return %c0_i32, %c0_i32_0 : i32, i32
  }
  func.func @transform_19(%arg0: i32) -> (i32, i32) {
    %c0_i32 = arith.constant 0 : i32
    %c0_i32_0 = arith.constant 0 : i32
    %c0_i32_1 = arith.constant 0 : i32
    return %c0_i32, %c0_i32_0 : i32, i32
  }
  func.func @transform_20(%arg0: i32) -> (i32, i32) {
    %c0_i32 = arith.constant 0 : i32
    %c0_i32_0 = arith.constant 0 : i32
    %c0_i32_1 = arith.constant 0 : i32
    return %c0_i32, %c0_i32_0 : i32, i32
  }
  func.func @transform_21(%arg0: i32) -> (i32, i32) {
    %c0_i32 = arith.constant 0 : i32
    %c0_i32_0 = arith.constant 0 : i32
    %c0_i32_1 = arith.constant 0 : i32
    return %c0_i32, %c0_i32_0 : i32, i32
  }
  func.func @transform_22(%arg0: i32) -> (i32, i32) {
    %c0_i32 = arith.constant 0 : i32
    %c0_i32_0 = arith.constant 0 : i32
    %c0_i32_1 = arith.constant 0 : i32
    return %c0_i32, %c0_i32_0 : i32, i32
  }
  func.func @transform_23(%arg0: i32) -> (i32, i32) {
    %c0_i32 = arith.constant 0 : i32
    %c0_i32_0 = arith.constant 0 : i32
    %c0_i32_1 = arith.constant 0 : i32
    return %c0_i32, %c0_i32_0 : i32, i32
  }
  func.func @transform_24(%arg0: i32) -> (i32, i32) {
    %c0_i32 = arith.constant 0 : i32
    %c0_i32_0 = arith.constant 0 : i32
    %c0_i32_1 = arith.constant 0 : i32
    return %c0_i32, %c0_i32_0 : i32, i32
  }
  func.func @transform_25(%arg0: i32) -> (i32, i32) {
    %c0_i32 = arith.constant 0 : i32
    %c0_i32_0 = arith.constant 0 : i32
    %c0_i32_1 = arith.constant 0 : i32
    return %c0_i32, %c0_i32_0 : i32, i32
  }
  func.func @transform_26(%arg0: i32) -> (i32, i32) {
    %c0_i32 = arith.constant 0 : i32
    %c0_i32_0 = arith.constant 0 : i32
    %c0_i32_1 = arith.constant 0 : i32
    return %c0_i32, %c0_i32_0 : i32, i32
  }
  func.func @transform_27(%arg0: i32) -> (i32, i32) {
    %c0_i32 = arith.constant 0 : i32
    %c0_i32_0 = arith.constant 0 : i32
    %c0_i32_1 = arith.constant 0 : i32
    return %c0_i32, %c0_i32_0 : i32, i32
  }
  func.func @transform_28(%arg0: i32) -> (i32, i32) {
    %c0_i32 = arith.constant 0 : i32
    %c0_i32_0 = arith.constant 0 : i32
    %c0_i32_1 = arith.constant 0 : i32
    return %c0_i32, %c0_i32_0 : i32, i32
  }
  func.func @transform_29(%arg0: i32) -> (i32, i32) {
    %c0_i32 = arith.constant 0 : i32
    %c0_i32_0 = arith.constant 0 : i32
    %c0_i32_1 = arith.constant 0 : i32
    return %c0_i32, %c0_i32_0 : i32, i32
  }
  func.func @transform_30(%arg0: i32) -> (i32, i32) {
    %c0_i32 = arith.constant 0 : i32
    %c0_i32_0 = arith.constant 0 : i32
    %c0_i32_1 = arith.constant 0 : i32
    return %c0_i32, %c0_i32_0 : i32, i32
  }
  func.func @transform_31(%arg0: i32) -> (i32, i32) {
    %c0_i32 = arith.constant 0 : i32
    %c0_i32_0 = arith.constant 0 : i32
    %c0_i32_1 = arith.constant 0 : i32
    return %c0_i32, %c0_i32_0 : i32, i32
  }
  func.func @transform_32(%arg0: i32) -> (i32, i32) {
    %c0_i32 = arith.constant 0 : i32
    %c0_i32_0 = arith.constant 0 : i32
    %c0_i32_1 = arith.constant 0 : i32
    return %c0_i32, %c0_i32_0 : i32, i32
  }
  func.func @transform_33(%arg0: i32) -> (i32, i32) {
    %c0_i32 = arith.constant 0 : i32
    %c0_i32_0 = arith.constant 0 : i32
    %c0_i32_1 = arith.constant 0 : i32
    return %c0_i32, %c0_i32_0 : i32, i32
  }
  func.func @transform_34(%arg0: i32) -> (i32, i32) {
    %c0_i32 = arith.constant 0 : i32
    %c0_i32_0 = arith.constant 0 : i32
    %c0_i32_1 = arith.constant 0 : i32
    return %c0_i32, %c0_i32_0 : i32, i32
  }
  func.func @transform_35(%arg0: i32) -> (i32, i32) {
    %c0_i32 = arith.constant 0 : i32
    %c0_i32_0 = arith.constant 0 : i32
    %c0_i32_1 = arith.constant 0 : i32
    return %c0_i32, %c0_i32_0 : i32, i32
  }
  func.func @transform_36(%arg0: i32) -> (i32, i32) {
    %c0_i32 = arith.constant 0 : i32
    %c0_i32_0 = arith.constant 0 : i32
    %c0_i32_1 = arith.constant 0 : i32
    return %c0_i32, %c0_i32_0 : i32, i32
  }
  func.func @transform_37(%arg0: i32) -> (i32, i32) {
    %c0_i32 = arith.constant 0 : i32
    %c0_i32_0 = arith.constant 0 : i32
    %c0_i32_1 = arith.constant 0 : i32
    return %c0_i32, %c0_i32_0 : i32, i32
  }
  func.func @transform_38(%arg0: i32) -> (i32, i32) {
    %c0_i32 = arith.constant 0 : i32
    %c0_i32_0 = arith.constant 0 : i32
    %c0_i32_1 = arith.constant 0 : i32
    return %c0_i32, %c0_i32_0 : i32, i32
  }
  func.func @transform_39(%arg0: i32) -> (i32, i32) {
    %c0_i32 = arith.constant 0 : i32
    %c0_i32_0 = arith.constant 0 : i32
    %c0_i32_1 = arith.constant 0 : i32
    return %c0_i32, %c0_i32_0 : i32, i32
  }
  func.func @transform_40(%arg0: i32) -> (i32, i32) {
    %c0_i32 = arith.constant 0 : i32
    %c0_i32_0 = arith.constant 0 : i32
    %c0_i32_1 = arith.constant 0 : i32
    return %c0_i32, %c0_i32_0 : i32, i32
  }
}

</mosaic_0001>

<sc_bundles>
// kernel: gather_offload_async_start.1
scs
__scs_entry_jumppad:
0x0: {  	(pc) =	sbr.rel $0x88, $3  }
0x1: {  	(tag) =	ssettag $0x0;
	lr =	simm.s32 $0x1  }
0x2: {  	[smem:$0x3F2E] =	sst lr;
	_ =	strace $0xD0000000  }
0x3: {  	_ = 	snop  }
0x4: {  	_ = 	snop  }
0x5: {  	_ = 	snop  }
0x6: {  	_ = 	snop  }
0x7: {  	_ = 	snop  }
__scs_overlays_trampoline_lowered:
0x8: {  	[smem:$0x3F3D] =	sst s0  }
0x9: {  	[smem:$0x3F3E] =	sst s1  }
0xa: {  	[smem:$0x3F3F] =	sst s2  }
0xb: {  	[smem:$0x3F40] =	sst s3  }
0xc: {  	[smem:$0x3F41] =	sst s4  }
0xd: {  	[smem:$0x3F42] =	sst s5  }
0xe: {  	[smem:$0x3F43] =	sst s6  }
0xf: {  	[smem:$0x3F44] =	sst s7  }
0x10: {  	[smem:$0x3F45] =	sst s8  }
0x11: {  	[smem:$0x3F46] =	sst s9;
	s0 =	simm.s32 @!p0 $0x0  }
0x12: {  	s1 =	sld [smem:$0x3F2C];
	s0 =	simm.s32 @p0 $0x1  }
0x13: {  	[smem:$0x3F47] =	sst s0;
	s0 =	simm.s32 @!p1 $0x0  }
0x14: {  	s2 =	sld [smem:$0x3F2B];
	s0 =	simm.s32 @p1 $0x1  }
0x15: {  	[smem:$0x3F48] =	sst s0;
	s0 =	simm.s32 @!p2 $0x0  }
0x16: {  	s3 =	sld [smem:$0x3FDB];
	s0 =	simm.s32 @p2 $0x1  }
0x17: {  	s4 =	simm.s32 $0x1BF5;
	[smem:$0x3F4A] =	sst s0  }
0x18: {  	s0 =	sld [smem:$0x3F2D];
	_ =	swait.ge [sflag:s4], $0x0  }
0x19: {  	s7 =	sld [smem:$0x3F2E]  }
0x1a: {  	s8 =	sadd.s32 $0xFFFFE003, lr  }
0x1b: {  	s9 =	sadd.s32 $0xFFFFFEF7, lr;
	s5 =	simm.s32 $0xFFFFFFFF;
	p2 =	slt.u32 s8, $0xFFFFF086  }
0x1c: {  	p1 =	slt.u32 s9, $0xF7A;
	s5 =	simm.s32 @!p2 $0x0  }
0x1d: {  	s5 =	simm.s32 @p1 $0x1;
	p0 =	seq.s32 s7, s2  }
0x1e: {  	s7 =	smul.u32 @!p0 $0xF7A, s2;
	p2 =	seq.s32 @!p0 s5, $0x0  }
0x1f: {  	s9 =	smul.u32 $0xF7A, s1;
	s8 =	simm.s32 @!p0 $0x1BF5;
	p2 =	por !p2, p0  }
0x20: {  	[sflag:s8] =	ssyncset.s32 @!p0 $0xFFFFF086;
	s6 =	sadd.s32 @!p0 s3, s7;
	s7 =	simm.s32 @!p0 $0x108  }
0x21: {  	s3 =	sadd.s32 s3, s9;
	s6 =	sadd.s32 @!p0 $0x88, s6;
	s7 =	simm.s32 @p2 $0x1082  }
0x22: {  	[simem:s7], [sflag:s8] =	dma.local @!p0 [hbm:s6], $0xF7A  }
0x23: {  	s9 =	sor.u32 $0xD0000000, s2;
	s6 =	simm.s32 $0x108;
	_ =	swait.ge @!p0 [sflag:s8], $0x0  }
0x24: {  	s3 =	sadd.s32 $0x88, s3;
	s6 =	simm.s32 @!p1 $0x1082;
	[sflag:s4] =	ssyncset.s32 $0xFFFFF086  }
0x25: {  	[simem:s6], [sflag:s4] =	dma.local [hbm:s3], $0xF7A  }
0x26: {  	[smem:$0x3F2E] =	sst s1;
	(tag) =	ssettag s2;
	_ =	strace s9  }
0x27: {  	s1 =	sld [smem:$0x3F3E]  }
0x28: {  	s2 =	sld [smem:$0x3F3F]  }
0x29: {  	s4 =	sld [smem:$0x3F41]  }
0x2a: {  	p0 =	seq.s32 s5, $0x0;
	s5 =	sld [smem:$0x3F42]  }
0x2b: {  	s6 =	sld [smem:$0x3F43]  }
0x2c: {  	s7 =	sld [smem:$0x3F44]  }
0x2d: {  	s3 =	simm.s32 $0x108;
	s8 =	sld [smem:$0x3F45]  }
0x2e: {  	s3 =	simm.s32 @!p0 $0x1082;
	s9 =	sld [smem:$0x3F46]  }
0x2f: {  	lr =	sadd.s32 s0, s3;
	s0 =	sld [smem:$0x3F3D]  }
0x30: {  	s3 =	sld [smem:$0x3F40]  }
0x31: {  	[smem:$0x3F49] =	sst s10  }
0x32: {  	s10 =	sld [smem:$0x3F47];
	_ =	sdelay $0x3  }
0x33: {  	p0 =	seq.s32 s10, $0x1;
	s10 =	sld [smem:$0x3F49];
	_ =	sdelay $0x3  }
0x34: {  	[smem:$0x3F49] =	sst s10  }
0x35: {  	s10 =	sld [smem:$0x3F48];
	_ =	sdelay $0x3  }
0x36: {  	p1 =	seq.s32 s10, $0x1;
	s10 =	sld [smem:$0x3F49];
	_ =	sdelay $0x3  }
0x37: {  	[smem:$0x3F49] =	sst s10  }
0x38: {  	s10 =	sld [smem:$0x3F4A]  }
0x39: {  	_ = 	snop;
	(pc) =	sbr.ind lr, $3  }
0x3a: {  	_ = 	snop  }
0x3b: {  	_ = 	snop  }
0x3c: {  	p2 =	seq.s32 s10, $0x1;
	s10 =	sld [smem:$0x3F49]  }
0x3d: {  	_ =	shalt  }
0x3e: {  	_ =	shalt  }
0x3f: {  	_ =	shalt  }
0x40: {  	_ =	shalt  }
0x41: {  	_ =	shalt  }
0x42: {  	_ =	shalt  }
0x43: {  	_ =	shalt  }
0x44: {  	_ =	shalt  }
0x45: {  	_ =	shalt  }
0x46: {  	_ =	shalt  }
0x47: {  	_ =	shalt  }
0x48: {  	_ =	shalt  }
0x49: {  	_ =	shalt  }
0x4a: {  	_ =	shalt  }
0x4b: {  	_ =	shalt  }
0x4c: {  	_ =	shalt  }
0x4d: {  	_ =	shalt  }
0x4e: {  	_ =	shalt  }
0x4f: {  	_ =	shalt  }
0x50: {  	_ =	shalt  }
0x51: {  	_ =	shalt  }
0x52: {  	_ =	shalt  }
0x53: {  	_ =	shalt  }
0x54: {  	_ =	shalt  }
0x55: {  	_ =	shalt  }
0x56: {  	_ =	shalt  }
0x57: {  	_ =	shalt  }
0x58: {  	_ =	shalt  }
0x59: {  	_ =	shalt  }
0x5a: {  	_ =	shalt  }
0x5b: {  	_ =	shalt  }
0x5c: {  	_ =	shalt  }
0x5d: {  	_ =	shalt  }
0x5e: {  	_ =	shalt  }
0x5f: {  	_ =	shalt  }
0x60: {  	_ =	shalt  }
0x61: {  	_ =	shalt  }
0x62: {  	_ =	shalt  }
0x63: {  	_ =	shalt  }
0x64: {  	_ =	shalt  }
0x65: {  	_ =	shalt  }
0x66: {  	_ =	shalt  }
0x67: {  	_ =	shalt  }
0x68: {  	_ =	shalt  }
0x69: {  	_ =	shalt  }
0x6a: {  	_ =	shalt  }
0x6b: {  	_ =	shalt  }
0x6c: {  	_ =	shalt  }
0x6d: {  	_ =	shalt  }
0x6e: {  	_ =	shalt  }
0x6f: {  	_ =	shalt  }
0x70: {  	_ =	shalt  }
0x71: {  	_ =	shalt  }
0x72: {  	_ =	shalt  }
0x73: {  	_ =	shalt  }
0x74: {  	_ =	shalt  }
0x75: {  	_ =	shalt  }
0x76: {  	_ =	shalt  }
0x77: {  	_ =	shalt  }
0x78: {  	_ =	shalt  }
0x79: {  	_ =	shalt  }
0x7a: {  	_ =	shalt  }
0x7b: {  	_ =	shalt  }
0x7c: {  	_ =	shalt  }
0x7d: {  	_ =	shalt  }
0x7e: {  	_ =	shalt  }
0x7f: {  	_ =	shalt  }
0x80: {  	_ =	shalt  }
0x81: {  	_ =	shalt  }
0x82: {  	_ =	shalt  }
0x83: {  	_ =	shalt  }
0x84: {  	_ =	shalt  }
0x85: {  	_ =	shalt  }
0x86: {  	_ =	shalt  }
0x87: {  	_ =	shalt  }
.Lfunc_end0:
.L_simem_size_0:
called_computation.2_lowered:
.L_overlay_start_0:
0x88: {  	s2 =	sld [smem:$0x3FD9]  }
0x89: {  	s3 =	sld [smem:$0x3FFE];
	_ =	sdelay $0x1  }
0x8a: {  	s1 =	srdreg.scid  }
0x8b: {  	s0 =	sand.u32 $0x1, s1  }
0x8c: {  	s16 =	sshll.u32 s0, $0xA;
	s2 =	sadd.s32 s3, s2  }
0x8d: {  	s2 =	sadd.s32 s2, s16  }
0x8e: {  	[smem:$0x3F55] =	sst s2  }
0x8f: {  	_ = 	snop  }
0x90: {  	(tm) =	ssettm $0x1  }
0x91: {  	s17 =	sld [smem:$0x3FFB];
	_ =	sdelay $0x3  }
0x92: {  	_ =	strace s17  }
0x93: {  	s2 =	sld [smem:$0x3FFC];
	_ =	sdelay $0x3  }
0x94: {  	_ =	strace s2  }
0x95: {  	s2 =	sld [smem:$0x3FFD];
	_ =	sdelay $0x3  }
0x96: {  	_ =	strace s2  }
0x97: {  	_ =	strace $0x8FFFFFFF  }
0x98: {  	s18 =	sld [smem:$0x3FDB];
	_ =	sdelay $0x1  }
0x99: {  	s19 =	simm.s32 $_scs_section_size  }
0x9a: {  	s4 =	simm.s32 $_size__tile_overlayer_lowered;
	s5 =	simm.s32 $_tile_overlayer_lowered  }
0x9b: {  	s22 =	simm.s32 $0x1BFF;
	s21 =	sshll.u32 s5, $0x1;
	s2 =	sadd.s32 s19, s18  }
0x9c: {  	s6 =	simm.s32 $0x0;
	s20 =	sshll.u32 s4, $0x1;
	s4 =	sadd.s32 s21, s2  }
0x9d: {  	[timem:s6], [sflag:s22] =	dma.local [hbm:s4], s20  }
0x9e: {  	_ =	swait.ge [sflag:s22], s20  }
0x9f: {  	s3 =	ssub.s32 $0x0, s20;
	[sflag:s22] =	ssyncset.done $0x0  }
0xa0: {  	[sflag:s22] =	ssyncadd.s32 s3;
	_ =	sdelay $0x1  }
0xa1: {  	s23 =	simm.s32 $0x1B8B  }
0xa2: {  	_ =	swait.ge [sflag:s23], $0x1  }
0xa3: {  	[sflag:s23] =	ssyncset.done $0x0  }
0xa4: {  	s25 =	simm.s32 $0x1B8E;
	s24 =	sld [smem:$0x3FFE];
	[sflag:s23] =	ssyncadd.s32 $0xFFFFFFFF  }
0xa5: {  	s26 =	simm.s32 $execute0_lowered;
	[smem:$0x3FD2] =	sst s25  }
0xa6: {  	s4 =	sshll.u32 s26, $0x1;
	_ =	strace $0x80000049;
	[dreg:$0x1] =	wrdreg $0xFFFFFFFF  }
0xa7: {  	s28 =	simm.s32 $_size_execute0_lowered;
	s2 =	sadd.s32 s2, s4;
	[dreg:$0x0] =	wrdreg $0x0  }
0xa8: {  	s4 =	sshll.u32 s28, $0x1;
	[dreg:$0x2] =	wrdreg s2  }
0xa9: {  	[dreg:$0x3] =	wrdreg s4  }
0xaa: {  	[dreg:$0x4] =	wrdreg $0xC0  }
0xab: {  	_ =	task [dreg:s6], $0x5FFFF  }
0xac: {  	[dreg:$0x1] =	wrdreg $0xFFFFFFFF  }
0xad: {  	[dreg:$0x0] =	wrdreg $0x60  }
0xae: {  	[dreg:$0x2] =	wrdreg s24  }
0xaf: {  	[dreg:$0x3] =	wrdreg $0xA  }
0xb0: {  	_ =	task.clear_ibuf [dreg:s6], $0x4FFFF;
	_ =	strace $0x90000049  }
0xb1: {  	s29 =	simm.s32 $0xA;
	_ =	strace $0x8000004B  }
0xb2: {  	_ =	swait.ge [sflag:s29], $0x1  }
0xb3: {  	[sflag:s29] =	ssyncadd.s32 $0xFFFFFFFF  }
0xb4: {  	_ =	strace $0x9000004B  }
0xb5: {  	_ =	sfence  }
0xb6: {  	s30 =	sld [smem:$0x0];
	_ =	sdelay $0x2  }
0xb7: {  	s31 =	sshll.u32 s1, $0xD;
	s1 =	sshrl.u32 s1, $0x2  }
0xb8: {  	s3 =	sand.u32 $0x4000, s31;
	s1 =	sadd.s32 s1, s30  }
0xb9: {  	s0 =	sor.u32 s3, s0;
	s1 =	sshll.u32 s1, $0x11  }
0xba: {  	s0 =	sor.u32 s1, s0  }
0xbb: {  	s0 =	sadd.s32 $0x8F2B, s0  }
0xbc: {  	[sflag:s0] =	ssyncadd.remote.s32 $0x1  }
0xbd: {  	_ =	sfence.sel $0xFFFF  }
0xbe: {  	[dreg:$0x0] =	wrdreg $0xFFFFFFFF;
	(pc) =	sbr.abs _section_cstart, $3  }
0xbf: {  	[dreg:$0x1] =	wrdreg $0xFFFFFFFF  }
0xc0: {  	_ =	task.clear_ibuf [dreg:s6], $0x2FFFF;
	_ =	strace $0x9FFFFFFF  }
0xc1: {  	(tm) =	ssettm $0x7FFFFFFF  }
tec
execute0_lowered:
.L_overlay_start_1:
0x0: {  	(tag) =	ssettag $0x1  }
0x1: {  	s8 =	rddreg [dreg:$0x0]  }
0x2: {  	s0 =	rddreg [dreg:$0x1];
	_ =	strace $0x8000004A;
	s1 =	stileid.u32  }
0x3: {  	s3 =	srdreg.scid;
	s4 =	simm.s32 $0x1;
	s7 =	simm.s32 $0x1  }
0x4: {  	s9 =	simm.s32 $0x1;
	s10 =	simm.s32 $0x3;
	s13 =	simm.s32 $0x0  }
0x5: {  	s12 =	simm.s32 $0x0;
	s5 =	sand.u32 $0x1, s3;
	s6 =	sshll.u32 s1, $0x1  }
0x6: {  	s2 =	sadd.s32 $0x31000, s8;
	s3 =	sadd.s32 $0x8400, s8;
	s5 =	sor.u32 s6, s5  }
.Ltmp0:
0x7: {  	[sflag:s4] =	ssyncpa.u1 $0x0;
	p0 =	slt.u32 s5, $0x9;
	(pc) =	sbr.rel .LBB2_1-.Ltmp0, $4  }
0x8: {  	s6 =	simm.s32 $0x2;
	s7 =	simm.s32 @!p0 $0x0;
	p0 =	sne.s32 s5, $0x8  }
0x9: {  	[sflag:s6] =	ssyncpa.u1 $0x0;
	s5 =	smul.u32 $0xD00, s5;
	s9 =	simm.s32 @!p0 $0x0  }
0xa: {  	s8 =	sadd.s32 $0x35200, s8;
	[sflag:s10] =	ssyncpa.u1 $0x0;
	s7 =	sadd.s32 s9, s7  }
0xb: {  	vm0 =	vmmov $0xffff;
	s10 =	simm.s32 $0x0;
	s11 =	smov.u32 s5;
	s9 =	sadd.s32 $0x1, s7  }
.LBB2_4:
0xc: {  	vm1 =	veq.s32 v4, $0x80000000;
	v56 =	vand.u32 $0x7, v4;
	v6 =	vand.u32 $0x7FFF, v6  }
0xd: {  	v2 =	vor.u32 v2, v5;
	v59 =	vshrl.u32 v1, $0x3;
	v60 =	vand.u32 $0x7, v1  }
0xe: {  	v4 =	vsel vm1, $0xFFFFFFFF, v56;
	v6 =	vsel vm1, $0xFFFFFFFF, v6;
	v2 =	vor.u32 v3, v2  }
0xf: {  	vm1 =	veq.s32 v1, $0x80000000;
	v5 =	vand.u32 $0x7FFF, v59;
	v7 =	vshrl.u32 v4, $0x3  }
0x10: {  	v57 =	vshll.u32 v6, $0x3;
	v4 =	vshll.u32 v4, $0x7;
	v1 =	vsel vm1, $0xFFFFFFFF, v60  }
0x11: {  	v5 =	vsel vm1, $0xFFFFFFFF, v5;
	v6 =	vand.u32 $0x7F, v6;
	v7 =	vmul.u32 $0x20800, v7  }
0x12: {  	v58 =	vand.u32 $0xFFFFFC00, v57;
	v4 =	vand.u32 $0x380, v4;
	v61 =	vshrl.u32 v1, $0x3  }
0x13: {  	v62 =	vshll.u32 v5, $0x3;
	v3 =	vadd.s32 v7, v58;
	v7 =	vmul.u32 $0x20800, v61  }
0x14: {  	v1 =	vshll.u32 v1, $0x7;
	v3 =	vor.u32 v4, v3;
	v4 =	vand.u32 $0xFFFFFC00, v62  }
0x15: {  	v1 =	vand.u32 $0x380, v1;
	v3 =	vor.u32 v6, v3;
	v4 =	vadd.s32 v7, v4  }
0x16: {  	[tilespmem:s16], [sflag:$0x1] =	stream.indirect_vreg.gather [hbm4b:s2+s10], $0x1, v0, vm0, $0x4038;
	v63 =	vand.u32 $0x7F, v5;
	v1 =	vor.u32 v1, v4;
	[tilespmem:$0x3400] =	vst v63  }
0x17: {  	s15 =	sadd.s32 $0x10, s15;
	(ifvalue) =	ssetifvalue $0x7FFFFFFF;
	v0 =	vor.u32 v63, v1  }
0x18: {  	[tilespmem:s15], [sflag:$0x1] =	stream.indirect_vreg.gather [hbm4b:s2+s10], $0x1, v2, vm0, $0x4038;
	[tilespmem:$0x3400] =	vst v63  }
0x19: {  	s15 =	sadd.s32 $0x10, s15;
	(ifvalue) =	ssetifvalue $0x7FFFFFFF  }
0x1a: {  	[tilespmem:s15], [sflag:$0x1] =	stream.indirect_vreg.gather [hbm4b:s2+s10], $0x1, v3, vm0, $0x4038;
	[tilespmem:$0x3400] =	vst v63  }
0x1b: {  	s15 =	sadd.s32 $0x10, s15;
	(ifvalue) =	ssetifvalue $0x7FFFFFFF  }
0x1c: {  	[tilespmem:s15], [sflag:$0x1] =	stream.indirect_vreg.gather [hbm4b:s2+s10], $0x1, v0, vm0, $0x4038;
	[tilespmem:$0x3400] =	vst v63  }
0x1d: {  	_ =	swait.ge [sflag:s4], $0xD00  }
0x1e: {  	s30 =	sshrl.u32 s13, $0x3;
	[sflag:s4] =	ssyncset.done $0x0  }
0x1f: {  	s31 =	sand.u32 $0x7, s13;
	s15 =	sadd.s32 s8, s30;
	[sflag:s4] =	ssyncadd.s32 $0xFFFFF300  }
0x20: {  	[hbm4b:s15+s31] =	stream.linear.scatter [tilespmem:s14], [sflag:$0x3], $0xD00, $0x38;
	[tilespmem:$0x3400] =	vst v63  }
.LBB2_5:
0x21: {  	s15 =	sadd.s32 $0x1A000, s11  }
0x22: {  	p1 =	sgt.s32 s15, $0x207FF  }
0x23: {  	s15 =	smov.u32 @p1 s5;
	p1 =	sne.s32 s12, s9  }
.Ltmp1:
0x24: {  	p0 =	slt.u32 s12, $0x2;
	(pc) =	sbr.rel @!p1 .LBB2_6-.Ltmp1, $4  }
0x25: {  	s14 =	simm.s32 @!p0 $0x3  }
0x26: {  	_ =	swait.ge @!p0 [sflag:s14], $0xD00  }
0x27: {  	s16 =	sadd.s32 $0x1, s12;
	s13 =	smov.u32 s11;
	[sflag:s14] =	ssyncset.done @!p0 $0x0  }
0x28: {  	s12 =	smov.u32 s16;
	s11 =	smov.u32 s15;
	[sflag:s14] =	ssyncadd.s32 @!p0 $0xFFFFF300  }
.LBB2_1:
0x29: {  	p0 =	sge.u32 s12, s7  }
0x2a: {  	s14 =	sxor.u32 @!p0 $0x1, s12  }
0x2b: {  	s14 =	smul.u32 @!p0 $0x3400, s14  }
0x2c: {  	s31 =	sadd.s32 $0xFFFFFFFF, s12;
	s15 =	sshrl.u32 @!p0 s11, $0x3  }
0x2d: {  	s16 =	sand.u32 @!p0 $0x7, s11;
	s15 =	sadd.s32 @!p0 s3, s15;
	s14 =	sshra.s32 @!p0 s14, $0x2  }
0x2e: {  	[tilespmem:s14], [sflag:$0x2] =	stream.linear.gather @!p0 [hbm4b:s15+s16], $0xD00, $0x38;
	[tilespmem:$0x3400] =	vst v63  }
0x2f: {  	p0 =	sge.u32 s31, s7  }
.Ltmp2:
0x30: {  	_ = 	snop;
	(pc) =	sbr.rel @p0 .LBB2_5-.Ltmp2, $1  }
0x31: {  	_ =	sdelay $0x3  }
0x32: {  	s14 =	sand.u32 $0x1, s12  }
0x33: {  	_ =	swait.ge [sflag:s6], $0xD00;
	p0 =	seq.s32 s14, $0x1;
	s14 =	simm.s32 $0xD00  }
0x34: {  	[sflag:s6] =	ssyncset.done $0x0;
	s14 =	simm.s32 @!p0 $0x0  }
0x35: {  	[sflag:s6] =	ssyncadd.s32 $0xFFFFF300;
	(ifvalue) =	ssetifvalue $0x7FFFFFFF;
	v0 =	vld.msk [tilespmem:s14+$0x0 ss:$0x1], $0xffff  }
0x36: {  	s15 =	sadd.s32 $0x10, s14  }
0x37: {  	v1 =	vld.msk [tilespmem:s15+$0x0 ss:$0x1], $0xffff;
	_ =	sdelay $0x2  }
0x38: {  	v2 =	vshrl.u32 v0, $0x3  }
0x39: {  	vm1 =	veq.s32 v0, $0x80000000;
	v0 =	vand.u32 $0x7, v0;
	v2 =	vand.u32 $0x7FFF, v2  }
0x3a: {  	v0 =	vsel vm1, $0xFFFFFFFF, v0;
	v6 =	vshrl.u32 v1, $0x3;
	v2 =	vsel vm1, $0xFFFFFFFF, v2  }
0x3b: {  	v3 =	vshrl.u32 v0, $0x3;
	v0 =	vshll.u32 v0, $0x7;
	vm1 =	veq.s32 v1, $0x80000000  }
0x3c: {  	s15 =	sadd.s32 $0x10, s15;
	v1 =	vand.u32 $0x7, v1;
	v4 =	vshll.u32 v2, $0x3;
	v3 =	vmul.u32 $0x20800, v3  }
0x3d: {  	v0 =	vand.u32 $0x380, v0;
	v7 =	vand.u32 $0x7F, v2;
	v5 =	vand.u32 $0xFFFFFC00, v4;
	v4 =	vld.msk [tilespmem:s15+$0x0 ss:$0x1], $0xffff  }
0x3e: {  	v1 =	vsel vm1, $0xFFFFFFFF, v1;
	v2 =	vadd.s32 v3, v5;
	v3 =	vand.u32 $0x7FFF, v6  }
0x3f: {  	v3 =	vsel vm1, $0xFFFFFFFF, v3;
	v0 =	vor.u32 v0, v2;
	v2 =	vshrl.u32 v1, $0x3  }
0x40: {  	v1 =	vshll.u32 v1, $0x7;
	v5 =	vshll.u32 v3, $0x3;
	v8 =	vmul.u32 $0x20800, v2  }
0x41: {  	s18 =	simm.s32 $0x30;
	s14 =	sadd.s32 $0x1A00, s14;
	s17 =	sadd.s32 $0x10, s15;
	v2 =	vand.u32 $0x380, v1;
	v0 =	vor.u32 v7, v0;
	v5 =	vand.u32 $0xFFFFFC00, v5  }
0x42: {  	s16 =	smov.u32 s14;
	s15 =	smov.u32 s14;
	v1 =	vld.msk [tilespmem:s17+$0x0 ss:$0x1], $0xffff;
	v3 =	vand.u32 $0x7F, v3;
	(ifvalue) =	ssetifvalue $0x7FFFFFFF;
	v6 =	vshrl.u32 v4, $0x3;
	v5 =	vadd.s32 v8, v5  }
.LBB2_3:
0x43: {  	s18 =	sadd.s32 $0x10, s18  }
0x44: {  	vm1 =	veq.s32 v4, $0x80000000;
	v4 =	vand.u32 $0x7, v4;
	v6 =	vand.u32 $0x7FFF, v6;
	s15 =	sadd.s32 $0x10, s15;
	p0 =	slt.u32 s18, $0xCF0  }
.Ltmp3:
0x45: {  	v5 =	vor.u32 v2, v5;
	v4 =	vsel vm1, $0xFFFFFFFF, v4;
	v7 =	vsel vm1, $0xFFFFFFFF, v6;
	(pc) =	sbr.rel @p0 .LBB2_3-.Ltmp3, $4  }
0x46: {  	v2 =	vshrl.u32 v4, $0x3;
	v6 =	vshll.u32 v7, $0x3;
	v4 =	vshll.u32 v4, $0x7;
	[tilespmem:s16], [sflag:$0x1] =	stream.indirect_vreg.gather [hbm4b:s2+s10], $0x1, v0, vm0, $0x4038;
	[tilespmem:$0x3400] =	vst v63  }
0x47: {  	v0 =	vor.u32 v3, v5;
	s16 =	smov.u32 s15;
	v8 =	vmul.u32 $0x20800, v2;
	v2 =	vand.u32 $0x380, v4  }
0x48: {  	s17 =	sadd.s32 $0x10, s17;
	v9 =	vand.u32 $0xFFFFFC00, v6  }
0x49: {  	v3 =	vand.u32 $0x7F, v7;
	v6 =	vshrl.u32 v1, $0x3;
	v5 =	vadd.s32 v8, v9;
	(ifvalue) =	ssetifvalue $0x7FFFFFFF;
	v4 =	vmovc v1;
	v1 =	vld.msk [tilespmem:s17+$0x0 ss:$0x1], $0xffff  }
.Ltmp4:
0x4a: {  	_ = 	snop;
	(pc) =	sbr.rel .LBB2_4-.Ltmp4, $1  }
0x4b: {  	_ =	sdelay $0x3  }
.LBB2_6:
0x4c: {  	_ =	sfence.sel $0x180000  }
0x4d: {  	s2 =	simm.s32 $0x2;
	[bflag:$0x0] =	sbarrier.arrive $0xFFFF  }
0x4e: {  	s30 =	simm.s32 $0x3;
	[sflag:s2] =	ssyncpa.u1 $0x1  }
0x4f: {  	s31 =	simm.s32 $0x1;
	[sflag:s30] =	ssyncpa.u1 $0x1  }
0x50: {  	[sflag:s31] =	ssyncpa.u1 $0x1  }
0x51: {  	p0 =	sne.s32 s1, $0x0;
	_ =	strace $0x9000004A  }
0x52: {  	s0 =	sadd.s32 @!p0 $0x100000, s0;
	[bflag:$0x2] =	sbarrier.arrive $0xFFFF  }
0x53: {  	[sflag:s0] =	ssyncadd.tile.s32 @!p0 $0x1;
	_ =	shalt  }
.Lfunc_end2:
_tile_overlayer_lowered:
.L_overlay_start_2:
0x54: {  	(tag) =	ssettag $0x2  }
0x55: {  	s0 =	rddreg [dreg:$0x0];
	s2 =	stileid.u32  }
0x56: {  	s1 =	rddreg [dreg:$0x1];
	p0 =	sne.s32 s2, $0x0  }
0x57: {  	s3 =	rddreg [dreg:$0x2];
	[bflag:$0x3] =	sbarrier.arrive $0xFFFF;
	s2 =	simm.s32 @!p0 $0x1C01  }
0x58: {  	[timem:s3], [sflag:s2] =	dma.local @!p0 [hbm:s0], s1  }
0x59: {  	s0 =	simm.s32 @!p0 $0x1  }
0x5a: {  	_ =	swait.ge @!p0 [sflag:s0], s1  }
0x5b: {  	s1 =	ssub.s32 @!p0 $0x0, s1;
	[sflag:s0] =	ssyncset.done @!p0 $0x0  }
0x5c: {  	[sflag:s0] =	ssyncadd.s32 @!p0 s1  }
0x5d: {  	[bflag:$0x3] =	sbarrier.arrive $0xFFFF  }
0x5e: {  	_ =	shalt  }

// kernel: gather_offload_async_start
scs
__scs_entry_jumppad:
0x0: {  	(pc) =	sbr.rel $0x88, $3  }
0x1: {  	(tag) =	ssettag $0x0;
	lr =	simm.s32 $0x1  }
0x2: {  	[smem:$0x3F2E] =	sst lr;
	_ =	strace $0xD0000000  }
0x3: {  	_ = 	snop  }
0x4: {  	_ = 	snop  }
0x5: {  	_ = 	snop  }
0x6: {  	_ = 	snop  }
0x7: {  	_ = 	snop  }
__scs_overlays_trampoline_lowered:
0x8: {  	[smem:$0x3F3D] =	sst s0  }
0x9: {  	[smem:$0x3F3E] =	sst s1  }
0xa: {  	[smem:$0x3F3F] =	sst s2  }
0xb: {  	[smem:$0x3F40] =	sst s3  }
0xc: {  	[smem:$0x3F41] =	sst s4  }
0xd: {  	[smem:$0x3F42] =	sst s5  }
0xe: {  	[smem:$0x3F43] =	sst s6  }
0xf: {  	[smem:$0x3F44] =	sst s7  }
0x10: {  	[smem:$0x3F45] =	sst s8  }
0x11: {  	[smem:$0x3F46] =	sst s9;
	s0 =	simm.s32 @!p0 $0x0  }
0x12: {  	s1 =	sld [smem:$0x3F2C];
	s0 =	simm.s32 @p0 $0x1  }
0x13: {  	[smem:$0x3F47] =	sst s0;
	s0 =	simm.s32 @!p1 $0x0  }
0x14: {  	s2 =	sld [smem:$0x3F2B];
	s0 =	simm.s32 @p1 $0x1  }
0x15: {  	[smem:$0x3F48] =	sst s0;
	s0 =	simm.s32 @!p2 $0x0  }
0x16: {  	s3 =	sld [smem:$0x3FDB];
	s0 =	simm.s32 @p2 $0x1  }
0x17: {  	s4 =	simm.s32 $0x1BF5;
	[smem:$0x3F4A] =	sst s0  }
0x18: {  	s0 =	sld [smem:$0x3F2D];
	_ =	swait.ge [sflag:s4], $0x0  }
0x19: {  	s7 =	sld [smem:$0x3F2E]  }
0x1a: {  	s8 =	sadd.s32 $0xFFFFE003, lr  }
0x1b: {  	s9 =	sadd.s32 $0xFFFFFEF7, lr;
	s5 =	simm.s32 $0xFFFFFFFF;
	p2 =	slt.u32 s8, $0xFFFFF086  }
0x1c: {  	p1 =	slt.u32 s9, $0xF7A;
	s5 =	simm.s32 @!p2 $0x0  }
0x1d: {  	s5 =	simm.s32 @p1 $0x1;
	p0 =	seq.s32 s7, s2  }
0x1e: {  	s7 =	smul.u32 @!p0 $0xF7A, s2;
	p2 =	seq.s32 @!p0 s5, $0x0  }
0x1f: {  	s9 =	smul.u32 $0xF7A, s1;
	s8 =	simm.s32 @!p0 $0x1BF5;
	p2 =	por !p2, p0  }
0x20: {  	[sflag:s8] =	ssyncset.s32 @!p0 $0xFFFFF086;
	s6 =	sadd.s32 @!p0 s3, s7;
	s7 =	simm.s32 @!p0 $0x108  }
0x21: {  	s3 =	sadd.s32 s3, s9;
	s6 =	sadd.s32 @!p0 $0x88, s6;
	s7 =	simm.s32 @p2 $0x1082  }
0x22: {  	[simem:s7], [sflag:s8] =	dma.local @!p0 [hbm:s6], $0xF7A  }
0x23: {  	s9 =	sor.u32 $0xD0000000, s2;
	s6 =	simm.s32 $0x108;
	_ =	swait.ge @!p0 [sflag:s8], $0x0  }
0x24: {  	s3 =	sadd.s32 $0x88, s3;
	s6 =	simm.s32 @!p1 $0x1082;
	[sflag:s4] =	ssyncset.s32 $0xFFFFF086  }
0x25: {  	[simem:s6], [sflag:s4] =	dma.local [hbm:s3], $0xF7A  }
0x26: {  	[smem:$0x3F2E] =	sst s1;
	(tag) =	ssettag s2;
	_ =	strace s9  }
0x27: {  	s1 =	sld [smem:$0x3F3E]  }
0x28: {  	s2 =	sld [smem:$0x3F3F]  }
0x29: {  	s4 =	sld [smem:$0x3F41]  }
0x2a: {  	p0 =	seq.s32 s5, $0x0;
	s5 =	sld [smem:$0x3F42]  }
0x2b: {  	s6 =	sld [smem:$0x3F43]  }
0x2c: {  	s7 =	sld [smem:$0x3F44]  }
0x2d: {  	s3 =	simm.s32 $0x108;
	s8 =	sld [smem:$0x3F45]  }
0x2e: {  	s3 =	simm.s32 @!p0 $0x1082;
	s9 =	sld [smem:$0x3F46]  }
0x2f: {  	lr =	sadd.s32 s0, s3;
	s0 =	sld [smem:$0x3F3D]  }
0x30: {  	s3 =	sld [smem:$0x3F40]  }
0x31: {  	[smem:$0x3F49] =	sst s10  }
0x32: {  	s10 =	sld [smem:$0x3F47];
	_ =	sdelay $0x3  }
0x33: {  	p0 =	seq.s32 s10, $0x1;
	s10 =	sld [smem:$0x3F49];
	_ =	sdelay $0x3  }
0x34: {  	[smem:$0x3F49] =	sst s10  }
0x35: {  	s10 =	sld [smem:$0x3F48];
	_ =	sdelay $0x3  }
0x36: {  	p1 =	seq.s32 s10, $0x1;
	s10 =	sld [smem:$0x3F49];
	_ =	sdelay $0x3  }
0x37: {  	[smem:$0x3F49] =	sst s10  }
0x38: {  	s10 =	sld [smem:$0x3F4A]  }
0x39: {  	_ = 	snop;
	(pc) =	sbr.ind lr, $3  }
0x3a: {  	_ = 	snop  }
0x3b: {  	_ = 	snop  }
0x3c: {  	p2 =	seq.s32 s10, $0x1;
	s10 =	sld [smem:$0x3F49]  }
0x3d: {  	_ =	shalt  }
0x3e: {  	_ =	shalt  }
0x3f: {  	_ =	shalt  }
0x40: {  	_ =	shalt  }
0x41: {  	_ =	shalt  }
0x42: {  	_ =	shalt  }
0x43: {  	_ =	shalt  }
0x44: {  	_ =	shalt  }
0x45: {  	_ =	shalt  }
0x46: {  	_ =	shalt  }
0x47: {  	_ =	shalt  }
0x48: {  	_ =	shalt  }
0x49: {  	_ =	shalt  }
0x4a: {  	_ =	shalt  }
0x4b: {  	_ =	shalt  }
0x4c: {  	_ =	shalt  }
0x4d: {  	_ =	shalt  }
0x4e: {  	_ =	shalt  }
0x4f: {  	_ =	shalt  }
0x50: {  	_ =	shalt  }
0x51: {  	_ =	shalt  }
0x52: {  	_ =	shalt  }
0x53: {  	_ =	shalt  }
0x54: {  	_ =	shalt  }
0x55: {  	_ =	shalt  }
0x56: {  	_ =	shalt  }
0x57: {  	_ =	shalt  }
0x58: {  	_ =	shalt  }
0x59: {  	_ =	shalt  }
0x5a: {  	_ =	shalt  }
0x5b: {  	_ =	shalt  }
0x5c: {  	_ =	shalt  }
0x5d: {  	_ =	shalt  }
0x5e: {  	_ =	shalt  }
0x5f: {  	_ =	shalt  }
0x60: {  	_ =	shalt  }
0x61: {  	_ =	shalt  }
0x62: {  	_ =	shalt  }
0x63: {  	_ =	shalt  }
0x64: {  	_ =	shalt  }
0x65: {  	_ =	shalt  }
0x66: {  	_ =	shalt  }
0x67: {  	_ =	shalt  }
0x68: {  	_ =	shalt  }
0x69: {  	_ =	shalt  }
0x6a: {  	_ =	shalt  }
0x6b: {  	_ =	shalt  }
0x6c: {  	_ =	shalt  }
0x6d: {  	_ =	shalt  }
0x6e: {  	_ =	shalt  }
0x6f: {  	_ =	shalt  }
0x70: {  	_ =	shalt  }
0x71: {  	_ =	shalt  }
0x72: {  	_ =	shalt  }
0x73: {  	_ =	shalt  }
0x74: {  	_ =	shalt  }
0x75: {  	_ =	shalt  }
0x76: {  	_ =	shalt  }
0x77: {  	_ =	shalt  }
0x78: {  	_ =	shalt  }
0x79: {  	_ =	shalt  }
0x7a: {  	_ =	shalt  }
0x7b: {  	_ =	shalt  }
0x7c: {  	_ =	shalt  }
0x7d: {  	_ =	shalt  }
0x7e: {  	_ =	shalt  }
0x7f: {  	_ =	shalt  }
0x80: {  	_ =	shalt  }
0x81: {  	_ =	shalt  }
0x82: {  	_ =	shalt  }
0x83: {  	_ =	shalt  }
0x84: {  	_ =	shalt  }
0x85: {  	_ =	shalt  }
0x86: {  	_ =	shalt  }
0x87: {  	_ =	shalt  }
.Lfunc_end0:
.L_simem_size_0:
called_computation.1_lowered:
.L_overlay_start_0:
0x88: {  	s2 =	sld [smem:$0x3FD9]  }
0x89: {  	s3 =	sld [smem:$0x3FFE];
	_ =	sdelay $0x1  }
0x8a: {  	s1 =	srdreg.scid  }
0x8b: {  	s0 =	sand.u32 $0x1, s1  }
0x8c: {  	s17 =	sshll.u32 s0, $0xA;
	s2 =	sadd.s32 s3, s2  }
0x8d: {  	s2 =	sadd.s32 s2, s17  }
0x8e: {  	[smem:$0x3F55] =	sst s2  }
0x8f: {  	_ = 	snop  }
0x90: {  	(tm) =	ssettm $0x1  }
0x91: {  	s18 =	sld [smem:$0x3FFB];
	_ =	sdelay $0x3  }
0x92: {  	_ =	strace s18  }
0x93: {  	s2 =	sld [smem:$0x3FFC];
	_ =	sdelay $0x3  }
0x94: {  	_ =	strace s2  }
0x95: {  	s2 =	sld [smem:$0x3FFD];
	_ =	sdelay $0x3  }
0x96: {  	_ =	strace s2  }
0x97: {  	_ =	strace $0x8FFFFFFF  }
0x98: {  	s19 =	sld [smem:$0x3FDB];
	_ =	sdelay $0x1  }
0x99: {  	s20 =	simm.s32 $_scs_section_size  }
0x9a: {  	s4 =	simm.s32 $_size__tile_overlayer_lowered;
	s5 =	simm.s32 $_tile_overlayer_lowered  }
0x9b: {  	s6 =	simm.s32 $0x1BFF;
	s21 =	sshll.u32 s5, $0x1;
	s3 =	sadd.s32 s20, s19  }
0x9c: {  	s22 =	simm.s32 $0x0;
	s4 =	sshll.u32 s4, $0x1;
	s5 =	sadd.s32 s21, s3  }
0x9d: {  	[timem:s22], [sflag:s6] =	dma.local [hbm:s5], s4  }
0x9e: {  	_ =	swait.ge [sflag:s6], s4  }
0x9f: {  	s4 =	ssub.s32 $0x0, s4;
	[sflag:s6] =	ssyncset.done $0x0  }
0xa0: {  	[sflag:s6] =	ssyncadd.s32 s4;
	_ =	sdelay $0x1  }
0xa1: {  	s23 =	simm.s32 $0x1B8B  }
0xa2: {  	_ =	swait.ge [sflag:s23], $0x1  }
0xa3: {  	[sflag:s23] =	ssyncset.done $0x0  }
0xa4: {  	[sflag:s23] =	ssyncadd.s32 $0xFFFFFFFF  }
0xa5: {  	s4 =	sld [smem:$0x0]  }
0xa6: {  	s5 =	sand.u32 $0xFFFFFFFE, s1  }
0xa7: {  	p0 =	sne.s32 s1, s5  }
0xa8: {  	s5 =	sshll.u32 @p0 s5, $0xE  }
0xa9: {  	s5 =	sadd.s32 @p0 $0x11B8D, s5;
	s6 =	sshll.u32 @p0 s4, $0x11  }
0xaa: {  	s5 =	sor.u32 @p0 s6, s5  }
0xab: {  	[sflag:s5] =	ssyncadd.remote.s32 @p0 $0x1;
	_ =	sdelay $0x1  }
0xac: {  	s5 =	simm.s32 @p0 $0x1B8D  }
0xad: {  	_ =	swait.eq @p0 [sflag:s5], $0x1  }
0xae: {  	[sflag:s5] =	ssyncadd.s32 @p0 $0xFFFFFFFF  }
0xaf: {  	s6 =	sshll.u32 @!p0 s1, $0xE  }
0xb0: {  	s6 =	sor.u32 @!p0 $0x4000, s6;
	s5 =	simm.s32 @!p0 $0x1B8D  }
0xb1: {  	s4 =	sshll.u32 @!p0 s4, $0x11;
	s6 =	sadd.s32 @!p0 $0x11B8D, s6;
	_ =	swait.eq @!p0 [sflag:s5], $0x1  }
0xb2: {  	s4 =	sor.u32 @!p0 s4, s6;
	[sflag:s5] =	ssyncadd.s32 @!p0 $0xFFFFFFFF  }
0xb3: {  	s25 =	simm.s32 $0x1B8E;
	s24 =	sld [smem:$0x3FFE];
	[sflag:s4] =	ssyncadd.remote.s32 @!p0 $0x1  }
0xb4: {  	s26 =	simm.s32 $execute0_lowered;
	[smem:$0x3FD2] =	sst s25  }
0xb5: {  	s5 =	sshll.u32 s26, $0x1;
	_ =	strace $0x8000004C;
	[dreg:$0x1] =	wrdreg $0xFFFFFFFF  }
0xb6: {  	s28 =	simm.s32 $_size_execute0_lowered;
	s3 =	sadd.s32 s3, s5;
	[dreg:$0x0] =	wrdreg $0x0  }
0xb7: {  	s5 =	sshll.u32 s28, $0x1;
	[dreg:$0x2] =	wrdreg s3  }
0xb8: {  	[dreg:$0x3] =	wrdreg s5  }
0xb9: {  	[dreg:$0x4] =	wrdreg $0xC0  }
0xba: {  	_ =	task [dreg:s22], $0x5FFFF  }
0xbb: {  	[dreg:$0x1] =	wrdreg $0xFFFFFFFF  }
0xbc: {  	[dreg:$0x0] =	wrdreg $0x60  }
0xbd: {  	[dreg:$0x2] =	wrdreg s24  }
0xbe: {  	[dreg:$0x3] =	wrdreg $0x9  }
0xbf: {  	_ =	task.clear_ibuf [dreg:s22], $0x4FFFF;
	_ =	strace $0x9000004C  }
0xc0: {  	s29 =	simm.s32 $0x9;
	_ =	strace $0x8000004E  }
0xc1: {  	_ =	swait.ge [sflag:s29], $0x1  }
0xc2: {  	[sflag:s29] =	ssyncadd.s32 $0xFFFFFFFF  }
0xc3: {  	_ =	strace $0x9000004E  }
0xc4: {  	_ =	sfence  }
0xc5: {  	s30 =	sld [smem:$0x0];
	_ =	sdelay $0x2  }
0xc6: {  	s31 =	sshll.u32 s1, $0xD;
	s1 =	sshrl.u32 s1, $0x2  }
0xc7: {  	s4 =	sand.u32 $0x4000, s31;
	s1 =	sadd.s32 s1, s30  }
0xc8: {  	s0 =	sor.u32 s4, s0;
	s1 =	sshll.u32 s1, $0x11  }
0xc9: {  	s0 =	sor.u32 s1, s0  }
0xca: {  	s0 =	sadd.s32 $0x8F2B, s0  }
0xcb: {  	[sflag:s0] =	ssyncadd.remote.s32 $0x1  }
0xcc: {  	_ =	sfence.sel $0xFFFF  }
0xcd: {  	[dreg:$0x0] =	wrdreg $0xFFFFFFFF;
	(pc) =	sbr.abs _section_cstart, $3  }
0xce: {  	[dreg:$0x1] =	wrdreg $0xFFFFFFFF  }
0xcf: {  	_ =	task.clear_ibuf [dreg:s22], $0x2FFFF;
	_ =	strace $0x9FFFFFFF  }
0xd0: {  	(tm) =	ssettm $0x7FFFFFFF  }
0xd1: {  	_ =	shalt  }
tec
execute0_lowered:
.L_overlay_start_1:
0x0: {  	(tag) =	ssettag $0x1  }
0x1: {  	s7 =	rddreg [dreg:$0x0]  }
0x2: {  	s1 =	srdreg.scid;
	s0 =	rddreg [dreg:$0x1]  }
0x3: {  	_ =	strace $0x8000004D;
	s3 =	simm.s32 $0x1;
	s5 =	simm.s32 $0x2  }
0x4: {  	s9 =	simm.s32 $0x3;
	s11 =	simm.s32 $0x0;
	s2 =	sshll.u32 s1, $0x4  }
.Ltmp0:
0x5: {  	s1 =	stileid.u32;
	s4 =	sand.u32 $0x10, s2;
	(pc) =	sbr.rel .LBB2_1-.Ltmp0, $4  }
0x6: {  	p0 =	por $0x0, $0x0;
	[sflag:s3] =	ssyncpa.u1 $0x0;
	s4 =	sor.u32 s1, s4  }
0x7: {  	s6 =	sadd.s32 $0x8400, s7;
	[sflag:s5] =	ssyncpa.u1 $0x0;
	s4 =	smul.u32 $0x1040, s4  }
0x8: {  	s2 =	sadd.s32 $0x8A8600, s7;
	s7 =	sadd.s32 $0x188400, s7;
	[sflag:s9] =	ssyncpa.u1 $0x0  }
0x9: {  	vm0 =	vmmov $0xff;
	vm1 =	vcmask $0x3F20;
	s9 =	simm.s32 $0x0;
	s8 =	sadd.s32 $0x1040, s4;
	s10 =	smov.u32 s4  }
.LBB2_6:
0xa: {  	[hbm:s15] =	stream.linear.scatter [tilespmem:s12], [sflag:$0x3], $0x400, $0x38;
	[tilespmem:$0x1A340] =	vst v63  }
.LBB2_7:
0xb: {  	p1 =	slt.u32 s9, $0x2;
	s11 =	sadd.s32 $0x1A0, s10  }
0xc: {  	s13 =	smov.u32 s4;
	s9 =	sadd.s32 $0x1, s9;
	p2 =	slt.s32 s11, s8  }
0xd: {  	s13 =	smov.u32 @p2 s11;
	p2 =	sne.s32 s9, $0xC  }
.Ltmp1:
0xe: {  	_ = 	snop;
	(pc) =	sbr.rel @!p2 .LBB2_8-.Ltmp1, $4  }
0xf: {  	s12 =	simm.s32 @!p1 $0x3  }
0x10: {  	_ =	swait.ge @!p1 [sflag:s12], $0xD000  }
0x11: {  	p0 =	por !p0, !p0;
	[sflag:s12] =	ssyncset.done @!p1 $0x0  }
0x12: {  	s11 =	smov.u32 s10;
	s10 =	smov.u32 s13;
	[sflag:s12] =	ssyncadd.s32 @!p1 $0xFFFF3000  }
.LBB2_1:
0x13: {  	p1 =	sgt.u32 s9, $0x9  }
0x14: {  	s12 =	sxor.u32 @!p1 $0xFFFFFFFF, s9  }
0x15: {  	s12 =	sand.u32 @!p1 $0x1, s12  }
0x16: {  	s12 =	smul.u32 @!p1 $0x680, s12  }
0x17: {  	s31 =	sadd.s32 $0xFFFFFFFF, s9;
	s13 =	sshrl.u32 @!p1 s10, $0x3  }
0x18: {  	s14 =	sand.u32 @!p1 $0x7, s10;
	s13 =	sadd.s32 @!p1 s6, s13;
	s12 =	sshrl.u32 @!p1 s12, $0x2  }
0x19: {  	[tilespmem:s12], [sflag:$0x2] =	stream.linear.gather @!p1 [hbm4b:s13+s14], $0x1A0, $0x38;
	[tilespmem:$0x1A340] =	vst v63  }
0x1a: {  	p1 =	sgt.u32 s31, $0x9  }
.Ltmp2:
0x1b: {  	_ = 	snop;
	(pc) =	sbr.rel @p1 .LBB2_7-.Ltmp2, $1  }
0x1c: {  	_ =	sdelay $0x3  }
0x1d: {  	s12 =	simm.s32 $0x1  }
0x1e: {  	s12 =	simm.s32 @!p0 $0x0  }
0x1f: {  	s13 =	smul.u32 $0x680, s12  }
0x20: {  	_ =	swait.ge [sflag:s5], $0x1A0  }
0x21: {  	[sflag:s5] =	ssyncset.done $0x0;
	s14 =	sshrl.u32 s13, $0x2  }
0x22: {  	[sflag:s5] =	ssyncadd.s32 $0xFFFFFE60;
	s13 =	sadd.s32 $0x0, s14  }
0x23: {  	v0 =	vld.msk [tilespmem:s13+$0x0 ss:$0x1], $0xffff;
	_ =	sdelay $0x4  }
0x24: {  	v1 =	vand.u32 $0x7, v0;
	v2 =	vshll.u32 v0, $0x4  }
0x25: {  	vm2 =	veq.s32 v0, $0x80000000;
	v0 =	vmul.u32 $0x208000, v1;
	v1 =	vand.u32 $0x3FFF80, v2  }
0x26: {  	v1 =	vsel vm2, $0xFFFFFF80, v1  }
0x27: {  	v0 =	vsel vm2, $0xFFDF8000, v0;
	v2 =	vand.u32 $0xFFFFFC00, v1  }
0x28: {  	v1 =	vand.u32 $0x380, v1;
	v0 =	vadd.s32 v0, v2  }
0x29: {  	v0 =	vor.u32 v1, v0  }
0x2a: {  	v0 =	vshrl.u32 v0, $0x3  }
0x2b: {  	s12 =	smul.u32 $0x34000, s12;
	_ =	sdelay $0x1  }
0x2c: {  	s12 =	sshrl.u32 s12, $0x2  }
0x2d: {  	s12 =	sor.u32 $0x340, s12  }
0x2e: {  	[tilespmem:s12], [sflag:$0x1] =	stream.indirect_vreg.gather [hbm:s2], $0x80, v0, vm0, $0x38;
	[tilespmem:$0x1A340] =	vst v63  }
0x2f: {  	s15 =	sadd.s32 $0x10, s14;
	s13 =	sadd.s32 $0x400, s12  }
0x30: {  	[tilespmem:s13], [sflag:$0x1] =	stream.indirect_vreg.gather [hbm:s2], $0x80, v0, vm1, $0x38;
	[tilespmem:$0x1A340] =	vst v63  }
0x31: {  	s16 =	simm.s32 $0x80;
	v0 =	vld.msk [tilespmem:s15+$0x0 ss:$0x1], $0xffff;
	s15 =	smov.u32 s12  }
.LBB2_3:
0x32: {  	p1 =	sne.s32 s16, $0x640;
	_ =	sdelay $0x4  }
0x33: {  	v1 =	vand.u32 $0x7, v0;
	v2 =	vshll.u32 v0, $0x4  }
0x34: {  	vm2 =	veq.s32 v0, $0x80000000;
	v0 =	vmul.u32 $0x208000, v1;
	v1 =	vand.u32 $0x3FFF80, v2  }
0x35: {  	v1 =	vsel vm2, $0xFFFFFF80, v1  }
0x36: {  	v0 =	vsel vm2, $0xFFDF8000, v0;
	v2 =	vand.u32 $0xFFFFFC00, v1  }
0x37: {  	v1 =	vand.u32 $0x380, v1;
	v0 =	vadd.s32 v0, v2  }
0x38: {  	v0 =	vor.u32 v1, v0  }
0x39: {  	v0 =	vshrl.u32 v0, $0x3;
	_ =	sdelay $0x3  }
.Ltmp3:
0x3a: {  	s17 =	sshra.s32 s16, $0x2;
	s15 =	sadd.s32 $0x800, s15;
	(pc) =	sbr.rel @p1 .LBB2_3-.Ltmp3, $4  }
0x3b: {  	[tilespmem:s15], [sflag:$0x1] =	stream.indirect_vreg.gather [hbm:s2], $0x80, v0, vm0, $0x38;
	[tilespmem:$0x1A340] =	vst v63  }
0x3c: {  	s17 =	sadd.s32 s17, s14;
	s18 =	sadd.s32 $0x400, s15  }
0x3d: {  	[tilespmem:s18], [sflag:$0x1] =	stream.indirect_vreg.gather [hbm:s2], $0x80, v0, vm1, $0x38;
	[tilespmem:$0x1A340] =	vst v63  }
0x3e: {  	s16 =	sadd.s32 $0x40, s16;
	v0 =	vld.msk [tilespmem:s17+$0x0 ss:$0x1], $0xffff  }
0x3f: {  	_ =	sdelay $0x3  }
0x40: {  	v1 =	vand.u32 $0x7, v0;
	v2 =	vshll.u32 v0, $0x4  }
0x41: {  	vm2 =	veq.s32 v0, $0x80000000;
	v61 =	vmul.u32 $0x208000, v1;
	v62 =	vand.u32 $0x3FFF80, v2  }
0x42: {  	v1 =	vsel vm2, $0xFFFFFF80, v62  }
0x43: {  	v0 =	vsel vm2, $0xFFDF8000, v61;
	v63 =	vand.u32 $0xFFFFFC00, v1  }
0x44: {  	v1 =	vand.u32 $0x380, v1;
	v0 =	vadd.s32 v0, v63  }
0x45: {  	v0 =	vor.u32 v1, v0  }
0x46: {  	v0 =	vshrl.u32 v0, $0x3;
	_ =	sdelay $0x3  }
0x47: {  	s14 =	sadd.s32 $0x800, s15  }
0x48: {  	[tilespmem:s14], [sflag:$0x1] =	stream.indirect_vreg.gather [hbm:s2], $0x80, v0, vm0, $0x38;
	[tilespmem:$0x1A340] =	vst v63  }
0x49: {  	s14 =	sadd.s32 $0x400, s14  }
0x4a: {  	[tilespmem:s14], [sflag:$0x1] =	stream.indirect_vreg.gather [hbm:s2], $0x80, v0, vm1, $0x38;
	[tilespmem:$0x1A340] =	vst v63  }
0x4b: {  	s11 =	sshll.u32 s11, $0x4;
	_ =	swait.ge [sflag:s3], $0xD000  }
0x4c: {  	s11 =	sadd.s32 s11, s7;
	[sflag:s3] =	ssyncset.done $0x0  }
0x4d: {  	s15 =	sadd.s32 $0x0, s11;
	s14 =	simm.s32 $0x80;
	[sflag:s3] =	ssyncadd.s32 $0xFFFF3000  }
.LBB2_5:
0x4e: {  	[hbm:s15] =	stream.linear.scatter [tilespmem:s12], [sflag:$0x3], $0x400, $0x38;
	[tilespmem:$0x1A340] =	vst v63  }
0x4f: {  	s15 =	smov.u32 s14;
	s12 =	smov.u32 s13;
	p1 =	sne.s32 s14, $0x1980  }
.Ltmp4:
0x50: {  	s14 =	sadd.s32 $0x80, s14;
	(pc) =	sbr.rel @p1 .LBB2_5-.Ltmp4, $2  }
0x51: {  	_ =	sdelay $0x2  }
0x52: {  	s13 =	sadd.s32 $0x400, s13;
	s15 =	sadd.s32 s15, s11  }
.Ltmp5:
0x53: {  	_ = 	snop;
	(pc) =	sbr.rel .LBB2_6-.Ltmp5, $1  }
0x54: {  	_ =	sdelay $0x3  }
.LBB2_8:
0x55: {  	_ =	sfence.sel $0x180000  }
0x56: {  	s2 =	simm.s32 $0x2;
	[bflag:$0x0] =	sbarrier.arrive $0xFFFF  }
0x57: {  	s30 =	simm.s32 $0x3;
	[sflag:s2] =	ssyncpa.u1 $0x1  }
0x58: {  	s31 =	simm.s32 $0x1;
	[sflag:s30] =	ssyncpa.u1 $0x1  }
0x59: {  	[sflag:s31] =	ssyncpa.u1 $0x1  }
0x5a: {  	p0 =	sne.s32 s1, $0x0;
	_ =	strace $0x9000004D  }
0x5b: {  	s0 =	sadd.s32 @!p0 $0x100000, s0;
	[bflag:$0x2] =	sbarrier.arrive $0xFFFF  }
0x5c: {  	[sflag:s0] =	ssyncadd.tile.s32 @!p0 $0x1;
	_ =	shalt  }
.Lfunc_end2:
_tile_overlayer_lowered:
.L_overlay_start_2:
0x5d: {  	(tag) =	ssettag $0x2  }
0x5e: {  	s0 =	rddreg [dreg:$0x0];
	s2 =	stileid.u32  }
0x5f: {  	s1 =	rddreg [dreg:$0x1];
	p0 =	sne.s32 s2, $0x0  }
0x60: {  	s3 =	rddreg [dreg:$0x2];
	[bflag:$0x3] =	sbarrier.arrive $0xFFFF;
	s2 =	simm.s32 @!p0 $0x1C01  }
0x61: {  	[timem:s3], [sflag:s2] =	dma.local @!p0 [hbm:s0], s1  }
0x62: {  	s0 =	simm.s32 @!p0 $0x1  }
0x63: {  	_ =	swait.ge @!p0 [sflag:s0], s1  }
0x64: {  	s1 =	ssub.s32 @!p0 $0x0, s1;
	[sflag:s0] =	ssyncset.done @!p0 $0x0  }
0x65: {  	[sflag:s0] =	ssyncadd.s32 @!p0 s1  }
0x66: {  	[bflag:$0x3] =	sbarrier.arrive $0xFFFF  }
0x67: {  	_ =	shalt  }

// kernel: kernel.6.cloned.1.call-start
scs
__scs_entry_jumppad:
0x0: {  	(pc) =	sbr.rel $0x88, $3  }
0x1: {  	(tag) =	ssettag $0x0;
	lr =	simm.s32 $0x1  }
0x2: {  	[smem:$0x3F2E] =	sst lr;
	_ =	strace $0xD0000000  }
0x3: {  	_ = 	snop  }
0x4: {  	_ = 	snop  }
0x5: {  	_ = 	snop  }
0x6: {  	_ = 	snop  }
0x7: {  	_ = 	snop  }
__scs_overlays_trampoline_lowered:
0x8: {  	[smem:$0x3F3D] =	sst s0  }
0x9: {  	[smem:$0x3F3E] =	sst s1  }
0xa: {  	[smem:$0x3F3F] =	sst s2  }
0xb: {  	[smem:$0x3F40] =	sst s3  }
0xc: {  	[smem:$0x3F41] =	sst s4  }
0xd: {  	[smem:$0x3F42] =	sst s5  }
0xe: {  	[smem:$0x3F43] =	sst s6  }
0xf: {  	[smem:$0x3F44] =	sst s7  }
0x10: {  	[smem:$0x3F45] =	sst s8  }
0x11: {  	[smem:$0x3F46] =	sst s9;
	s0 =	simm.s32 @!p0 $0x0  }
0x12: {  	s1 =	sld [smem:$0x3F2C];
	s0 =	simm.s32 @p0 $0x1  }
0x13: {  	[smem:$0x3F47] =	sst s0;
	s0 =	simm.s32 @!p1 $0x0  }
0x14: {  	s2 =	sld [smem:$0x3F2B];
	s0 =	simm.s32 @p1 $0x1  }
0x15: {  	[smem:$0x3F48] =	sst s0;
	s0 =	simm.s32 @!p2 $0x0  }
0x16: {  	s3 =	sld [smem:$0x3FDB];
	s0 =	simm.s32 @p2 $0x1  }
0x17: {  	s4 =	simm.s32 $0x1BF5;
	[smem:$0x3F4A] =	sst s0  }
0x18: {  	s0 =	sld [smem:$0x3F2D];
	_ =	swait.ge [sflag:s4], $0x0  }
0x19: {  	s7 =	sld [smem:$0x3F2E]  }
0x1a: {  	s8 =	sadd.s32 $0xFFFFE003, lr  }
0x1b: {  	s9 =	sadd.s32 $0xFFFFFEF7, lr;
	s5 =	simm.s32 $0xFFFFFFFF;
	p2 =	slt.u32 s8, $0xFFFFF086  }
0x1c: {  	p1 =	slt.u32 s9, $0xF7A;
	s5 =	simm.s32 @!p2 $0x0  }
0x1d: {  	s5 =	simm.s32 @p1 $0x1;
	p0 =	seq.s32 s7, s2  }
0x1e: {  	s7 =	smul.u32 @!p0 $0xF7A, s2;
	p2 =	seq.s32 @!p0 s5, $0x0  }
0x1f: {  	s9 =	smul.u32 $0xF7A, s1;
	s8 =	simm.s32 @!p0 $0x1BF5;
	p2 =	por !p2, p0  }
0x20: {  	[sflag:s8] =	ssyncset.s32 @!p0 $0xFFFFF086;
	s6 =	sadd.s32 @!p0 s3, s7;
	s7 =	simm.s32 @!p0 $0x108  }
0x21: {  	s3 =	sadd.s32 s3, s9;
	s6 =	sadd.s32 @!p0 $0x88, s6;
	s7 =	simm.s32 @p2 $0x1082  }
0x22: {  	[simem:s7], [sflag:s8] =	dma.local @!p0 [hbm:s6], $0xF7A  }
0x23: {  	s9 =	sor.u32 $0xD0000000, s2;
	s6 =	simm.s32 $0x108;
	_ =	swait.ge @!p0 [sflag:s8], $0x0  }
0x24: {  	s3 =	sadd.s32 $0x88, s3;
	s6 =	simm.s32 @!p1 $0x1082;
	[sflag:s4] =	ssyncset.s32 $0xFFFFF086  }
0x25: {  	[simem:s6], [sflag:s4] =	dma.local [hbm:s3], $0xF7A  }
0x26: {  	[smem:$0x3F2E] =	sst s1;
	(tag) =	ssettag s2;
	_ =	strace s9  }
0x27: {  	s1 =	sld [smem:$0x3F3E]  }
0x28: {  	s2 =	sld [smem:$0x3F3F]  }
0x29: {  	s4 =	sld [smem:$0x3F41]  }
0x2a: {  	p0 =	seq.s32 s5, $0x0;
	s5 =	sld [smem:$0x3F42]  }
0x2b: {  	s6 =	sld [smem:$0x3F43]  }
0x2c: {  	s7 =	sld [smem:$0x3F44]  }
0x2d: {  	s3 =	simm.s32 $0x108;
	s8 =	sld [smem:$0x3F45]  }
0x2e: {  	s3 =	simm.s32 @!p0 $0x1082;
	s9 =	sld [smem:$0x3F46]  }
0x2f: {  	lr =	sadd.s32 s0, s3;
	s0 =	sld [smem:$0x3F3D]  }
0x30: {  	s3 =	sld [smem:$0x3F40]  }
0x31: {  	[smem:$0x3F49] =	sst s10  }
0x32: {  	s10 =	sld [smem:$0x3F47];
	_ =	sdelay $0x3  }
0x33: {  	p0 =	seq.s32 s10, $0x1;
	s10 =	sld [smem:$0x3F49];
	_ =	sdelay $0x3  }
0x34: {  	[smem:$0x3F49] =	sst s10  }
0x35: {  	s10 =	sld [smem:$0x3F48];
	_ =	sdelay $0x3  }
0x36: {  	p1 =	seq.s32 s10, $0x1;
	s10 =	sld [smem:$0x3F49];
	_ =	sdelay $0x3  }
0x37: {  	[smem:$0x3F49] =	sst s10  }
0x38: {  	s10 =	sld [smem:$0x3F4A]  }
0x39: {  	_ = 	snop;
	(pc) =	sbr.ind lr, $3  }
0x3a: {  	_ = 	snop  }
0x3b: {  	_ = 	snop  }
0x3c: {  	p2 =	seq.s32 s10, $0x1;
	s10 =	sld [smem:$0x3F49]  }
0x3d: {  	_ =	shalt  }
0x3e: {  	_ =	shalt  }
0x3f: {  	_ =	shalt  }
0x40: {  	_ =	shalt  }
0x41: {  	_ =	shalt  }
0x42: {  	_ =	shalt  }
0x43: {  	_ =	shalt  }
0x44: {  	_ =	shalt  }
0x45: {  	_ =	shalt  }
0x46: {  	_ =	shalt  }
0x47: {  	_ =	shalt  }
0x48: {  	_ =	shalt  }
0x49: {  	_ =	shalt  }
0x4a: {  	_ =	shalt  }
0x4b: {  	_ =	shalt  }
0x4c: {  	_ =	shalt  }
0x4d: {  	_ =	shalt  }
0x4e: {  	_ =	shalt  }
0x4f: {  	_ =	shalt  }
0x50: {  	_ =	shalt  }
0x51: {  	_ =	shalt  }
0x52: {  	_ =	shalt  }
0x53: {  	_ =	shalt  }
0x54: {  	_ =	shalt  }
0x55: {  	_ =	shalt  }
0x56: {  	_ =	shalt  }
0x57: {  	_ =	shalt  }
0x58: {  	_ =	shalt  }
0x59: {  	_ =	shalt  }
0x5a: {  	_ =	shalt  }
0x5b: {  	_ =	shalt  }
0x5c: {  	_ =	shalt  }
0x5d: {  	_ =	shalt  }
0x5e: {  	_ =	shalt  }
0x5f: {  	_ =	shalt  }
0x60: {  	_ =	shalt  }
0x61: {  	_ =	shalt  }
0x62: {  	_ =	shalt  }
0x63: {  	_ =	shalt  }
0x64: {  	_ =	shalt  }
0x65: {  	_ =	shalt  }
0x66: {  	_ =	shalt  }
0x67: {  	_ =	shalt  }
0x68: {  	_ =	shalt  }
0x69: {  	_ =	shalt  }
0x6a: {  	_ =	shalt  }
0x6b: {  	_ =	shalt  }
0x6c: {  	_ =	shalt  }
0x6d: {  	_ =	shalt  }
0x6e: {  	_ =	shalt  }
0x6f: {  	_ =	shalt  }
0x70: {  	_ =	shalt  }
0x71: {  	_ =	shalt  }
0x72: {  	_ =	shalt  }
0x73: {  	_ =	shalt  }
0x74: {  	_ =	shalt  }
0x75: {  	_ =	shalt  }
0x76: {  	_ =	shalt  }
0x77: {  	_ =	shalt  }
0x78: {  	_ =	shalt  }
0x79: {  	_ =	shalt  }
0x7a: {  	_ =	shalt  }
0x7b: {  	_ =	shalt  }
0x7c: {  	_ =	shalt  }
0x7d: {  	_ =	shalt  }
0x7e: {  	_ =	shalt  }
0x7f: {  	_ =	shalt  }
0x80: {  	_ =	shalt  }
0x81: {  	_ =	shalt  }
0x82: {  	_ =	shalt  }
0x83: {  	_ =	shalt  }
0x84: {  	_ =	shalt  }
0x85: {  	_ =	shalt  }
0x86: {  	_ =	shalt  }
0x87: {  	_ =	shalt  }
.Lfunc_end0:
.L_simem_size_0:
called_computation.3_lowered:
.L_overlay_start_0:
0x88: {  	s2 =	sld [smem:$0x3FD9]  }
0x89: {  	s3 =	sld [smem:$0x3FFE];
	_ =	sdelay $0x1  }
0x8a: {  	s1 =	srdreg.scid  }
0x8b: {  	s0 =	sand.u32 $0x1, s1  }
0x8c: {  	s16 =	sshll.u32 s0, $0xA;
	s2 =	sadd.s32 s3, s2  }
0x8d: {  	s2 =	sadd.s32 s2, s16  }
0x8e: {  	[smem:$0x3F55] =	sst s2  }
0x8f: {  	_ = 	snop  }
0x90: {  	(tm) =	ssettm $0x1  }
0x91: {  	s17 =	sld [smem:$0x3FFB];
	_ =	sdelay $0x3  }
0x92: {  	_ =	strace s17  }
0x93: {  	s2 =	sld [smem:$0x3FFC];
	_ =	sdelay $0x3  }
0x94: {  	_ =	strace s2  }
0x95: {  	s2 =	sld [smem:$0x3FFD];
	_ =	sdelay $0x3  }
0x96: {  	_ =	strace s2  }
0x97: {  	_ =	strace $0x8FFFFFFF  }
0x98: {  	s18 =	sld [smem:$0x3FDB];
	_ =	sdelay $0x1  }
0x99: {  	s19 =	simm.s32 $_scs_section_size  }
0x9a: {  	s4 =	simm.s32 $_size__tile_overlayer_lowered;
	s5 =	simm.s32 $_tile_overlayer_lowered  }
0x9b: {  	s22 =	simm.s32 $0x1BFF;
	s21 =	sshll.u32 s5, $0x1;
	s2 =	sadd.s32 s19, s18  }
0x9c: {  	s6 =	simm.s32 $0x0;
	s20 =	sshll.u32 s4, $0x1;
	s4 =	sadd.s32 s21, s2  }
0x9d: {  	[timem:s6], [sflag:s22] =	dma.local [hbm:s4], s20  }
0x9e: {  	_ =	swait.ge [sflag:s22], s20  }
0x9f: {  	s3 =	ssub.s32 $0x0, s20;
	[sflag:s22] =	ssyncset.done $0x0  }
0xa0: {  	[sflag:s22] =	ssyncadd.s32 s3;
	_ =	sdelay $0x1  }
0xa1: {  	s23 =	simm.s32 $0x1B8B  }
0xa2: {  	_ =	swait.ge [sflag:s23], $0x1  }
0xa3: {  	[sflag:s23] =	ssyncset.done $0x0  }
0xa4: {  	s25 =	simm.s32 $0x1B8E;
	s24 =	sld [smem:$0x3FFE];
	[sflag:s23] =	ssyncadd.s32 $0xFFFFFFFF  }
0xa5: {  	s26 =	simm.s32 $execute0_lowered;
	[smem:$0x3FD2] =	sst s25  }
0xa6: {  	s4 =	sshll.u32 s26, $0x1;
	_ =	strace $0x80000046;
	[dreg:$0x1] =	wrdreg $0xFFFFFFFF  }
0xa7: {  	s28 =	simm.s32 $_size_execute0_lowered;
	s2 =	sadd.s32 s2, s4;
	[dreg:$0x0] =	wrdreg $0x0  }
0xa8: {  	s4 =	sshll.u32 s28, $0x1;
	[dreg:$0x2] =	wrdreg s2  }
0xa9: {  	[dreg:$0x3] =	wrdreg s4  }
0xaa: {  	[dreg:$0x4] =	wrdreg $0xC0  }
0xab: {  	_ =	task [dreg:s6], $0x5FFFF  }
0xac: {  	[dreg:$0x1] =	wrdreg $0xFFFFFFFF  }
0xad: {  	[dreg:$0x0] =	wrdreg $0x60  }
0xae: {  	[dreg:$0x2] =	wrdreg s24  }
0xaf: {  	[dreg:$0x3] =	wrdreg $0x9  }
0xb0: {  	_ =	task.clear_ibuf [dreg:s6], $0x4FFFF;
	_ =	strace $0x90000046  }
0xb1: {  	s29 =	simm.s32 $0x9;
	_ =	strace $0x80000048  }
0xb2: {  	_ =	swait.ge [sflag:s29], $0x1  }
0xb3: {  	[sflag:s29] =	ssyncadd.s32 $0xFFFFFFFF  }
0xb4: {  	_ =	strace $0x90000048  }
0xb5: {  	_ =	sfence  }
0xb6: {  	s30 =	sld [smem:$0x0];
	_ =	sdelay $0x2  }
0xb7: {  	s31 =	sshll.u32 s1, $0xD;
	s1 =	sshrl.u32 s1, $0x2  }
0xb8: {  	s3 =	sand.u32 $0x4000, s31;
	s1 =	sadd.s32 s1, s30  }
0xb9: {  	s0 =	sor.u32 s3, s0;
	s1 =	sshll.u32 s1, $0x11  }
0xba: {  	s0 =	sor.u32 s1, s0  }
0xbb: {  	s0 =	sadd.s32 $0x8F2B, s0  }
0xbc: {  	[sflag:s0] =	ssyncadd.remote.s32 $0x1  }
0xbd: {  	_ =	sfence.sel $0xFFFF  }
0xbe: {  	[dreg:$0x0] =	wrdreg $0xFFFFFFFF;
	(pc) =	sbr.abs _section_cstart, $3  }
0xbf: {  	[dreg:$0x1] =	wrdreg $0xFFFFFFFF  }
0xc0: {  	_ =	task.clear_ibuf [dreg:s6], $0x2FFFF;
	_ =	strace $0x9FFFFFFF  }
0xc1: {  	(tm) =	ssettm $0x7FFFFFFF  }
tec
execute0_lowered:
.L_overlay_start_1:
0x0: {  	(tag) =	ssettag $0x1  }
0x1: {  	s4 =	rddreg [dreg:$0x0]  }
0x2: {  	s0 =	rddreg [dreg:$0x1]  }
0x3: {  	s3 =	srdreg.scid;
	s1 =	stileid.u32;
	s2 =	simm.s32 $0x0  }
0x4: {  	s10 =	simm.s32 $0x1;
	s11 =	simm.s32 $0x0;
	s6 =	smul.u32 $0x2080, s1  }
0x5: {  	s5 =	sand.u32 $0x1, s3;
	[smem:$0x7FF] =	sst s2;
	s8 =	smul.u32 $0x20800, s1  }
0x6: {  	s3 =	sadd.s32 $0x18C600, s4;
	s7 =	smul.u32 $0x1040, s5;
	s9 =	ssub.s32 $0x2, s5  }
0x7: {  	_ =	strace $0x80000047;
	s5 =	smul.u32 $0x10400, s5;
	s31 =	sshrl.u32 s9, $0x1  }
0x8: {  	s30 =	sadd.s32 s8, s4;
	s6 =	sadd.s32 s7, s6;
	s8 =	ssub.s32 s9, s31  }
0x9: {  	s5 =	sadd.s32 s5, s30;
	s7 =	simm.s32 $0x2;
	s6 =	sshrl.u32 s6, $0x3  }
0xa: {  	s9 =	simm.s32 $0x80;
	s5 =	sadd.s32 $0x290600, s5;
	s6 =	sadd.s32 s6, s4  }
0xb: {  	s4 =	smax.u32 s8, $0x1;
	s8 =	simm.s32 $0x68;
	s6 =	sadd.s32 $0x188400, s6  }
.LBB2_1:
0xc: {  	s12 =	sadd.s32 $0x0, s6  }
0xd: {  	[tilespmem:s2], [sflag:$0x2] =	stream.linear.gather [hbm4b:s12+s2], $0x68, $0x38;
	[tilespmem:$0x3480] =	vst v63  }
0xe: {  	_ =	swait.ge [sflag:s7], $0x68  }
0xf: {  	[sflag:s7] =	ssyncset.done $0x0  }
0x10: {  	[sflag:s7] =	ssyncadd.s32 $0xFFFFFF98  }
0x11: {  	[tilespmem:s9], [sflag:$0x1] =	stream.indirect.gather [hbm4b:s3+s8], $0x80, s2, s8, $0xb8;
	[tilespmem:$0x3480] =	vst v63  }
0x12: {  	_ =	swait.ge [sflag:s10], $0x3400  }
0x13: {  	[sflag:s10] =	ssyncset.done $0x0  }
0x14: {  	[sflag:s10] =	ssyncadd.s32 $0xFFFFCC00  }
0x15: {  	[hbm4b:s5+s2] =	stream.linear.scatter [tilespmem:s9], [sflag:$0x2], $0x3400, $0x38;
	[tilespmem:$0x3480] =	vst v63  }
0x16: {  	s13 =	simm.s32 $0xD;
	_ =	swait.ge [sflag:s7], $0x3400  }
0x17: {  	s14 =	simm.s32 $0x1A;
	s12 =	sadd.s32 $0x680, s5;
	[sflag:s7] =	ssyncset.done $0x0  }
.LBB2_2:
0x18: {  	s15 =	sadd.s32 s13, s6  }
0x19: {  	[sflag:s7] =	ssyncadd.s32 $0xFFFFCC00;
	s13 =	smov.u32 s14;
	s16 =	sadd.s32 $0xD, s14  }
0x1a: {  	[tilespmem:s2], [sflag:$0x2] =	stream.linear.gather [hbm4b:s15+s2], $0x68, $0x38;
	[tilespmem:$0x3480] =	vst v63  }
0x1b: {  	p0 =	sne.s32 s14, $0x1FB;
	_ =	swait.ge [sflag:s7], $0x68  }
0x1c: {  	[sflag:s7] =	ssyncset.done $0x0  }
0x1d: {  	[sflag:s7] =	ssyncadd.s32 $0xFFFFFF98  }
0x1e: {  	[tilespmem:s9], [sflag:$0x1] =	stream.indirect.gather [hbm4b:s3+s8], $0x80, s2, s8, $0xb8;
	[tilespmem:$0x3480] =	vst v63  }
0x1f: {  	_ =	swait.ge [sflag:s10], $0x3400  }
.Ltmp0:
0x20: {  	[sflag:s10] =	ssyncset.done $0x0;
	(pc) =	sbr.rel @p0 .LBB2_2-.Ltmp0, $4  }
0x21: {  	[sflag:s10] =	ssyncadd.s32 $0xFFFFCC00  }
0x22: {  	[hbm4b:s12+s2] =	stream.linear.scatter [tilespmem:s9], [sflag:$0x2], $0x3400, $0x38;
	[tilespmem:$0x3480] =	vst v63  }
0x23: {  	_ =	swait.ge [sflag:s7], $0x3400  }
0x24: {  	s14 =	smov.u32 s16;
	s12 =	sadd.s32 $0x680, s12;
	[sflag:s7] =	ssyncset.done $0x0  }
0x25: {  	s13 =	sadd.s32 s13, s6;
	[sflag:s7] =	ssyncadd.s32 $0xFFFFCC00  }
0x26: {  	[tilespmem:s2], [sflag:$0x2] =	stream.linear.gather [hbm4b:s13+s2], $0x68, $0x38;
	[tilespmem:$0x3480] =	vst v63  }
0x27: {  	_ =	swait.ge [sflag:s7], $0x68  }
0x28: {  	[sflag:s7] =	ssyncset.done $0x0  }
0x29: {  	[sflag:s7] =	ssyncadd.s32 $0xFFFFFF98  }
0x2a: {  	[tilespmem:s9], [sflag:$0x1] =	stream.indirect.gather [hbm4b:s3+s8], $0x80, s2, s8, $0xb8;
	[tilespmem:$0x3480] =	vst v63  }
0x2b: {  	s11 =	sadd.s32 $0x1, s11;
	_ =	swait.ge [sflag:s10], $0x3400  }
0x2c: {  	p0 =	sne.s32 s11, s4;
	[sflag:s10] =	ssyncset.done $0x0  }
.Ltmp1:
0x2d: {  	[sflag:s10] =	ssyncadd.s32 $0xFFFFCC00;
	(pc) =	sbr.rel @p0 .LBB2_1-.Ltmp1, $4  }
0x2e: {  	[hbm4b:s12+s2] =	stream.linear.scatter [tilespmem:s9], [sflag:$0x2], $0x3400, $0x38;
	[tilespmem:$0x3480] =	vst v63  }
0x2f: {  	_ =	swait.ge [sflag:s7], $0x3400  }
0x30: {  	[sflag:s7] =	ssyncset.done $0x0  }
0x31: {  	[sflag:s7] =	ssyncadd.s32 $0xFFFFCC00  }
0x32: {  	_ =	sfence.sel $0x180000  }
0x33: {  	[bflag:$0x0] =	sbarrier.arrive $0xFFFF  }
0x34: {  	p0 =	sne.s32 s1, $0x0;
	_ =	strace $0x90000047  }
0x35: {  	s0 =	sadd.s32 @!p0 $0x100000, s0;
	[bflag:$0x2] =	sbarrier.arrive $0xFFFF  }
0x36: {  	[sflag:s0] =	ssyncadd.tile.s32 @!p0 $0x1;
	_ =	shalt  }
.Lfunc_end2:
_tile_overlayer_lowered:
.L_overlay_start_2:
0x37: {  	(tag) =	ssettag $0x2  }
0x38: {  	s0 =	rddreg [dreg:$0x0];
	s2 =	stileid.u32  }
0x39: {  	s1 =	rddreg [dreg:$0x1];
	p0 =	sne.s32 s2, $0x0  }
0x3a: {  	s3 =	rddreg [dreg:$0x2];
	[bflag:$0x3] =	sbarrier.arrive $0xFFFF;
	s2 =	simm.s32 @!p0 $0x1C02  }
0x3b: {  	[timem:s3], [sflag:s2] =	dma.local @!p0 [hbm:s0], s1  }
0x3c: {  	s0 =	simm.s32 @!p0 $0x2  }
0x3d: {  	_ =	swait.ge @!p0 [sflag:s0], s1  }
0x3e: {  	s1 =	ssub.s32 @!p0 $0x0, s1;
	[sflag:s0] =	ssyncset.done @!p0 $0x0  }
0x3f: {  	[sflag:s0] =	ssyncadd.s32 @!p0 s1  }
0x40: {  	[bflag:$0x3] =	sbarrier.arrive $0xFFFF  }
0x41: {  	_ =	shalt  }

// kernel: sparse-core-data-format-call.cloned.1.call-start
scs
called_computation_lowered:
.L_overlay_start_0:
0x0: {  	s1 =	sld [smem:$0x3FD9]  }
0x1: {  	s2 =	sld [smem:$0x3FFE];
	_ =	sdelay $0x1  }
0x2: {  	s3 =	srdreg.scid  }
0x3: {  	s0 =	sand.u32 $0x1, s3  }
0x4: {  	s17 =	sshll.u32 s0, $0xA;
	s1 =	sadd.s32 s2, s1  }
0x5: {  	s1 =	sadd.s32 s1, s17  }
0x6: {  	[smem:$0x3F55] =	sst s1  }
0x7: {  	_ = 	snop  }
0x8: {  	(tm) =	ssettm $0x1  }
0x9: {  	s18 =	sld [smem:$0x3FFB];
	_ =	sdelay $0x3  }
0xa: {  	_ =	strace s18  }
0xb: {  	s1 =	sld [smem:$0x3FFC];
	_ =	sdelay $0x3  }
0xc: {  	_ =	strace s1  }
0xd: {  	s1 =	sld [smem:$0x3FFD];
	_ =	sdelay $0x3  }
0xe: {  	_ =	strace s1  }
0xf: {  	_ =	strace $0x8FFFFFFF  }
0x10: {  	s19 =	sld [smem:$0x3FDB];
	_ =	sdelay $0x1  }
0x11: {  	s20 =	simm.s32 $_scs_section_size  }
0x12: {  	s4 =	simm.s32 $_size__tile_overlayer_lowered;
	s5 =	simm.s32 $_tile_overlayer_lowered  }
0x13: {  	s23 =	simm.s32 $0x1BFF;
	s22 =	sshll.u32 s5, $0x1;
	s1 =	sadd.s32 s20, s19  }
0x14: {  	s6 =	simm.s32 $0x0;
	s21 =	sshll.u32 s4, $0x1;
	s4 =	sadd.s32 s22, s1  }
0x15: {  	[timem:s6], [sflag:s23] =	dma.local [hbm:s4], s21  }
0x16: {  	_ =	swait.ge [sflag:s23], s21  }
0x17: {  	s2 =	ssub.s32 $0x0, s21;
	[sflag:s23] =	ssyncset.done $0x0  }
0x18: {  	[sflag:s23] =	ssyncadd.s32 s2;
	_ =	sdelay $0x1  }
0x19: {  	s24 =	simm.s32 $0x1B8B  }
0x1a: {  	_ =	swait.ge [sflag:s24], $0x1  }
0x1b: {  	[sflag:s24] =	ssyncset.done $0x0  }
0x1c: {  	s26 =	simm.s32 $0x1B8E;
	s25 =	sld [smem:$0x3FFE];
	[sflag:s24] =	ssyncadd.s32 $0xFFFFFFFF  }
0x1d: {  	s27 =	simm.s32 $execute0_lowered;
	[smem:$0x3FD2] =	sst s26  }
0x1e: {  	s4 =	sshll.u32 s27, $0x1;
	_ =	strace $0x8000004F;
	[dreg:$0x1] =	wrdreg $0xFFFFFFFF  }
0x1f: {  	s28 =	simm.s32 $_size_execute0_lowered;
	s1 =	sadd.s32 s1, s4;
	[dreg:$0x0] =	wrdreg $0x0  }
0x20: {  	s4 =	sshll.u32 s28, $0x1;
	[dreg:$0x2] =	wrdreg s1  }
0x21: {  	[dreg:$0x3] =	wrdreg s4  }
0x22: {  	[dreg:$0x4] =	wrdreg $0xC0  }
0x23: {  	_ =	task [dreg:s6], $0x5FFFF  }
0x24: {  	[dreg:$0x1] =	wrdreg $0xFFFFFFFF  }
0x25: {  	[dreg:$0x0] =	wrdreg $0x60  }
0x26: {  	[dreg:$0x2] =	wrdreg s25  }
0x27: {  	[dreg:$0x3] =	wrdreg $0x9  }
0x28: {  	_ =	task.clear_ibuf [dreg:s6], $0x4FFFF;
	_ =	strace $0x9000004F  }
0x29: {  	s29 =	simm.s32 $0x9;
	_ =	strace $0x80000051  }
0x2a: {  	_ =	swait.ge [sflag:s29], $0x1  }
0x2b: {  	[sflag:s29] =	ssyncadd.s32 $0xFFFFFFFF  }
0x2c: {  	_ =	strace $0x90000051  }
0x2d: {  	_ =	sfence  }
0x2e: {  	s30 =	sld [smem:$0x0];
	_ =	sdelay $0x2  }
0x2f: {  	s31 =	sshll.u32 s3, $0xD;
	s3 =	sshrl.u32 s3, $0x2  }
0x30: {  	s2 =	sand.u32 $0x4000, s31;
	s1 =	sadd.s32 s3, s30  }
0x31: {  	s0 =	sor.u32 s2, s0;
	s1 =	sshll.u32 s1, $0x11  }
0x32: {  	s0 =	sor.u32 s1, s0  }
0x33: {  	s0 =	sadd.s32 $0x8F2B, s0  }
0x34: {  	[sflag:s0] =	ssyncadd.remote.s32 $0x1  }
0x35: {  	_ =	sfence.sel $0xFFFF  }
0x36: {  	[dreg:$0x0] =	wrdreg $0xFFFFFFFF;
	(pc) =	sbr.abs _section_cstart, $3  }
0x37: {  	[dreg:$0x1] =	wrdreg $0xFFFFFFFF  }
0x38: {  	_ =	task.clear_ibuf [dreg:s6], $0x2FFFF;
	_ =	strace $0x9FFFFFFF  }
0x39: {  	(tm) =	ssettm $0x7FFFFFFF  }
tec
execute0_lowered:
.L_overlay_start_1:
0x0: {  	(tag) =	ssettag $0x1  }
0x1: {  	s0 =	stileid.u32;
	s1 =	srdreg.scid  }
0x2: {  	s9 =	rddreg [dreg:$0x0];
	s31 =	simm.s32 $0x2;
	s18 =	simm.s32 $0x0  }
0x3: {  	s11 =	simm.s32 $0x20800;
	s16 =	simm.s32 $0x0;
	s17 =	simm.s32 $0x0  }
0x4: {  	s15 =	simm.s32 $0x0;
	s3 =	sshll.u32 s0, $0x5;
	s4 =	sshll.u32 s1, $0x9  }
0x5: {  	s1 =	rddreg [dreg:$0x1];
	s2 =	sand.u32 $0x1, s0;
	_ =	strace $0x80000050  }
0x6: {  	s4 =	sor.u32 s3, s4;
	s3 =	sand.u32 $0x2, s0;
	s5 =	ssub.s32 $0x2, s2  }
0x7: {  	s6 =	sshrl.u32 s5, $0x1;
	s5 =	sand.u32 $0x1, s5;
	s7 =	ssub.s32 $0x4, s3  }
0x8: {  	s4 =	sand.u32 $0x380, s4;
	s5 =	sadd.s32 s5, s6;
	s29 =	sshrl.u32 s7, $0x1  }
0x9: {  	s8 =	ssub.s32 $0x4100, s4;
	s7 =	sshrl.u32 s7, $0x2;
	s6 =	sand.u32 $0x1, s29  }
0xa: {  	s14 =	smov.u32 s2;
	s10 =	sand.u32 $0x380, s8;
	s6 =	sadd.s32 s7, s6  }
0xb: {  	p0 =	sne.s32 s10, $0x0;
	s7 =	simm.s32 $0x1;
	s30 =	smul.u32 s5, s6  }
.Ltmp0:
0xc: {  	s8 =	sshrl.u32 s8, $0xA;
	s7 =	simm.s32 @!p0 $0x0;
	(pc) =	sbr.rel .LBB1_1-.Ltmp0, $4  }
0xd: {  	s13 =	smov.u32 s3;
	s12 =	smov.u32 s4;
	s7 =	sadd.s32 s7, s8  }
0xe: {  	s5 =	sadd.s32 $0x188400, s9;
	s6 =	simm.s32 $0x1;
	s7 =	smul.u32 s7, s30  }
0xf: {  	p0 =	por $0x0, $0x0;
	s8 =	sadd.s32 $0x390400, s9;
	[sflag:s6] =	ssyncpa.u1 $0x0  }
0x10: {  	s9 =	sadd.s32 $0x1C9400, s9;
	[sflag:s31] =	ssyncpa.u1 $0x0;
	s10 =	sadd.s32 $0x1, s7  }
.LBB1_7:
0x11: {  	s19 =	sadd.s32 $0x400, s12  }
0x12: {  	s16 =	sadd.s32 $0x4, s13;
	s20 =	smov.u32 s13;
	p2 =	sgt.s32 s19, $0x40FF  }
0x13: {  	s20 =	smov.u32 @p2 s16  }
0x14: {  	s22 =	smov.u32 s14;
	s16 =	sadd.s32 $0x2, s14;
	p3 =	sgt.s32 s20, $0x3  }
0x15: {  	s22 =	smov.u32 @p3 s16  }
0x16: {  	s19 =	smov.u32 @p2 s4;
	p2 =	sgt.s32 s22, $0x1  }
0x17: {  	p1 =	slt.u32 s15, $0x2;
	s22 =	smov.u32 @p2 s2;
	p2 =	sne.s32 s15, s10  }
.Ltmp1:
0x18: {  	s21 =	simm.s32 @!p1 $0x2;
	(pc) =	sbr.rel @!p2 .LBB1_8-.Ltmp1, $4  }
0x19: {  	s18 =	smov.u32 s12;
	s17 =	smov.u32 s14;
	_ =	swait.ge @!p1 [sflag:s21], $0x4000  }
0x1a: {  	p0 =	por !p0, !p0;
	[sflag:s21] =	ssyncset.done @!p1 $0x0;
	s12 =	smov.u32 s19  }
0x1b: {  	s20 =	smov.u32 @p3 s3;
	s16 =	smov.u32 s13;
	[sflag:s21] =	ssyncadd.s32 @!p1 $0xFFFFC000  }
0x1c: {  	s13 =	smov.u32 s20;
	s15 =	sadd.s32 $0x1, s15;
	s14 =	smov.u32 s22  }
.LBB1_1:
0x1d: {  	p1 =	sge.u32 s15, s7  }
0x1e: {  	s19 =	sand.u32 @!p1 $0x1FFFFFF, s12  }
0x1f: {  	s20 =	smulhi.u32 @!p1 $0xFC0FC1, s19;
	_ =	sdelay $0x1  }
0x20: {  	s21 =	smul.u32 @!p1 $0x104000, s14;
	s20 =	sshrl.u32 @!p1 s20, $0x6  }
0x21: {  	s20 =	smul.u32 @!p1 $0x4100, s20  }
0x22: {  	s22 =	sxor.u32 @!p1 $0xFFFFFFFF, s15;
	s23 =	smul.u32 @!p1 $0x41000, s13  }
0x23: {  	s24 =	simm.s32 @!p1 $0x40;
	s19 =	ssub.s32 @!p1 s19, s20;
	s20 =	sadd.s32 @!p1 s5, s21  }
0x24: {  	s22 =	sshll.u32 @!p1 s22, $0xE;
	s19 =	sshll.u32 @!p1 s19, $0x4;
	s20 =	sadd.s32 @!p1 s23, s20  }
0x25: {  	s25 =	simm.s32 @!p1 $0x80;
	s22 =	sand.u32 @!p1 $0x4000, s22;
	s20 =	sadd.s32 @!p1 s19, s20  }
0x26: {  	[tilespmem:s22], [sflag:$0x1] =	stream.strided.gather @!p1 [hbm4b:s20+s24], $0x2000, s25, s24, $0x38;
	[tilespmem:$0x10100] =	vst v63  }
0x27: {  	s20 =	sadd.s32 @!p1 s21, s9  }
0x28: {  	s20 =	sadd.s32 @!p1 s23, s20  }
0x29: {  	s31 =	sadd.s32 $0xFFFFFFFF, s15;
	s19 =	sadd.s32 @!p1 s19, s20;
	s20 =	sor.u32 @!p1 $0x2000, s22  }
0x2a: {  	[tilespmem:s20], [sflag:$0x1] =	stream.strided.gather @!p1 [hbm4b:s19+s24], $0x2000, s25, s24, $0x38;
	[tilespmem:$0x10100] =	vst v63  }
0x2b: {  	p1 =	sge.u32 s31, s7  }
.Ltmp2:
0x2c: {  	_ = 	snop;
	(pc) =	sbr.rel @p1 .LBB1_7-.Ltmp2, $1  }
0x2d: {  	_ =	sdelay $0x3  }
0x2e: {  	s19 =	simm.s32 $0x1;
	s21 =	sand.u32 $0x1, s15  }
0x2f: {  	_ =	swait.ge [sflag:s6], $0x4000;
	s19 =	simm.s32 @!p0 $0x0;
	s21 =	smul.u32 $0x10200, s21  }
0x30: {  	p2 =	por $0x1, $0x1;
	[sflag:s6] =	ssyncset.done $0x0;
	s20 =	smul.u32 $0x10200, s19  }
0x31: {  	s22 =	sshll.u32 s19, $0x10;
	[sflag:s6] =	ssyncadd.s32 $0xFFFFC000;
	s30 =	sshrl.u32 s21, $0x2  }
0x32: {  	s31 =	sshrl.u32 s22, $0x2;
	s22 =	simm.s32 $0x0;
	s20 =	sshrl.u32 s20, $0x2  }
0x33: {  	s19 =	sor.u32 $0x8000, s30;
	s21 =	sadd.s32 $0x20, s31;
	s20 =	sor.u32 $0x8000, s20  }
.LBB1_3:
0x34: {  	s23 =	sshll.u32 s22, $0xD  }
0x35: {  	s23 =	sand.u32 $0x3FFFE000, s23  }
0x36: {  	s25 =	sadd.s32 s23, s21  }
0x37: {  	s31 =	smul.u32 $0x8100, s22;
	v3 =	vld [tilespmem:s25+$0x10]  }
0x38: {  	v1 =	vld [tilespmem:s25+$0xFFFFFFF0]  }
0x39: {  	s22 =	sshra.s32 s31, $0x2;
	v0 =	vld [tilespmem:s25+$0x0]  }
0x3a: {  	s22 =	sadd.s32 s22, s20;
	v2 =	vld [tilespmem:s25+$0xFFFFFFE0]  }
0x3b: {  	s23 =	sadd.s32 $0x0, s22  }
0x3c: {  	p1 =	por p2, p2;
	s24 =	simm.s32 $0x4;
	s25 =	sadd.s32 $0x40, s25;
	[tilespmem:s23+$0x1830 ss:$0x81] =	vst.msk $0xffff, v3  }
.LBB1_4:
0x3d: {  	v3 =	vld [tilespmem:s25+$0x10];
	p2 =	sne.s32 s24, $0x1FC;
	[tilespmem:s23+$0x810 ss:$0x81] =	vst.msk $0xffff, v1;
	s26 =	smov.u32 s24;
	s24 =	sadd.s32 $0x4, s24  }
.Ltmp3:
0x3e: {  	v1 =	vld [tilespmem:s25+$0xFFFFFFF0];
	[tilespmem:s23+$0x1020 ss:$0x81] =	vst.msk $0xffff, v0;
	(pc) =	sbr.rel @p2 .LBB1_4-.Ltmp3, $4  }
0x3f: {  	v0 =	vld [tilespmem:s25+$0x0];
	[tilespmem:s23+$0x0 ss:$0x81] =	vst.msk $0xffff, v2  }
0x40: {  	s23 =	sshra.s32 s26, $0x2;
	v2 =	vld [tilespmem:s25+$0xFFFFFFE0]  }
0x41: {  	s23 =	sadd.s32 s23, s22  }
0x42: {  	s25 =	sadd.s32 $0x40, s25;
	[tilespmem:s23+$0x1830 ss:$0x81] =	vst.msk $0xffff, v3  }
.Ltmp4:
0x43: {  	(pc) =	sbr.rel @p1 .LBB1_3-.Ltmp4, $4  }
0x44: {  	_ = 	snop  }
0x45: {  	[tilespmem:s23+$0x810 ss:$0x81] =	vst.msk $0xffff, v1  }
0x46: {  	[tilespmem:s23+$0x1020 ss:$0x81] =	vst.msk $0xffff, v0  }
0x47: {  	s22 =	simm.s32 $0x1;
	p2 =	por $0x0, $0x0;
	[tilespmem:s23+$0x0 ss:$0x81] =	vst.msk $0xffff, v2  }
0x48: {  	s20 =	sshll.u32 s18, $0x3  }
0x49: {  	s30 =	sand.u32 $0x7F, s18;
	s20 =	sand.u32 $0xFFFFFC00, s20  }
0x4a: {  	s18 =	sor.u32 s30, s20;
	s20 =	smulhi.u32 $0xFC0FC0FD, s20  }
0x4b: {  	s21 =	smulhi.u32 $0xFC0FC0FD, s18  }
0x4c: {  	s17 =	smul.u32 $0x82000, s17  }
0x4d: {  	s16 =	smul.u32 $0x20800, s16;
	s20 =	sshrl.u32 s20, $0xE;
	s21 =	sshrl.u32 s21, $0xE  }
0x4e: {  	s20 =	sand.u32 $0x3F, s20;
	s21 =	smul.u32 $0x4100, s21  }
0x4f: {  	s20 =	smul.u32 $0x820, s20  }
.Ltmp5:
0x50: {  	s17 =	sadd.s32 s8, s17;
	s18 =	ssub.s32 s18, s21;
	(pc) =	sbr.rel .LBB1_7-.Ltmp5, $4  }
0x51: {  	s16 =	sadd.s32 s16, s17;
	s31 =	sand.u32 $0x7, s18  }
0x52: {  	s16 =	sadd.s32 s20, s16;
	s18 =	sshrl.u32 s18, $0x3;
	s17 =	sshll.u32 s31, $0x12  }
0x53: {  	s16 =	sadd.s32 s18, s16;
	s17 =	sor.u32 $0x400, s17  }
0x54: {  	[hbm4b:s16+s17] =	stream.strided.scatter [tilespmem:s19], [sflag:$0x2], $0x4000, s11, s17, $0x20;
	[tilespmem:$0x10100] =	vst v63  }
.LBB1_8:
0x55: {  	_ =	sfence.sel $0x180000  }
0x56: {  	s2 =	simm.s32 $0x1;
	[bflag:$0x0] =	sbarrier.arrive $0xFFFF  }
0x57: {  	s31 =	simm.s32 $0x2;
	[sflag:s2] =	ssyncpa.u1 $0x1  }
0x58: {  	[sflag:s31] =	ssyncpa.u1 $0x1  }
0x59: {  	p0 =	sne.s32 s0, $0x0;
	_ =	strace $0x90000050  }
0x5a: {  	s0 =	sadd.s32 @!p0 $0x100000, s1;
	[bflag:$0x2] =	sbarrier.arrive $0xFFFF  }
0x5b: {  	[sflag:s0] =	ssyncadd.tile.s32 @!p0 $0x1;
	_ =	shalt  }
.Lfunc_end1:
_tile_overlayer_lowered:
.L_overlay_start_2:
0x5c: {  	(tag) =	ssettag $0x2  }
0x5d: {  	s0 =	rddreg [dreg:$0x0];
	s2 =	stileid.u32  }
0x5e: {  	s1 =	rddreg [dreg:$0x1];
	p0 =	sne.s32 s2, $0x0  }
0x5f: {  	s3 =	rddreg [dreg:$0x2];
	[bflag:$0x3] =	sbarrier.arrive $0xFFFF;
	s2 =	simm.s32 @!p0 $0x1C01  }
0x60: {  	[timem:s3], [sflag:s2] =	dma.local @!p0 [hbm:s0], s1  }
0x61: {  	s0 =	simm.s32 @!p0 $0x1  }
0x62: {  	_ =	swait.ge @!p0 [sflag:s0], s1  }
0x63: {  	s1 =	ssub.s32 @!p0 $0x0, s1;
	[sflag:s0] =	ssyncset.done @!p0 $0x0  }
0x64: {  	[sflag:s0] =	ssyncadd.s32 @!p0 s1  }
0x65: {  	[bflag:$0x3] =	sbarrier.arrive $0xFFFF  }
0x66: {  	_ =	shalt  }

</sc_bundles>
